<compile_context>
chip_gen: v7x
topology: tpu7x:2x2x1
jax: 0.10.2.dev20260603
libtpu: 0.0.44.dev20260713+nightly
codegen_flags: <defaults>
</compile_context>

<pallas_src>
import functools

import jax
import jax.numpy as jnp
from jax import lax
from jax.experimental import pallas as pl
from jax.experimental.pallas import tpu as pltpu
from jax.experimental.pallas import tpu_sc as plsc

N = 10000
F = 128
E = 320000
LEVELS = 4

NC = 2
NS = 16
NW = NC * NS

C = 64
PER_TILE = E // NW
SB = 2000
NSB = PER_TILE // SB
SBU = 5
ACC_N = 10240
ROWS_PER_TILE = ACC_N // NS
DUMMY0 = N
XTAIL = N - 15 * ROWS_PER_TILE
ZTAIL = ACC_N - N

NB = 5
BLK = N // NB


def _transform_body(x_ref, lv_ref, w_ref, b_ref, y_ref):
    x = x_ref[...]
    lv = lv_ref[0, 0, :]
    acc = jnp.zeros_like(x)
    for l in range(LEVELS):
        m = (lv == l).astype(jnp.float32)[:, None]
        xw = lax.dot_general(x * m, w_ref[l], (((1,), (1,)), ((), ())),
                             preferred_element_type=jnp.float32)
        acc = acc + xw + m * b_ref[l][None, :]
    y_ref[...] = 0.2 * acc


def _merge_body(a_ref, o_ref):
    o_ref[...] = a_ref[0] + a_ref[1]


def _sc_body(y_hbm, ed_hbm, lv_hbm, x_hbm, zin_hbm, out_hbm,
             lv_v, sed_a, sed_b, gcomb_v,
             gidx_a, gidx_b, sidx_a, sidx_b, rows_a, rows_b, acc_sh,
             sem_init, sem_lv, sem_sa, sem_sb, sem_a, sem_b):
    c = lax.axis_index("c")
    s = lax.axis_index("s")
    wid = s * NC + c
    ebase = wid * PER_TILE

    @pl.when((c == 0) & (s < NS - 1))
    def _init0():
        pltpu.async_copy(x_hbm.at[pl.ds(s * ROWS_PER_TILE, ROWS_PER_TILE)],
                         acc_sh.at[pl.ds(s * ROWS_PER_TILE, ROWS_PER_TILE)],
                         sem_init)

    @pl.when((c == 0) & (s == NS - 1))
    def _init0t():
        pltpu.async_copy(x_hbm.at[pl.ds(15 * ROWS_PER_TILE, XTAIL)],
                         acc_sh.at[pl.ds(15 * ROWS_PER_TILE, XTAIL)],
                         sem_init)
        pltpu.async_copy(zin_hbm.at[pl.ds(0, ZTAIL)],
                         acc_sh.at[pl.ds(N, ZTAIL)], sem_init)

    @pl.when(c == 1)
    def _init1():
        pltpu.async_copy(zin_hbm,
                         acc_sh.at[pl.ds(s * ROWS_PER_TILE, ROWS_PER_TILE)],
                         sem_init)

    pltpu.async_copy(lv_hbm, lv_v, sem_lv)
    pltpu.async_copy(ed_hbm.at[pl.ds(ebase, SB)], sed_a, sem_sa)

    pltpu.make_async_copy(lv_hbm, lv_v, sem_lv).wait()

    def compact_block(sed, cnt):
        def cvec(v, cnt):
            for u in range(SBU):
                off = (v * SBU + u) * 16
                packed = sed[pl.ds(off, 16)]
                srcs = lax.shift_right_logical(packed, 16)
                dsts = packed & 0xFFFF
                ll = plsc.load_gather(lv_v, [srcs])
                hl = plsc.load_gather(lv_v, [dsts])
                valid = (ll >= 0) & (ll < LEVELS) & (hl > ll)
                plsc.store_compressed(gcomb_v.at[pl.ds(cnt, 16)], packed,
                                      mask=valid)
                cnt = cnt + plsc.all_reduce_population_count(valid)[0]
            return cnt
        return lax.fori_loop(0, SB // (16 * SBU), cvec, cnt)

    cnt = jnp.int32(0)
    for b in range(NSB):
        cur, cur_sem = (sed_a, sem_sa) if b % 2 == 0 else (sed_b, sem_sb)
        nxt, nxt_sem = (sed_b, sem_sb) if b % 2 == 0 else (sed_a, sem_sa)
        if b + 1 < NSB:
            pltpu.async_copy(ed_hbm.at[pl.ds(ebase + (b + 1) * SB, SB)],
                             nxt, nxt_sem)
        pltpu.make_async_copy(ed_hbm.at[pl.ds(0, SB)], cur, cur_sem).wait()
        cnt = compact_block(cur, cnt)

    for v in range(C // 16):
        dummy = DUMMY0 + v * 16 + lax.iota(jnp.int32, 16)
        gcomb_v[pl.ds(cnt + v * 16, 16)] = dummy

    nch = (cnt + C - 1) // C

    @pl.when((c == 0) & (s < NS - 1))
    def _init0_wait():
        pltpu.make_async_copy(
            x_hbm.at[pl.ds(s * ROWS_PER_TILE, ROWS_PER_TILE)],
            acc_sh.at[pl.ds(s * ROWS_PER_TILE, ROWS_PER_TILE)],
            sem_init).wait()

    @pl.when((c == 0) & (s == NS - 1))
    def _init0t_wait():
        pltpu.make_async_copy(x_hbm.at[pl.ds(15 * ROWS_PER_TILE, XTAIL)],
                              acc_sh.at[pl.ds(15 * ROWS_PER_TILE, XTAIL)],
                              sem_init).wait()
        pltpu.make_async_copy(zin_hbm.at[pl.ds(0, ZTAIL)],
                              acc_sh.at[pl.ds(N, ZTAIL)], sem_init).wait()

    @pl.when(c == 1)
    def _init1_wait():
        pltpu.make_async_copy(
            zin_hbm,
            acc_sh.at[pl.ds(s * ROWS_PER_TILE, ROWS_PER_TILE)],
            sem_init).wait()

    plsc.subcore_barrier()

    def fill_idx(j, gidx, sidx):
        for v in range(C // 16):
            packed = gcomb_v[pl.ds(j * C + v * 16, 16)]
            gidx[pl.ds(v * 16, 16)] = lax.shift_right_logical(packed, 16)
            sidx[pl.ds(v * 16, 16)] = packed & 0xFFFF

    def start_gather(rows, gidx, sem):
        return pltpu.async_copy(y_hbm.at[gidx], rows, sem)

    @pl.when(nch > 0)
    def _prologue():
        fill_idx(0, gidx_a, sidx_a)
        start_gather(rows_a, gidx_a, sem_a)

    def pair(p, carry):
        j0 = 2 * p
        j1 = j0 + 1

        @pl.when(j1 < nch)
        def _startb():
            fill_idx(j1, gidx_b, sidx_b)
            start_gather(rows_b, gidx_b, sem_b)

        pltpu.make_async_copy(y_hbm.at[gidx_a], rows_a, sem_a).wait()
        pltpu.sync_copy(rows_a, acc_sh.at[sidx_a], add=True)

        @pl.when(j0 + 2 < nch)
        def _starta():
            fill_idx(j0 + 2, gidx_a, sidx_a)
            start_gather(rows_a, gidx_a, sem_a)

        @pl.when(j1 < nch)
        def _drainb():
            pltpu.make_async_copy(y_hbm.at[gidx_b], rows_b, sem_b).wait()
            pltpu.sync_copy(rows_b, acc_sh.at[sidx_b], add=True)

        return carry

    lax.fori_loop(0, (nch + 1) // 2, pair, jnp.int32(0))
    plsc.subcore_barrier()

    pltpu.sync_copy(acc_sh.at[pl.ds(s * ROWS_PER_TILE, ROWS_PER_TILE)],
                    out_hbm.at[c, pl.ds(s * ROWS_PER_TILE, ROWS_PER_TILE)])


_sc_edges = functools.partial(
    pl.kernel,
    out_type=jax.ShapeDtypeStruct((NC, ACC_N, F), jnp.float32),
    mesh=plsc.VectorSubcoreMesh(core_axis_name="c", subcore_axis_name="s"),
    compiler_params=pltpu.CompilerParams(needs_layout_passes=False),
    scratch_types=[
        pltpu.VMEM((N,), jnp.int32),
        pltpu.VMEM((SB,), jnp.int32),
        pltpu.VMEM((SB,), jnp.int32),
        pltpu.VMEM((PER_TILE + C,), jnp.int32),
        pltpu.VMEM((C,), jnp.int32),
        pltpu.VMEM((C,), jnp.int32),
        pltpu.VMEM((C,), jnp.int32),
        pltpu.VMEM((C,), jnp.int32),
        pltpu.VMEM((C, F), jnp.float32),
        pltpu.VMEM((C, F), jnp.float32),
        pltpu.VMEM_SHARED((ACC_N, F), jnp.float32),
        pltpu.SemaphoreType.DMA,
        pltpu.SemaphoreType.DMA,
        pltpu.SemaphoreType.DMA,
        pltpu.SemaphoreType.DMA,
        pltpu.SemaphoreType.DMA,
        pltpu.SemaphoreType.DMA,
    ],
)(_sc_body)


def kernel(node_features, hierarchy_edges, hierarchy_levels, level_weights, level_biases):
    packed = jnp.sum(hierarchy_edges * jnp.array([1 << 16, 1], jnp.int32),
                     axis=1, dtype=jnp.int32)

    lv3 = hierarchy_levels.reshape(NB, 1, BLK)

    y = pl.pallas_call(
        _transform_body,
        grid=(NB,),
        in_specs=[
            pl.BlockSpec((BLK, F), lambda i: (i, 0)),
            pl.BlockSpec((1, 1, BLK), lambda i: (i, 0, 0)),
            pl.BlockSpec((LEVELS, F, F), lambda i: (0, 0, 0)),
            pl.BlockSpec((LEVELS, F), lambda i: (0, 0)),
        ],
        out_specs=pl.BlockSpec((BLK, F), lambda i: (i, 0)),
        out_shape=jax.ShapeDtypeStruct((N, F), jnp.float32),
    )(node_features, lv3, level_weights, level_biases)

    zin = jnp.zeros((ROWS_PER_TILE, F), jnp.float32)
    parts = _sc_edges(y, packed, hierarchy_levels, node_features, zin)

    out = pl.pallas_call(
        _merge_body,
        grid=(NB,),
        in_specs=[
            pl.BlockSpec((NC, BLK, F), lambda i: (0, i, 0)),
        ],
        out_specs=pl.BlockSpec((BLK, F), lambda i: (i, 0)),
        out_shape=jax.ShapeDtypeStruct((N, F), jnp.float32),
    )(parts)
    return out

# --- scband reference (transcript-rebuilt; emitter-appended) ---
"""Pipeline reference for scband-concept-hierarchy-module-47665547051323 (READ-ONLY COPY).

The authoritative reference and input builder live on the scoring server;
editing this copy changes nothing except your own understanding.
"""

import jax, jax.numpy as jnp
import numpy as np

N = 10000
F = 128
E = 320000
LEVELS = 4

def setup_inputs(seed: int = 0) -> dict:
    key = jax.random.key(seed)
    k1, k2, k3, k4, k5 = jax.random.split(key, 5)
    node_features = jax.random.normal(k1, (N, F), dtype=jnp.float32)
    hierarchy_edges = jax.random.randint(k2, (E, 2), 0, N, dtype=jnp.int32)
    # hierarchy_levels buffer holds small integer level assignments per node
    hierarchy_levels = jax.random.randint(k3, (N,), 0, LEVELS, dtype=jnp.int32)
    # nn.Linear default init: U(-1/sqrt(fan_in), 1/sqrt(fan_in)) for weight and bias
    scale = 1.0 / np.sqrt(F)
    level_weights = jax.random.uniform(k4, (LEVELS, F, F), minval=-scale, maxval=scale, dtype=jnp.float32)
    level_biases = jax.random.uniform(k5, (LEVELS, F), minval=-scale, maxval=scale, dtype=jnp.float32)
    return {
        "node_features": node_features,
        "hierarchy_edges": hierarchy_edges,
        "hierarchy_levels": hierarchy_levels,
        "level_weights": level_weights,
        "level_biases": level_biases,
    }

def reference(node_features, hierarchy_edges, hierarchy_levels, level_weights, level_biases):
    # Vectorized, math-faithful version of propagate_hierarchically:
    # for each edge (lower, higher):
    #   if 0 <= level[lower] < LEVELS and level[higher] > level[lower]:
    #       updated[higher] += 0.2 * (Linear_{level[lower]}(x[lower]))
    src = hierarchy_edges[:, 0]
    dst = hierarchy_edges[:, 1]
    ll = jnp.take(hierarchy_levels, src, axis=0)
    hl = jnp.take(hierarchy_levels, dst, axis=0)
    valid = (ll >= 0) & (ll < LEVELS) & (hl > ll)
    x_src = jnp.take(node_features, src, axis=0)  # gather (E, F)
    updated = node_features
    for l in range(LEVELS):
        mask = (valid & (ll == l)).astype(node_features.dtype)  # (E,)
        prop = x_src @ level_weights[l].T + level_biases[l]      # (E, F)
        contrib = 0.2 * prop * mask[:, None]
        updated = updated.at[dst].add(contrib)  # scatter-add into higher nodes
    return updated

if __name__ == "__main__":
    import jax
    _d = setup_inputs()
    print(jax.jit(kernel)(*tuple(_d.values())))

</pallas_src>

<mosaic_0001>
#map = affine_map<(d0, d1) -> (0, 0)>
#map1 = affine_map<(d0, d1) -> (0)>
#map2 = affine_map<(d0, d1) -> (0, 0, 0)>
module attributes {stable_mosaic.version = 14 : i64} {
  func.func @_sc_body(%arg0: i32, %arg1: i32, %arg2: memref<10000x128xf32, #tpu.memory_space<hbm>>, %arg3: memref<320000xi32, #tpu.memory_space<hbm>>, %arg4: memref<10000xi32, #tpu.memory_space<hbm>>, %arg5: memref<10000x128xf32, #tpu.memory_space<hbm>>, %arg6: memref<640x128xf32, #tpu.memory_space<hbm>>, %arg7: memref<2x10240x128xf32, #tpu.memory_space<hbm>>, %arg8: memref<10000xi32, #tpu.memory_space<vmem>>, %arg9: memref<2000xi32, #tpu.memory_space<vmem>>, %arg10: memref<2000xi32, #tpu.memory_space<vmem>>, %arg11: memref<10064xi32, #tpu.memory_space<vmem>>, %arg12: memref<64xi32, #tpu.memory_space<vmem>>, %arg13: memref<64xi32, #tpu.memory_space<vmem>>, %arg14: memref<64xi32, #tpu.memory_space<vmem>>, %arg15: memref<64xi32, #tpu.memory_space<vmem>>, %arg16: memref<64x128xf32, #tpu.memory_space<vmem>>, %arg17: memref<64x128xf32, #tpu.memory_space<vmem>>, %arg18: memref<10240x128xf32, #tpu.memory_space<vmem_shared>>, %arg19: memref<!tpu.dma_semaphore, #tpu.memory_space<semaphore_mem>>, %arg20: memref<!tpu.dma_semaphore, #tpu.memory_space<semaphore_mem>>, %arg21: memref<!tpu.dma_semaphore, #tpu.memory_space<semaphore_mem>>, %arg22: memref<!tpu.dma_semaphore, #tpu.memory_space<semaphore_mem>>, %arg23: memref<!tpu.dma_semaphore, #tpu.memory_space<semaphore_mem>>, %arg24: memref<!tpu.dma_semaphore, #tpu.memory_space<semaphore_mem>>) attributes {dimension_semantics = [#tpu.dimension_semantics<core_parallel>, #tpu.dimension_semantics<subcore_parallel>], iteration_bounds = array<i64: 2, 16>, scalar_prefetch = 0 : i64, scratch_operands = 17 : i64, tpu.core_type = #tpu.core_type<sc_vector_subcore>, window_params = [{transform_indices = #map}, {transform_indices = #map1}, {transform_indices = #map1}, {transform_indices = #map}, {transform_indices = #map}, {transform_indices = #map2}]} {
    %mul3A = arith.constant 2 : i32
    %mul3A_0 = arith.muli %arg1, %mul3A : i32
    %add3A = arith.addi %mul3A_0, %arg0 : i32
    %mul3A_1 = arith.constant 10000 : i32
    %mul3A_2 = arith.muli %add3A, %mul3A_1 : i32
    %eq3A = arith.constant 0 : i32
    %eq3A_3 = arith.cmpi eq, %arg0, %eq3A : i32
    %lt3A = arith.constant 15 : i32
    %lt3A_4 = arith.cmpi slt, %arg1, %lt3A : i32
    %and3A = arith.andi %eq3A_3, %lt3A_4 : i1
    %convert_element_type3A = arith.extui %and3A : i1 to i32
    %cond3A = arith.constant 0 : i32
    %cond3A_5 = arith.cmpi ne, %convert_element_type3A, %cond3A : i32
    scf.if %cond3A_5 {
      %mul3A_201 = arith.constant 640 : i32
      %mul3A_202 = arith.muli %arg1, %mul3A_201 : i32
      %mul3A_203 = arith.constant 640 : i32
      %mul3A_204 = arith.muli %arg1, %mul3A_203 : i32
      %dma_start3A_205 = arith.constant 0 : i32
      %dma_start3A_206 = tpu.memref_slice %arg18[%mul3A_204, %dma_start3A_205] : memref<10240x128xf32, #tpu.memory_space<vmem_shared>> -> memref<640x128xf32, #tpu.memory_space<vmem_shared>>
      %dma_start3A_207 = arith.constant 0 : i32
      %dma_start3A_208 = tpu.memref_slice %arg5[%mul3A_202, %dma_start3A_207] : memref<10000x128xf32, #tpu.memory_space<hbm>> -> memref<640x128xf32, #tpu.memory_space<hbm>>
      tpu.enqueue_dma source(%dma_start3A_208 : memref<640x128xf32, #tpu.memory_space<hbm>>) target(%dma_start3A_206 : memref<640x128xf32, #tpu.memory_space<vmem_shared>>) target_semaphore(%arg19 : memref<!tpu.dma_semaphore, #tpu.memory_space<semaphore_mem>>)
    } else {
    }
    %eq3A_6 = arith.constant 0 : i32
    %eq3A_7 = arith.cmpi eq, %arg0, %eq3A_6 : i32
    %eq3A_8 = arith.constant 15 : i32
    %eq3A_9 = arith.cmpi eq, %arg1, %eq3A_8 : i32
    %and3A_10 = arith.andi %eq3A_7, %eq3A_9 : i1
    %convert_element_type3A_11 = arith.extui %and3A_10 : i1 to i32
    %cond3A_12 = arith.constant 0 : i32
    %cond3A_13 = arith.cmpi ne, %convert_element_type3A_11, %cond3A_12 : i32
    scf.if %cond3A_13 {
      %dma_start3A_201 = arith.constant 9600 : i32
      %dma_start3A_202 = arith.constant 0 : i32
      %dma_start3A_203 = tpu.memref_slice %arg18[%dma_start3A_201, %dma_start3A_202] : memref<10240x128xf32, #tpu.memory_space<vmem_shared>> -> memref<400x128xf32, #tpu.memory_space<vmem_shared>>
      %dma_start3A_204 = arith.constant 9600 : i32
      %dma_start3A_205 = arith.constant 0 : i32
      %dma_start3A_206 = tpu.memref_slice %arg5[%dma_start3A_204, %dma_start3A_205] : memref<10000x128xf32, #tpu.memory_space<hbm>> -> memref<400x128xf32, #tpu.memory_space<hbm>>
      tpu.enqueue_dma source(%dma_start3A_206 : memref<400x128xf32, #tpu.memory_space<hbm>>) target(%dma_start3A_203 : memref<400x128xf32, #tpu.memory_space<vmem_shared>>) target_semaphore(%arg19 : memref<!tpu.dma_semaphore, #tpu.memory_space<semaphore_mem>>)
      %dma_start3A_207 = arith.constant 10000 : i32
      %dma_start3A_208 = arith.constant 0 : i32
      %dma_start3A_209 = tpu.memref_slice %arg18[%dma_start3A_207, %dma_start3A_208] : memref<10240x128xf32, #tpu.memory_space<vmem_shared>> -> memref<240x128xf32, #tpu.memory_space<vmem_shared>>
      %dma_start3A_210 = arith.constant 0 : i32
      %dma_start3A_211 = arith.constant 0 : i32
      %dma_start3A_212 = tpu.memref_slice %arg6[%dma_start3A_210, %dma_start3A_211] : memref<640x128xf32, #tpu.memory_space<hbm>> -> memref<240x128xf32, #tpu.memory_space<hbm>>
      tpu.enqueue_dma source(%dma_start3A_212 : memref<240x128xf32, #tpu.memory_space<hbm>>) target(%dma_start3A_209 : memref<240x128xf32, #tpu.memory_space<vmem_shared>>) target_semaphore(%arg19 : memref<!tpu.dma_semaphore, #tpu.memory_space<semaphore_mem>>)
    } else {
    }
    %eq3A_14 = arith.constant 1 : i32
    %eq3A_15 = arith.cmpi eq, %arg0, %eq3A_14 : i32
    %convert_element_type3A_16 = arith.extui %eq3A_15 : i1 to i32
    %cond3A_17 = arith.constant 0 : i32
    %cond3A_18 = arith.cmpi ne, %convert_element_type3A_16, %cond3A_17 : i32
    scf.if %cond3A_18 {
      %mul3A_201 = arith.constant 640 : i32
      %mul3A_202 = arith.muli %arg1, %mul3A_201 : i32
      %dma_start3A_203 = arith.constant 0 : i32
      %dma_start3A_204 = tpu.memref_slice %arg18[%mul3A_202, %dma_start3A_203] : memref<10240x128xf32, #tpu.memory_space<vmem_shared>> -> memref<640x128xf32, #tpu.memory_space<vmem_shared>>
      tpu.enqueue_dma source(%arg6 : memref<640x128xf32, #tpu.memory_space<hbm>>) target(%dma_start3A_204 : memref<640x128xf32, #tpu.memory_space<vmem_shared>>) target_semaphore(%arg19 : memref<!tpu.dma_semaphore, #tpu.memory_space<semaphore_mem>>)
    } else {
    }
    tpu.enqueue_dma source(%arg4 : memref<10000xi32, #tpu.memory_space<hbm>>) target(%arg8 : memref<10000xi32, #tpu.memory_space<vmem>>) target_semaphore(%arg20 : memref<!tpu.dma_semaphore, #tpu.memory_space<semaphore_mem>>)
    %dma_start3A = tpu.memref_slice %arg3[%mul3A_2] : memref<320000xi32, #tpu.memory_space<hbm>> -> memref<2000xi32, #tpu.memory_space<hbm>>
    %dma_start3A_19 = tpu.memref_slice %arg3[%mul3A_2] : memref<320000xi32, #tpu.memory_space<hbm>> -> memref<2000xi32, #tpu.memory_space<hbm>>
    tpu.enqueue_dma source(%dma_start3A_19 : memref<2000xi32, #tpu.memory_space<hbm>>) target(%arg9 : memref<2000xi32, #tpu.memory_space<vmem>>) target_semaphore(%arg21 : memref<!tpu.dma_semaphore, #tpu.memory_space<semaphore_mem>>)
    tpu.wait_dma2 semaphore(%arg20 : memref<!tpu.dma_semaphore, #tpu.memory_space<semaphore_mem>>) src(%arg4 : memref<10000xi32, #tpu.memory_space<hbm>>) dst(%arg8 : memref<10000xi32, #tpu.memory_space<vmem>>)
    %add3A_20 = arith.constant 2000 : i32
    %add3A_21 = arith.addi %mul3A_2, %add3A_20 : i32
    %dma_start3A_22 = tpu.memref_slice %arg3[%add3A_21] : memref<320000xi32, #tpu.memory_space<hbm>> -> memref<2000xi32, #tpu.memory_space<hbm>>
    %dma_start3A_23 = tpu.memref_slice %arg3[%add3A_21] : memref<320000xi32, #tpu.memory_space<hbm>> -> memref<2000xi32, #tpu.memory_space<hbm>>
    tpu.enqueue_dma source(%dma_start3A_23 : memref<2000xi32, #tpu.memory_space<hbm>>) target(%arg10 : memref<2000xi32, #tpu.memory_space<vmem>>) target_semaphore(%arg22 : memref<!tpu.dma_semaphore, #tpu.memory_space<semaphore_mem>>)
    %dma_wait3A = arith.constant 0 : i32
    %dma_wait3A_24 = tpu.memref_slice %arg3[%dma_wait3A] : memref<320000xi32, #tpu.memory_space<hbm>> -> memref<2000xi32, #tpu.memory_space<hbm>>
    %dma_wait3A_25 = arith.constant 0 : i32
    %dma_wait3A_26 = tpu.memref_slice %arg3[%dma_wait3A_25] : memref<320000xi32, #tpu.memory_space<hbm>> -> memref<2000xi32, #tpu.memory_space<hbm>>
    tpu.wait_dma2 semaphore(%arg21 : memref<!tpu.dma_semaphore, #tpu.memory_space<semaphore_mem>>) src(%dma_wait3A_26 : memref<2000xi32, #tpu.memory_space<hbm>>) dst(%arg9 : memref<2000xi32, #tpu.memory_space<vmem>>)
    %scan3A = arith.constant 0 : i32
    %scan3A_27 = arith.constant 0 : i32
    %scan3A_28 = arith.constant 25 : i32
    %scan3A_29 = arith.addi %scan3A_27, %scan3A_28 : i32
    %scan3A_30 = arith.constant 1 : i32
    %scan3A_31 = scf.for %scan3A_201 = %scan3A_27 to %scan3A_29 step %scan3A_30 iter_args(%scan3A_202 = %scan3A) -> (i32)  : i32 {
      %mul3A_203 = arith.constant 5 : i32
      %mul3A_204 = arith.muli %scan3A_201, %mul3A_203 : i32
      %add3A_205 = arith.constant 0 : i32
      %add3A_206 = arith.addi %mul3A_204, %add3A_205 : i32
      %mul3A_207 = arith.constant 16 : i32
      %mul3A_208 = arith.muli %add3A_206, %mul3A_207 : i32
      %get3A = arith.index_cast %mul3A_208 : i32 to index
      %get3A_209 = tpu.vector_load %arg9[%get3A] {strides = array<i32>} : memref<2000xi32, #tpu.memory_space<vmem>>, vector<16xi32>,
      %shift_right_logical3A = arith.constant 16 : i32
      %shift_right_logical3A_210 = vector.broadcast %shift_right_logical3A : i32 to vector<16xi32>
      %shift_right_logical3A_211 = arith.shrui %get3A_209, %shift_right_logical3A_210 : vector<16xi32>
      %and3A_212 = arith.constant 65535 : i32
      %and3A_213 = vector.broadcast %and3A_212 : i32 to vector<16xi32>
      %and3A_214 = arith.andi %get3A_209, %and3A_213 : vector<16xi32>
      %gather3A = tpu.vector_load_idx %arg8[%shift_right_logical3A_211] : memref<10000xi32, #tpu.memory_space<vmem>>[vector<16xi32>], vector<16xi32>,
      %gather3A_215 = tpu.vector_load_idx %arg8[%and3A_214] : memref<10000xi32, #tpu.memory_space<vmem>>[vector<16xi32>], vector<16xi32>,
      %ge3A = arith.constant 0 : i32
      %ge3A_216 = vector.broadcast %ge3A : i32 to vector<16xi32>
      %ge3A_217 = arith.cmpi sge, %gather3A, %ge3A_216 : vector<16xi32>
      %lt3A_218 = arith.constant 4 : i32
      %lt3A_219 = vector.broadcast %lt3A_218 : i32 to vector<16xi32>
      %lt3A_220 = arith.cmpi slt, %gather3A, %lt3A_219 : vector<16xi32>
      %and3A_221 = arith.andi %ge3A_217, %lt3A_220 : vector<16xi1>
      %gt3A_222 = arith.cmpi sgt, %gather3A_215, %gather3A : vector<16xi32>
      %and3A_223 = arith.andi %and3A_221, %gt3A_222 : vector<16xi1>
      %swap3A_224 = arith.index_cast %scan3A_202 : i32 to index
      %swap3A_225 = tpu.vector_load %arg11[%swap3A_224] masked %and3A_223 {strides = array<i32>} : memref<10064xi32, #tpu.memory_space<vmem>>, vector<16xi32>, vector<16xi1>
      tpu.vector_store %arg11[%swap3A_224], %get3A_209 masked %and3A_223 {strides = array<i32>} : memref<10064xi32, #tpu.memory_space<vmem>>, vector<16xi32>, vector<16xi1>
      %all_reduce_population_count3A = tpu.all_reduce %and3A_223 {dim = 0 : i64, kind = #tpu.reduction_kind<sum>} : vector<16xi1> -> vector<16xi32>
      %slice3A = vector.extract_strided_slice %all_reduce_population_count3A {offsets = [0], sizes = [1], strides = [1]} : vector<16xi32> to vector<1xi32>
      %squeeze3A = vector.extract %slice3A[0] : i32 from vector<1xi32>
      %add3A_226 = arith.addi %scan3A_202, %squeeze3A : i32
      %mul3A_227 = arith.constant 5 : i32
      %mul3A_228 = arith.muli %scan3A_201, %mul3A_227 : i32
      %add3A_229 = arith.constant 1 : i32
      %add3A_230 = arith.addi %mul3A_228, %add3A_229 : i32
      %mul3A_231 = arith.constant 16 : i32
      %mul3A_232 = arith.muli %add3A_230, %mul3A_231 : i32
      %get3A_233 = arith.index_cast %mul3A_232 : i32 to index
      %get3A_234 = tpu.vector_load %arg9[%get3A_233] {strides = array<i32>} : memref<2000xi32, #tpu.memory_space<vmem>>, vector<16xi32>,
      %shift_right_logical3A_235 = arith.constant 16 : i32
      %shift_right_logical3A_236 = vector.broadcast %shift_right_logical3A_235 : i32 to vector<16xi32>
      %shift_right_logical3A_237 = arith.shrui %get3A_234, %shift_right_logical3A_236 : vector<16xi32>
      %and3A_238 = arith.constant 65535 : i32
      %and3A_239 = vector.broadcast %and3A_238 : i32 to vector<16xi32>
      %and3A_240 = arith.andi %get3A_234, %and3A_239 : vector<16xi32>
      %gather3A_241 = tpu.vector_load_idx %arg8[%shift_right_logical3A_237] : memref<10000xi32, #tpu.memory_space<vmem>>[vector<16xi32>], vector<16xi32>,
      %gather3A_242 = tpu.vector_load_idx %arg8[%and3A_240] : memref<10000xi32, #tpu.memory_space<vmem>>[vector<16xi32>], vector<16xi32>,
      %ge3A_243 = arith.constant 0 : i32
      %ge3A_244 = vector.broadcast %ge3A_243 : i32 to vector<16xi32>
      %ge3A_245 = arith.cmpi sge, %gather3A_241, %ge3A_244 : vector<16xi32>
      %lt3A_246 = arith.constant 4 : i32
      %lt3A_247 = vector.broadcast %lt3A_246 : i32 to vector<16xi32>
      %lt3A_248 = arith.cmpi slt, %gather3A_241, %lt3A_247 : vector<16xi32>
      %and3A_249 = arith.andi %ge3A_245, %lt3A_248 : vector<16xi1>
      %gt3A_250 = arith.cmpi sgt, %gather3A_242, %gather3A_241 : vector<16xi32>
      %and3A_251 = arith.andi %and3A_249, %gt3A_250 : vector<16xi1>
      %swap3A_252 = arith.index_cast %add3A_226 : i32 to index
      %swap3A_253 = tpu.vector_load %arg11[%swap3A_252] masked %and3A_251 {strides = array<i32>} : memref<10064xi32, #tpu.memory_space<vmem>>, vector<16xi32>, vector<16xi1>
      tpu.vector_store %arg11[%swap3A_252], %get3A_234 masked %and3A_251 {strides = array<i32>} : memref<10064xi32, #tpu.memory_space<vmem>>, vector<16xi32>, vector<16xi1>
      %all_reduce_population_count3A_254 = tpu.all_reduce %and3A_251 {dim = 0 : i64, kind = #tpu.reduction_kind<sum>} : vector<16xi1> -> vector<16xi32>
      %slice3A_255 = vector.extract_strided_slice %all_reduce_population_count3A_254 {offsets = [0], sizes = [1], strides = [1]} : vector<16xi32> to vector<1xi32>
      %squeeze3A_256 = vector.extract %slice3A_255[0] : i32 from vector<1xi32>
      %add3A_257 = arith.addi %add3A_226, %squeeze3A_256 : i32
      %mul3A_258 = arith.constant 5 : i32
      %mul3A_259 = arith.muli %scan3A_201, %mul3A_258 : i32
      %add3A_260 = arith.constant 2 : i32
      %add3A_261 = arith.addi %mul3A_259, %add3A_260 : i32
      %mul3A_262 = arith.constant 16 : i32
      %mul3A_263 = arith.muli %add3A_261, %mul3A_262 : i32
      %get3A_264 = arith.index_cast %mul3A_263 : i32 to index
      %get3A_265 = tpu.vector_load %arg9[%get3A_264] {strides = array<i32>} : memref<2000xi32, #tpu.memory_space<vmem>>, vector<16xi32>,
      %shift_right_logical3A_266 = arith.constant 16 : i32
      %shift_right_logical3A_267 = vector.broadcast %shift_right_logical3A_266 : i32 to vector<16xi32>
      %shift_right_logical3A_268 = arith.shrui %get3A_265, %shift_right_logical3A_267 : vector<16xi32>
      %and3A_269 = arith.constant 65535 : i32
      %and3A_270 = vector.broadcast %and3A_269 : i32 to vector<16xi32>
      %and3A_271 = arith.andi %get3A_265, %and3A_270 : vector<16xi32>
      %gather3A_272 = tpu.vector_load_idx %arg8[%shift_right_logical3A_268] : memref<10000xi32, #tpu.memory_space<vmem>>[vector<16xi32>], vector<16xi32>,
      %gather3A_273 = tpu.vector_load_idx %arg8[%and3A_271] : memref<10000xi32, #tpu.memory_space<vmem>>[vector<16xi32>], vector<16xi32>,
      %ge3A_274 = arith.constant 0 : i32
      %ge3A_275 = vector.broadcast %ge3A_274 : i32 to vector<16xi32>
      %ge3A_276 = arith.cmpi sge, %gather3A_272, %ge3A_275 : vector<16xi32>
      %lt3A_277 = arith.constant 4 : i32
      %lt3A_278 = vector.broadcast %lt3A_277 : i32 to vector<16xi32>
      %lt3A_279 = arith.cmpi slt, %gather3A_272, %lt3A_278 : vector<16xi32>
      %and3A_280 = arith.andi %ge3A_276, %lt3A_279 : vector<16xi1>
      %gt3A_281 = arith.cmpi sgt, %gather3A_273, %gather3A_272 : vector<16xi32>
      %and3A_282 = arith.andi %and3A_280, %gt3A_281 : vector<16xi1>
      %swap3A_283 = arith.index_cast %add3A_257 : i32 to index
      %swap3A_284 = tpu.vector_load %arg11[%swap3A_283] masked %and3A_282 {strides = array<i32>} : memref<10064xi32, #tpu.memory_space<vmem>>, vector<16xi32>, vector<16xi1>
      tpu.vector_store %arg11[%swap3A_283], %get3A_265 masked %and3A_282 {strides = array<i32>} : memref<10064xi32, #tpu.memory_space<vmem>>, vector<16xi32>, vector<16xi1>
      %all_reduce_population_count3A_285 = tpu.all_reduce %and3A_282 {dim = 0 : i64, kind = #tpu.reduction_kind<sum>} : vector<16xi1> -> vector<16xi32>
      %slice3A_286 = vector.extract_strided_slice %all_reduce_population_count3A_285 {offsets = [0], sizes = [1], strides = [1]} : vector<16xi32> to vector<1xi32>
      %squeeze3A_287 = vector.extract %slice3A_286[0] : i32 from vector<1xi32>
      %add3A_288 = arith.addi %add3A_257, %squeeze3A_287 : i32
      %mul3A_289 = arith.constant 5 : i32
      %mul3A_290 = arith.muli %scan3A_201, %mul3A_289 : i32
      %add3A_291 = arith.constant 3 : i32
      %add3A_292 = arith.addi %mul3A_290, %add3A_291 : i32
      %mul3A_293 = arith.constant 16 : i32
      %mul3A_294 = arith.muli %add3A_292, %mul3A_293 : i32
      %get3A_295 = arith.index_cast %mul3A_294 : i32 to index
      %get3A_296 = tpu.vector_load %arg9[%get3A_295] {strides = array<i32>} : memref<2000xi32, #tpu.memory_space<vmem>>, vector<16xi32>,
      %shift_right_logical3A_297 = arith.constant 16 : i32
      %shift_right_logical3A_298 = vector.broadcast %shift_right_logical3A_297 : i32 to vector<16xi32>
      %shift_right_logical3A_299 = arith.shrui %get3A_296, %shift_right_logical3A_298 : vector<16xi32>
      %and3A_300 = arith.constant 65535 : i32
      %and3A_301 = vector.broadcast %and3A_300 : i32 to vector<16xi32>
      %and3A_302 = arith.andi %get3A_296, %and3A_301 : vector<16xi32>
      %gather3A_303 = tpu.vector_load_idx %arg8[%shift_right_logical3A_299] : memref<10000xi32, #tpu.memory_space<vmem>>[vector<16xi32>], vector<16xi32>,
      %gather3A_304 = tpu.vector_load_idx %arg8[%and3A_302] : memref<10000xi32, #tpu.memory_space<vmem>>[vector<16xi32>], vector<16xi32>,
      %ge3A_305 = arith.constant 0 : i32
      %ge3A_306 = vector.broadcast %ge3A_305 : i32 to vector<16xi32>
      %ge3A_307 = arith.cmpi sge, %gather3A_303, %ge3A_306 : vector<16xi32>
      %lt3A_308 = arith.constant 4 : i32
      %lt3A_309 = vector.broadcast %lt3A_308 : i32 to vector<16xi32>
      %lt3A_310 = arith.cmpi slt, %gather3A_303, %lt3A_309 : vector<16xi32>
      %and3A_311 = arith.andi %ge3A_307, %lt3A_310 : vector<16xi1>
      %gt3A_312 = arith.cmpi sgt, %gather3A_304, %gather3A_303 : vector<16xi32>
      %and3A_313 = arith.andi %and3A_311, %gt3A_312 : vector<16xi1>
      %swap3A_314 = arith.index_cast %add3A_288 : i32 to index
      %swap3A_315 = tpu.vector_load %arg11[%swap3A_314] masked %and3A_313 {strides = array<i32>} : memref<10064xi32, #tpu.memory_space<vmem>>, vector<16xi32>, vector<16xi1>
      tpu.vector_store %arg11[%swap3A_314], %get3A_296 masked %and3A_313 {strides = array<i32>} : memref<10064xi32, #tpu.memory_space<vmem>>, vector<16xi32>, vector<16xi1>
      %all_reduce_population_count3A_316 = tpu.all_reduce %and3A_313 {dim = 0 : i64, kind = #tpu.reduction_kind<sum>} : vector<16xi1> -> vector<16xi32>
      %slice3A_317 = vector.extract_strided_slice %all_reduce_population_count3A_316 {offsets = [0], sizes = [1], strides = [1]} : vector<16xi32> to vector<1xi32>
      %squeeze3A_318 = vector.extract %slice3A_317[0] : i32 from vector<1xi32>
      %add3A_319 = arith.addi %add3A_288, %squeeze3A_318 : i32
      %mul3A_320 = arith.constant 5 : i32
      %mul3A_321 = arith.muli %scan3A_201, %mul3A_320 : i32
      %add3A_322 = arith.constant 4 : i32
      %add3A_323 = arith.addi %mul3A_321, %add3A_322 : i32
      %mul3A_324 = arith.constant 16 : i32
      %mul3A_325 = arith.muli %add3A_323, %mul3A_324 : i32
      %get3A_326 = arith.index_cast %mul3A_325 : i32 to index
      %get3A_327 = tpu.vector_load %arg9[%get3A_326] {strides = array<i32>} : memref<2000xi32, #tpu.memory_space<vmem>>, vector<16xi32>,
      %shift_right_logical3A_328 = arith.constant 16 : i32
      %shift_right_logical3A_329 = vector.broadcast %shift_right_logical3A_328 : i32 to vector<16xi32>
      %shift_right_logical3A_330 = arith.shrui %get3A_327, %shift_right_logical3A_329 : vector<16xi32>
      %and3A_331 = arith.constant 65535 : i32
      %and3A_332 = vector.broadcast %and3A_331 : i32 to vector<16xi32>
      %and3A_333 = arith.andi %get3A_327, %and3A_332 : vector<16xi32>
      %gather3A_334 = tpu.vector_load_idx %arg8[%shift_right_logical3A_330] : memref<10000xi32, #tpu.memory_space<vmem>>[vector<16xi32>], vector<16xi32>,
      %gather3A_335 = tpu.vector_load_idx %arg8[%and3A_333] : memref<10000xi32, #tpu.memory_space<vmem>>[vector<16xi32>], vector<16xi32>,
      %ge3A_336 = arith.constant 0 : i32
      %ge3A_337 = vector.broadcast %ge3A_336 : i32 to vector<16xi32>
      %ge3A_338 = arith.cmpi sge, %gather3A_334, %ge3A_337 : vector<16xi32>
      %lt3A_339 = arith.constant 4 : i32
      %lt3A_340 = vector.broadcast %lt3A_339 : i32 to vector<16xi32>
      %lt3A_341 = arith.cmpi slt, %gather3A_334, %lt3A_340 : vector<16xi32>
      %and3A_342 = arith.andi %ge3A_338, %lt3A_341 : vector<16xi1>
      %gt3A_343 = arith.cmpi sgt, %gather3A_335, %gather3A_334 : vector<16xi32>
      %and3A_344 = arith.andi %and3A_342, %gt3A_343 : vector<16xi1>
      %swap3A_345 = arith.index_cast %add3A_319 : i32 to index
      %swap3A_346 = tpu.vector_load %arg11[%swap3A_345] masked %and3A_344 {strides = array<i32>} : memref<10064xi32, #tpu.memory_space<vmem>>, vector<16xi32>, vector<16xi1>
      tpu.vector_store %arg11[%swap3A_345], %get3A_327 masked %and3A_344 {strides = array<i32>} : memref<10064xi32, #tpu.memory_space<vmem>>, vector<16xi32>, vector<16xi1>
      %all_reduce_population_count3A_347 = tpu.all_reduce %and3A_344 {dim = 0 : i64, kind = #tpu.reduction_kind<sum>} : vector<16xi1> -> vector<16xi32>
      %slice3A_348 = vector.extract_strided_slice %all_reduce_population_count3A_347 {offsets = [0], sizes = [1], strides = [1]} : vector<16xi32> to vector<1xi32>
      %squeeze3A_349 = vector.extract %slice3A_348[0] : i32 from vector<1xi32>
      %add3A_350 = arith.addi %add3A_319, %squeeze3A_349 : i32
      scf.yield %add3A_350 : i32
    }
    %scan3A_32 = arith.constant 25 : i32
    %add3A_33 = arith.constant 4000 : i32
    %add3A_34 = arith.addi %mul3A_2, %add3A_33 : i32
    %dma_start3A_35 = tpu.memref_slice %arg3[%add3A_34] : memref<320000xi32, #tpu.memory_space<hbm>> -> memref<2000xi32, #tpu.memory_space<hbm>>
    %dma_start3A_36 = tpu.memref_slice %arg3[%add3A_34] : memref<320000xi32, #tpu.memory_space<hbm>> -> memref<2000xi32, #tpu.memory_space<hbm>>
    tpu.enqueue_dma source(%dma_start3A_36 : memref<2000xi32, #tpu.memory_space<hbm>>) target(%arg9 : memref<2000xi32, #tpu.memory_space<vmem>>) target_semaphore(%arg21 : memref<!tpu.dma_semaphore, #tpu.memory_space<semaphore_mem>>)
    %dma_wait3A_37 = arith.constant 0 : i32
    %dma_wait3A_38 = tpu.memref_slice %arg3[%dma_wait3A_37] : memref<320000xi32, #tpu.memory_space<hbm>> -> memref<2000xi32, #tpu.memory_space<hbm>>
    %dma_wait3A_39 = arith.constant 0 : i32
    %dma_wait3A_40 = tpu.memref_slice %arg3[%dma_wait3A_39] : memref<320000xi32, #tpu.memory_space<hbm>> -> memref<2000xi32, #tpu.memory_space<hbm>>
    tpu.wait_dma2 semaphore(%arg22 : memref<!tpu.dma_semaphore, #tpu.memory_space<semaphore_mem>>) src(%dma_wait3A_40 : memref<2000xi32, #tpu.memory_space<hbm>>) dst(%arg10 : memref<2000xi32, #tpu.memory_space<vmem>>)
    %scan3A_41 = arith.constant 0 : i32
    %scan3A_42 = arith.constant 25 : i32
    %scan3A_43 = arith.addi %scan3A_41, %scan3A_42 : i32
    %scan3A_44 = arith.constant 1 : i32
    %scan3A_45 = scf.for %scan3A_201 = %scan3A_41 to %scan3A_43 step %scan3A_44 iter_args(%scan3A_202 = %scan3A_31) -> (i32)  : i32 {
      %mul3A_203 = arith.constant 5 : i32
      %mul3A_204 = arith.muli %scan3A_201, %mul3A_203 : i32
      %add3A_205 = arith.constant 0 : i32
      %add3A_206 = arith.addi %mul3A_204, %add3A_205 : i32
      %mul3A_207 = arith.constant 16 : i32
      %mul3A_208 = arith.muli %add3A_206, %mul3A_207 : i32
      %get3A = arith.index_cast %mul3A_208 : i32 to index
      %get3A_209 = tpu.vector_load %arg10[%get3A] {strides = array<i32>} : memref<2000xi32, #tpu.memory_space<vmem>>, vector<16xi32>,
      %shift_right_logical3A = arith.constant 16 : i32
      %shift_right_logical3A_210 = vector.broadcast %shift_right_logical3A : i32 to vector<16xi32>
      %shift_right_logical3A_211 = arith.shrui %get3A_209, %shift_right_logical3A_210 : vector<16xi32>
      %and3A_212 = arith.constant 65535 : i32
      %and3A_213 = vector.broadcast %and3A_212 : i32 to vector<16xi32>
      %and3A_214 = arith.andi %get3A_209, %and3A_213 : vector<16xi32>
      %gather3A = tpu.vector_load_idx %arg8[%shift_right_logical3A_211] : memref<10000xi32, #tpu.memory_space<vmem>>[vector<16xi32>], vector<16xi32>,
      %gather3A_215 = tpu.vector_load_idx %arg8[%and3A_214] : memref<10000xi32, #tpu.memory_space<vmem>>[vector<16xi32>], vector<16xi32>,
      %ge3A = arith.constant 0 : i32
      %ge3A_216 = vector.broadcast %ge3A : i32 to vector<16xi32>
      %ge3A_217 = arith.cmpi sge, %gather3A, %ge3A_216 : vector<16xi32>
      %lt3A_218 = arith.constant 4 : i32
      %lt3A_219 = vector.broadcast %lt3A_218 : i32 to vector<16xi32>
      %lt3A_220 = arith.cmpi slt, %gather3A, %lt3A_219 : vector<16xi32>
      %and3A_221 = arith.andi %ge3A_217, %lt3A_220 : vector<16xi1>
      %gt3A_222 = arith.cmpi sgt, %gather3A_215, %gather3A : vector<16xi32>
      %and3A_223 = arith.andi %and3A_221, %gt3A_222 : vector<16xi1>
      %swap3A_224 = arith.index_cast %scan3A_202 : i32 to index
      %swap3A_225 = tpu.vector_load %arg11[%swap3A_224] masked %and3A_223 {strides = array<i32>} : memref<10064xi32, #tpu.memory_space<vmem>>, vector<16xi32>, vector<16xi1>
      tpu.vector_store %arg11[%swap3A_224], %get3A_209 masked %and3A_223 {strides = array<i32>} : memref<10064xi32, #tpu.memory_space<vmem>>, vector<16xi32>, vector<16xi1>
      %all_reduce_population_count3A = tpu.all_reduce %and3A_223 {dim = 0 : i64, kind = #tpu.reduction_kind<sum>} : vector<16xi1> -> vector<16xi32>
      %slice3A = vector.extract_strided_slice %all_reduce_population_count3A {offsets = [0], sizes = [1], strides = [1]} : vector<16xi32> to vector<1xi32>
      %squeeze3A = vector.extract %slice3A[0] : i32 from vector<1xi32>
      %add3A_226 = arith.addi %scan3A_202, %squeeze3A : i32
      %mul3A_227 = arith.constant 5 : i32
      %mul3A_228 = arith.muli %scan3A_201, %mul3A_227 : i32
      %add3A_229 = arith.constant 1 : i32
      %add3A_230 = arith.addi %mul3A_228, %add3A_229 : i32
      %mul3A_231 = arith.constant 16 : i32
      %mul3A_232 = arith.muli %add3A_230, %mul3A_231 : i32
      %get3A_233 = arith.index_cast %mul3A_232 : i32 to index
      %get3A_234 = tpu.vector_load %arg10[%get3A_233] {strides = array<i32>} : memref<2000xi32, #tpu.memory_space<vmem>>, vector<16xi32>,
      %shift_right_logical3A_235 = arith.constant 16 : i32
      %shift_right_logical3A_236 = vector.broadcast %shift_right_logical3A_235 : i32 to vector<16xi32>
      %shift_right_logical3A_237 = arith.shrui %get3A_234, %shift_right_logical3A_236 : vector<16xi32>
      %and3A_238 = arith.constant 65535 : i32
      %and3A_239 = vector.broadcast %and3A_238 : i32 to vector<16xi32>
      %and3A_240 = arith.andi %get3A_234, %and3A_239 : vector<16xi32>
      %gather3A_241 = tpu.vector_load_idx %arg8[%shift_right_logical3A_237] : memref<10000xi32, #tpu.memory_space<vmem>>[vector<16xi32>], vector<16xi32>,
      %gather3A_242 = tpu.vector_load_idx %arg8[%and3A_240] : memref<10000xi32, #tpu.memory_space<vmem>>[vector<16xi32>], vector<16xi32>,
      %ge3A_243 = arith.constant 0 : i32
      %ge3A_244 = vector.broadcast %ge3A_243 : i32 to vector<16xi32>
      %ge3A_245 = arith.cmpi sge, %gather3A_241, %ge3A_244 : vector<16xi32>
      %lt3A_246 = arith.constant 4 : i32
      %lt3A_247 = vector.broadcast %lt3A_246 : i32 to vector<16xi32>
      %lt3A_248 = arith.cmpi slt, %gather3A_241, %lt3A_247 : vector<16xi32>
      %and3A_249 = arith.andi %ge3A_245, %lt3A_248 : vector<16xi1>
      %gt3A_250 = arith.cmpi sgt, %gather3A_242, %gather3A_241 : vector<16xi32>
      %and3A_251 = arith.andi %and3A_249, %gt3A_250 : vector<16xi1>
      %swap3A_252 = arith.index_cast %add3A_226 : i32 to index
      %swap3A_253 = tpu.vector_load %arg11[%swap3A_252] masked %and3A_251 {strides = array<i32>} : memref<10064xi32, #tpu.memory_space<vmem>>, vector<16xi32>, vector<16xi1>
      tpu.vector_store %arg11[%swap3A_252], %get3A_234 masked %and3A_251 {strides = array<i32>} : memref<10064xi32, #tpu.memory_space<vmem>>, vector<16xi32>, vector<16xi1>
      %all_reduce_population_count3A_254 = tpu.all_reduce %and3A_251 {dim = 0 : i64, kind = #tpu.reduction_kind<sum>} : vector<16xi1> -> vector<16xi32>
      %slice3A_255 = vector.extract_strided_slice %all_reduce_population_count3A_254 {offsets = [0], sizes = [1], strides = [1]} : vector<16xi32> to vector<1xi32>
      %squeeze3A_256 = vector.extract %slice3A_255[0] : i32 from vector<1xi32>
      %add3A_257 = arith.addi %add3A_226, %squeeze3A_256 : i32
      %mul3A_258 = arith.constant 5 : i32
      %mul3A_259 = arith.muli %scan3A_201, %mul3A_258 : i32
      %add3A_260 = arith.constant 2 : i32
      %add3A_261 = arith.addi %mul3A_259, %add3A_260 : i32
      %mul3A_262 = arith.constant 16 : i32
      %mul3A_263 = arith.muli %add3A_261, %mul3A_262 : i32
      %get3A_264 = arith.index_cast %mul3A_263 : i32 to index
      %get3A_265 = tpu.vector_load %arg10[%get3A_264] {strides = array<i32>} : memref<2000xi32, #tpu.memory_space<vmem>>, vector<16xi32>,
      %shift_right_logical3A_266 = arith.constant 16 : i32
      %shift_right_logical3A_267 = vector.broadcast %shift_right_logical3A_266 : i32 to vector<16xi32>
      %shift_right_logical3A_268 = arith.shrui %get3A_265, %shift_right_logical3A_267 : vector<16xi32>
      %and3A_269 = arith.constant 65535 : i32
      %and3A_270 = vector.broadcast %and3A_269 : i32 to vector<16xi32>
      %and3A_271 = arith.andi %get3A_265, %and3A_270 : vector<16xi32>
      %gather3A_272 = tpu.vector_load_idx %arg8[%shift_right_logical3A_268] : memref<10000xi32, #tpu.memory_space<vmem>>[vector<16xi32>], vector<16xi32>,
      %gather3A_273 = tpu.vector_load_idx %arg8[%and3A_271] : memref<10000xi32, #tpu.memory_space<vmem>>[vector<16xi32>], vector<16xi32>,
      %ge3A_274 = arith.constant 0 : i32
      %ge3A_275 = vector.broadcast %ge3A_274 : i32 to vector<16xi32>
      %ge3A_276 = arith.cmpi sge, %gather3A_272, %ge3A_275 : vector<16xi32>
      %lt3A_277 = arith.constant 4 : i32
      %lt3A_278 = vector.broadcast %lt3A_277 : i32 to vector<16xi32>
      %lt3A_279 = arith.cmpi slt, %gather3A_272, %lt3A_278 : vector<16xi32>
      %and3A_280 = arith.andi %ge3A_276, %lt3A_279 : vector<16xi1>
      %gt3A_281 = arith.cmpi sgt, %gather3A_273, %gather3A_272 : vector<16xi32>
      %and3A_282 = arith.andi %and3A_280, %gt3A_281 : vector<16xi1>
      %swap3A_283 = arith.index_cast %add3A_257 : i32 to index
      %swap3A_284 = tpu.vector_load %arg11[%swap3A_283] masked %and3A_282 {strides = array<i32>} : memref<10064xi32, #tpu.memory_space<vmem>>, vector<16xi32>, vector<16xi1>
      tpu.vector_store %arg11[%swap3A_283], %get3A_265 masked %and3A_282 {strides = array<i32>} : memref<10064xi32, #tpu.memory_space<vmem>>, vector<16xi32>, vector<16xi1>
      %all_reduce_population_count3A_285 = tpu.all_reduce %and3A_282 {dim = 0 : i64, kind = #tpu.reduction_kind<sum>} : vector<16xi1> -> vector<16xi32>
      %slice3A_286 = vector.extract_strided_slice %all_reduce_population_count3A_285 {offsets = [0], sizes = [1], strides = [1]} : vector<16xi32> to vector<1xi32>
      %squeeze3A_287 = vector.extract %slice3A_286[0] : i32 from vector<1xi32>
      %add3A_288 = arith.addi %add3A_257, %squeeze3A_287 : i32
      %mul3A_289 = arith.constant 5 : i32
      %mul3A_290 = arith.muli %scan3A_201, %mul3A_289 : i32
      %add3A_291 = arith.constant 3 : i32
      %add3A_292 = arith.addi %mul3A_290, %add3A_291 : i32
      %mul3A_293 = arith.constant 16 : i32
      %mul3A_294 = arith.muli %add3A_292, %mul3A_293 : i32
      %get3A_295 = arith.index_cast %mul3A_294 : i32 to index
      %get3A_296 = tpu.vector_load %arg10[%get3A_295] {strides = array<i32>} : memref<2000xi32, #tpu.memory_space<vmem>>, vector<16xi32>,
      %shift_right_logical3A_297 = arith.constant 16 : i32
      %shift_right_logical3A_298 = vector.broadcast %shift_right_logical3A_297 : i32 to vector<16xi32>
      %shift_right_logical3A_299 = arith.shrui %get3A_296, %shift_right_logical3A_298 : vector<16xi32>
      %and3A_300 = arith.constant 65535 : i32
      %and3A_301 = vector.broadcast %and3A_300 : i32 to vector<16xi32>
      %and3A_302 = arith.andi %get3A_296, %and3A_301 : vector<16xi32>
      %gather3A_303 = tpu.vector_load_idx %arg8[%shift_right_logical3A_299] : memref<10000xi32, #tpu.memory_space<vmem>>[vector<16xi32>], vector<16xi32>,
      %gather3A_304 = tpu.vector_load_idx %arg8[%and3A_302] : memref<10000xi32, #tpu.memory_space<vmem>>[vector<16xi32>], vector<16xi32>,
      %ge3A_305 = arith.constant 0 : i32
      %ge3A_306 = vector.broadcast %ge3A_305 : i32 to vector<16xi32>
      %ge3A_307 = arith.cmpi sge, %gather3A_303, %ge3A_306 : vector<16xi32>
      %lt3A_308 = arith.constant 4 : i32
      %lt3A_309 = vector.broadcast %lt3A_308 : i32 to vector<16xi32>
      %lt3A_310 = arith.cmpi slt, %gather3A_303, %lt3A_309 : vector<16xi32>
      %and3A_311 = arith.andi %ge3A_307, %lt3A_310 : vector<16xi1>
      %gt3A_312 = arith.cmpi sgt, %gather3A_304, %gather3A_303 : vector<16xi32>
      %and3A_313 = arith.andi %and3A_311, %gt3A_312 : vector<16xi1>
      %swap3A_314 = arith.index_cast %add3A_288 : i32 to index
      %swap3A_315 = tpu.vector_load %arg11[%swap3A_314] masked %and3A_313 {strides = array<i32>} : memref<10064xi32, #tpu.memory_space<vmem>>, vector<16xi32>, vector<16xi1>
      tpu.vector_store %arg11[%swap3A_314], %get3A_296 masked %and3A_313 {strides = array<i32>} : memref<10064xi32, #tpu.memory_space<vmem>>, vector<16xi32>, vector<16xi1>
      %all_reduce_population_count3A_316 = tpu.all_reduce %and3A_313 {dim = 0 : i64, kind = #tpu.reduction_kind<sum>} : vector<16xi1> -> vector<16xi32>
      %slice3A_317 = vector.extract_strided_slice %all_reduce_population_count3A_316 {offsets = [0], sizes = [1], strides = [1]} : vector<16xi32> to vector<1xi32>
      %squeeze3A_318 = vector.extract %slice3A_317[0] : i32 from vector<1xi32>
      %add3A_319 = arith.addi %add3A_288, %squeeze3A_318 : i32
      %mul3A_320 = arith.constant 5 : i32
      %mul3A_321 = arith.muli %scan3A_201, %mul3A_320 : i32
      %add3A_322 = arith.constant 4 : i32
      %add3A_323 = arith.addi %mul3A_321, %add3A_322 : i32
      %mul3A_324 = arith.constant 16 : i32
      %mul3A_325 = arith.muli %add3A_323, %mul3A_324 : i32
      %get3A_326 = arith.index_cast %mul3A_325 : i32 to index
      %get3A_327 = tpu.vector_load %arg10[%get3A_326] {strides = array<i32>} : memref<2000xi32, #tpu.memory_space<vmem>>, vector<16xi32>,
      %shift_right_logical3A_328 = arith.constant 16 : i32
      %shift_right_logical3A_329 = vector.broadcast %shift_right_logical3A_328 : i32 to vector<16xi32>
      %shift_right_logical3A_330 = arith.shrui %get3A_327, %shift_right_logical3A_329 : vector<16xi32>
      %and3A_331 = arith.constant 65535 : i32
      %and3A_332 = vector.broadcast %and3A_331 : i32 to vector<16xi32>
      %and3A_333 = arith.andi %get3A_327, %and3A_332 : vector<16xi32>
      %gather3A_334 = tpu.vector_load_idx %arg8[%shift_right_logical3A_330] : memref<10000xi32, #tpu.memory_space<vmem>>[vector<16xi32>], vector<16xi32>,
      %gather3A_335 = tpu.vector_load_idx %arg8[%and3A_333] : memref<10000xi32, #tpu.memory_space<vmem>>[vector<16xi32>], vector<16xi32>,
      %ge3A_336 = arith.constant 0 : i32
      %ge3A_337 = vector.broadcast %ge3A_336 : i32 to vector<16xi32>
      %ge3A_338 = arith.cmpi sge, %gather3A_334, %ge3A_337 : vector<16xi32>
      %lt3A_339 = arith.constant 4 : i32
      %lt3A_340 = vector.broadcast %lt3A_339 : i32 to vector<16xi32>
      %lt3A_341 = arith.cmpi slt, %gather3A_334, %lt3A_340 : vector<16xi32>
      %and3A_342 = arith.andi %ge3A_338, %lt3A_341 : vector<16xi1>
      %gt3A_343 = arith.cmpi sgt, %gather3A_335, %gather3A_334 : vector<16xi32>
      %and3A_344 = arith.andi %and3A_342, %gt3A_343 : vector<16xi1>
      %swap3A_345 = arith.index_cast %add3A_319 : i32 to index
      %swap3A_346 = tpu.vector_load %arg11[%swap3A_345] masked %and3A_344 {strides = array<i32>} : memref<10064xi32, #tpu.memory_space<vmem>>, vector<16xi32>, vector<16xi1>
      tpu.vector_store %arg11[%swap3A_345], %get3A_327 masked %and3A_344 {strides = array<i32>} : memref<10064xi32, #tpu.memory_space<vmem>>, vector<16xi32>, vector<16xi1>
      %all_reduce_population_count3A_347 = tpu.all_reduce %and3A_344 {dim = 0 : i64, kind = #tpu.reduction_kind<sum>} : vector<16xi1> -> vector<16xi32>
      %slice3A_348 = vector.extract_strided_slice %all_reduce_population_count3A_347 {offsets = [0], sizes = [1], strides = [1]} : vector<16xi32> to vector<1xi32>
      %squeeze3A_349 = vector.extract %slice3A_348[0] : i32 from vector<1xi32>
      %add3A_350 = arith.addi %add3A_319, %squeeze3A_349 : i32
      scf.yield %add3A_350 : i32
    }
    %scan3A_46 = arith.constant 25 : i32
    %add3A_47 = arith.constant 6000 : i32
    %add3A_48 = arith.addi %mul3A_2, %add3A_47 : i32
    %dma_start3A_49 = tpu.memref_slice %arg3[%add3A_48] : memref<320000xi32, #tpu.memory_space<hbm>> -> memref<2000xi32, #tpu.memory_space<hbm>>
    %dma_start3A_50 = tpu.memref_slice %arg3[%add3A_48] : memref<320000xi32, #tpu.memory_space<hbm>> -> memref<2000xi32, #tpu.memory_space<hbm>>
    tpu.enqueue_dma source(%dma_start3A_50 : memref<2000xi32, #tpu.memory_space<hbm>>) target(%arg10 : memref<2000xi32, #tpu.memory_space<vmem>>) target_semaphore(%arg22 : memref<!tpu.dma_semaphore, #tpu.memory_space<semaphore_mem>>)
    %dma_wait3A_51 = arith.constant 0 : i32
    %dma_wait3A_52 = tpu.memref_slice %arg3[%dma_wait3A_51] : memref<320000xi32, #tpu.memory_space<hbm>> -> memref<2000xi32, #tpu.memory_space<hbm>>
    %dma_wait3A_53 = arith.constant 0 : i32
    %dma_wait3A_54 = tpu.memref_slice %arg3[%dma_wait3A_53] : memref<320000xi32, #tpu.memory_space<hbm>> -> memref<2000xi32, #tpu.memory_space<hbm>>
    tpu.wait_dma2 semaphore(%arg21 : memref<!tpu.dma_semaphore, #tpu.memory_space<semaphore_mem>>) src(%dma_wait3A_54 : memref<2000xi32, #tpu.memory_space<hbm>>) dst(%arg9 : memref<2000xi32, #tpu.memory_space<vmem>>)
    %scan3A_55 = arith.constant 0 : i32
    %scan3A_56 = arith.constant 25 : i32
    %scan3A_57 = arith.addi %scan3A_55, %scan3A_56 : i32
    %scan3A_58 = arith.constant 1 : i32
    %scan3A_59 = scf.for %scan3A_201 = %scan3A_55 to %scan3A_57 step %scan3A_58 iter_args(%scan3A_202 = %scan3A_45) -> (i32)  : i32 {
      %mul3A_203 = arith.constant 5 : i32
      %mul3A_204 = arith.muli %scan3A_201, %mul3A_203 : i32
      %add3A_205 = arith.constant 0 : i32
      %add3A_206 = arith.addi %mul3A_204, %add3A_205 : i32
      %mul3A_207 = arith.constant 16 : i32
      %mul3A_208 = arith.muli %add3A_206, %mul3A_207 : i32
      %get3A = arith.index_cast %mul3A_208 : i32 to index
      %get3A_209 = tpu.vector_load %arg9[%get3A] {strides = array<i32>} : memref<2000xi32, #tpu.memory_space<vmem>>, vector<16xi32>,
      %shift_right_logical3A = arith.constant 16 : i32
      %shift_right_logical3A_210 = vector.broadcast %shift_right_logical3A : i32 to vector<16xi32>
      %shift_right_logical3A_211 = arith.shrui %get3A_209, %shift_right_logical3A_210 : vector<16xi32>
      %and3A_212 = arith.constant 65535 : i32
      %and3A_213 = vector.broadcast %and3A_212 : i32 to vector<16xi32>
      %and3A_214 = arith.andi %get3A_209, %and3A_213 : vector<16xi32>
      %gather3A = tpu.vector_load_idx %arg8[%shift_right_logical3A_211] : memref<10000xi32, #tpu.memory_space<vmem>>[vector<16xi32>], vector<16xi32>,
      %gather3A_215 = tpu.vector_load_idx %arg8[%and3A_214] : memref<10000xi32, #tpu.memory_space<vmem>>[vector<16xi32>], vector<16xi32>,
      %ge3A = arith.constant 0 : i32
      %ge3A_216 = vector.broadcast %ge3A : i32 to vector<16xi32>
      %ge3A_217 = arith.cmpi sge, %gather3A, %ge3A_216 : vector<16xi32>
      %lt3A_218 = arith.constant 4 : i32
      %lt3A_219 = vector.broadcast %lt3A_218 : i32 to vector<16xi32>
      %lt3A_220 = arith.cmpi slt, %gather3A, %lt3A_219 : vector<16xi32>
      %and3A_221 = arith.andi %ge3A_217, %lt3A_220 : vector<16xi1>
      %gt3A_222 = arith.cmpi sgt, %gather3A_215, %gather3A : vector<16xi32>
      %and3A_223 = arith.andi %and3A_221, %gt3A_222 : vector<16xi1>
      %swap3A_224 = arith.index_cast %scan3A_202 : i32 to index
      %swap3A_225 = tpu.vector_load %arg11[%swap3A_224] masked %and3A_223 {strides = array<i32>} : memref<10064xi32, #tpu.memory_space<vmem>>, vector<16xi32>, vector<16xi1>
      tpu.vector_store %arg11[%swap3A_224], %get3A_209 masked %and3A_223 {strides = array<i32>} : memref<10064xi32, #tpu.memory_space<vmem>>, vector<16xi32>, vector<16xi1>
      %all_reduce_population_count3A = tpu.all_reduce %and3A_223 {dim = 0 : i64, kind = #tpu.reduction_kind<sum>} : vector<16xi1> -> vector<16xi32>
      %slice3A = vector.extract_strided_slice %all_reduce_population_count3A {offsets = [0], sizes = [1], strides = [1]} : vector<16xi32> to vector<1xi32>
      %squeeze3A = vector.extract %slice3A[0] : i32 from vector<1xi32>
      %add3A_226 = arith.addi %scan3A_202, %squeeze3A : i32
      %mul3A_227 = arith.constant 5 : i32
      %mul3A_228 = arith.muli %scan3A_201, %mul3A_227 : i32
      %add3A_229 = arith.constant 1 : i32
      %add3A_230 = arith.addi %mul3A_228, %add3A_229 : i32
      %mul3A_231 = arith.constant 16 : i32
      %mul3A_232 = arith.muli %add3A_230, %mul3A_231 : i32
      %get3A_233 = arith.index_cast %mul3A_232 : i32 to index
      %get3A_234 = tpu.vector_load %arg9[%get3A_233] {strides = array<i32>} : memref<2000xi32, #tpu.memory_space<vmem>>, vector<16xi32>,
      %shift_right_logical3A_235 = arith.constant 16 : i32
      %shift_right_logical3A_236 = vector.broadcast %shift_right_logical3A_235 : i32 to vector<16xi32>
      %shift_right_logical3A_237 = arith.shrui %get3A_234, %shift_right_logical3A_236 : vector<16xi32>
      %and3A_238 = arith.constant 65535 : i32
      %and3A_239 = vector.broadcast %and3A_238 : i32 to vector<16xi32>
      %and3A_240 = arith.andi %get3A_234, %and3A_239 : vector<16xi32>
      %gather3A_241 = tpu.vector_load_idx %arg8[%shift_right_logical3A_237] : memref<10000xi32, #tpu.memory_space<vmem>>[vector<16xi32>], vector<16xi32>,
      %gather3A_242 = tpu.vector_load_idx %arg8[%and3A_240] : memref<10000xi32, #tpu.memory_space<vmem>>[vector<16xi32>], vector<16xi32>,
      %ge3A_243 = arith.constant 0 : i32
      %ge3A_244 = vector.broadcast %ge3A_243 : i32 to vector<16xi32>
      %ge3A_245 = arith.cmpi sge, %gather3A_241, %ge3A_244 : vector<16xi32>
      %lt3A_246 = arith.constant 4 : i32
      %lt3A_247 = vector.broadcast %lt3A_246 : i32 to vector<16xi32>
      %lt3A_248 = arith.cmpi slt, %gather3A_241, %lt3A_247 : vector<16xi32>
      %and3A_249 = arith.andi %ge3A_245, %lt3A_248 : vector<16xi1>
      %gt3A_250 = arith.cmpi sgt, %gather3A_242, %gather3A_241 : vector<16xi32>
      %and3A_251 = arith.andi %and3A_249, %gt3A_250 : vector<16xi1>
      %swap3A_252 = arith.index_cast %add3A_226 : i32 to index
      %swap3A_253 = tpu.vector_load %arg11[%swap3A_252] masked %and3A_251 {strides = array<i32>} : memref<10064xi32, #tpu.memory_space<vmem>>, vector<16xi32>, vector<16xi1>
      tpu.vector_store %arg11[%swap3A_252], %get3A_234 masked %and3A_251 {strides = array<i32>} : memref<10064xi32, #tpu.memory_space<vmem>>, vector<16xi32>, vector<16xi1>
      %all_reduce_population_count3A_254 = tpu.all_reduce %and3A_251 {dim = 0 : i64, kind = #tpu.reduction_kind<sum>} : vector<16xi1> -> vector<16xi32>
      %slice3A_255 = vector.extract_strided_slice %all_reduce_population_count3A_254 {offsets = [0], sizes = [1], strides = [1]} : vector<16xi32> to vector<1xi32>
      %squeeze3A_256 = vector.extract %slice3A_255[0] : i32 from vector<1xi32>
      %add3A_257 = arith.addi %add3A_226, %squeeze3A_256 : i32
      %mul3A_258 = arith.constant 5 : i32
      %mul3A_259 = arith.muli %scan3A_201, %mul3A_258 : i32
      %add3A_260 = arith.constant 2 : i32
      %add3A_261 = arith.addi %mul3A_259, %add3A_260 : i32
      %mul3A_262 = arith.constant 16 : i32
      %mul3A_263 = arith.muli %add3A_261, %mul3A_262 : i32
      %get3A_264 = arith.index_cast %mul3A_263 : i32 to index
      %get3A_265 = tpu.vector_load %arg9[%get3A_264] {strides = array<i32>} : memref<2000xi32, #tpu.memory_space<vmem>>, vector<16xi32>,
      %shift_right_logical3A_266 = arith.constant 16 : i32
      %shift_right_logical3A_267 = vector.broadcast %shift_right_logical3A_266 : i32 to vector<16xi32>
      %shift_right_logical3A_268 = arith.shrui %get3A_265, %shift_right_logical3A_267 : vector<16xi32>
      %and3A_269 = arith.constant 65535 : i32
      %and3A_270 = vector.broadcast %and3A_269 : i32 to vector<16xi32>
      %and3A_271 = arith.andi %get3A_265, %and3A_270 : vector<16xi32>
      %gather3A_272 = tpu.vector_load_idx %arg8[%shift_right_logical3A_268] : memref<10000xi32, #tpu.memory_space<vmem>>[vector<16xi32>], vector<16xi32>,
      %gather3A_273 = tpu.vector_load_idx %arg8[%and3A_271] : memref<10000xi32, #tpu.memory_space<vmem>>[vector<16xi32>], vector<16xi32>,
      %ge3A_274 = arith.constant 0 : i32
      %ge3A_275 = vector.broadcast %ge3A_274 : i32 to vector<16xi32>
      %ge3A_276 = arith.cmpi sge, %gather3A_272, %ge3A_275 : vector<16xi32>
      %lt3A_277 = arith.constant 4 : i32
      %lt3A_278 = vector.broadcast %lt3A_277 : i32 to vector<16xi32>
      %lt3A_279 = arith.cmpi slt, %gather3A_272, %lt3A_278 : vector<16xi32>
      %and3A_280 = arith.andi %ge3A_276, %lt3A_279 : vector<16xi1>
      %gt3A_281 = arith.cmpi sgt, %gather3A_273, %gather3A_272 : vector<16xi32>
      %and3A_282 = arith.andi %and3A_280, %gt3A_281 : vector<16xi1>
      %swap3A_283 = arith.index_cast %add3A_257 : i32 to index
      %swap3A_284 = tpu.vector_load %arg11[%swap3A_283] masked %and3A_282 {strides = array<i32>} : memref<10064xi32, #tpu.memory_space<vmem>>, vector<16xi32>, vector<16xi1>
      tpu.vector_store %arg11[%swap3A_283], %get3A_265 masked %and3A_282 {strides = array<i32>} : memref<10064xi32, #tpu.memory_space<vmem>>, vector<16xi32>, vector<16xi1>
      %all_reduce_population_count3A_285 = tpu.all_reduce %and3A_282 {dim = 0 : i64, kind = #tpu.reduction_kind<sum>} : vector<16xi1> -> vector<16xi32>
      %slice3A_286 = vector.extract_strided_slice %all_reduce_population_count3A_285 {offsets = [0], sizes = [1], strides = [1]} : vector<16xi32> to vector<1xi32>
      %squeeze3A_287 = vector.extract %slice3A_286[0] : i32 from vector<1xi32>
      %add3A_288 = arith.addi %add3A_257, %squeeze3A_287 : i32
      %mul3A_289 = arith.constant 5 : i32
      %mul3A_290 = arith.muli %scan3A_201, %mul3A_289 : i32
      %add3A_291 = arith.constant 3 : i32
      %add3A_292 = arith.addi %mul3A_290, %add3A_291 : i32
      %mul3A_293 = arith.constant 16 : i32
      %mul3A_294 = arith.muli %add3A_292, %mul3A_293 : i32
      %get3A_295 = arith.index_cast %mul3A_294 : i32 to index
      %get3A_296 = tpu.vector_load %arg9[%get3A_295] {strides = array<i32>} : memref<2000xi32, #tpu.memory_space<vmem>>, vector<16xi32>,
      %shift_right_logical3A_297 = arith.constant 16 : i32
      %shift_right_logical3A_298 = vector.broadcast %shift_right_logical3A_297 : i32 to vector<16xi32>
      %shift_right_logical3A_299 = arith.shrui %get3A_296, %shift_right_logical3A_298 : vector<16xi32>
      %and3A_300 = arith.constant 65535 : i32
      %and3A_301 = vector.broadcast %and3A_300 : i32 to vector<16xi32>
      %and3A_302 = arith.andi %get3A_296, %and3A_301 : vector<16xi32>
      %gather3A_303 = tpu.vector_load_idx %arg8[%shift_right_logical3A_299] : memref<10000xi32, #tpu.memory_space<vmem>>[vector<16xi32>], vector<16xi32>,
      %gather3A_304 = tpu.vector_load_idx %arg8[%and3A_302] : memref<10000xi32, #tpu.memory_space<vmem>>[vector<16xi32>], vector<16xi32>,
      %ge3A_305 = arith.constant 0 : i32
      %ge3A_306 = vector.broadcast %ge3A_305 : i32 to vector<16xi32>
      %ge3A_307 = arith.cmpi sge, %gather3A_303, %ge3A_306 : vector<16xi32>
      %lt3A_308 = arith.constant 4 : i32
      %lt3A_309 = vector.broadcast %lt3A_308 : i32 to vector<16xi32>
      %lt3A_310 = arith.cmpi slt, %gather3A_303, %lt3A_309 : vector<16xi32>
      %and3A_311 = arith.andi %ge3A_307, %lt3A_310 : vector<16xi1>
      %gt3A_312 = arith.cmpi sgt, %gather3A_304, %gather3A_303 : vector<16xi32>
      %and3A_313 = arith.andi %and3A_311, %gt3A_312 : vector<16xi1>
      %swap3A_314 = arith.index_cast %add3A_288 : i32 to index
      %swap3A_315 = tpu.vector_load %arg11[%swap3A_314] masked %and3A_313 {strides = array<i32>} : memref<10064xi32, #tpu.memory_space<vmem>>, vector<16xi32>, vector<16xi1>
      tpu.vector_store %arg11[%swap3A_314], %get3A_296 masked %and3A_313 {strides = array<i32>} : memref<10064xi32, #tpu.memory_space<vmem>>, vector<16xi32>, vector<16xi1>
      %all_reduce_population_count3A_316 = tpu.all_reduce %and3A_313 {dim = 0 : i64, kind = #tpu.reduction_kind<sum>} : vector<16xi1> -> vector<16xi32>
      %slice3A_317 = vector.extract_strided_slice %all_reduce_population_count3A_316 {offsets = [0], sizes = [1], strides = [1]} : vector<16xi32> to vector<1xi32>
      %squeeze3A_318 = vector.extract %slice3A_317[0] : i32 from vector<1xi32>
      %add3A_319 = arith.addi %add3A_288, %squeeze3A_318 : i32
      %mul3A_320 = arith.constant 5 : i32
      %mul3A_321 = arith.muli %scan3A_201, %mul3A_320 : i32
      %add3A_322 = arith.constant 4 : i32
      %add3A_323 = arith.addi %mul3A_321, %add3A_322 : i32
      %mul3A_324 = arith.constant 16 : i32
      %mul3A_325 = arith.muli %add3A_323, %mul3A_324 : i32
      %get3A_326 = arith.index_cast %mul3A_325 : i32 to index
      %get3A_327 = tpu.vector_load %arg9[%get3A_326] {strides = array<i32>} : memref<2000xi32, #tpu.memory_space<vmem>>, vector<16xi32>,
      %shift_right_logical3A_328 = arith.constant 16 : i32
      %shift_right_logical3A_329 = vector.broadcast %shift_right_logical3A_328 : i32 to vector<16xi32>
      %shift_right_logical3A_330 = arith.shrui %get3A_327, %shift_right_logical3A_329 : vector<16xi32>
      %and3A_331 = arith.constant 65535 : i32
      %and3A_332 = vector.broadcast %and3A_331 : i32 to vector<16xi32>
      %and3A_333 = arith.andi %get3A_327, %and3A_332 : vector<16xi32>
      %gather3A_334 = tpu.vector_load_idx %arg8[%shift_right_logical3A_330] : memref<10000xi32, #tpu.memory_space<vmem>>[vector<16xi32>], vector<16xi32>,
      %gather3A_335 = tpu.vector_load_idx %arg8[%and3A_333] : memref<10000xi32, #tpu.memory_space<vmem>>[vector<16xi32>], vector<16xi32>,
      %ge3A_336 = arith.constant 0 : i32
      %ge3A_337 = vector.broadcast %ge3A_336 : i32 to vector<16xi32>
      %ge3A_338 = arith.cmpi sge, %gather3A_334, %ge3A_337 : vector<16xi32>
      %lt3A_339 = arith.constant 4 : i32
      %lt3A_340 = vector.broadcast %lt3A_339 : i32 to vector<16xi32>
      %lt3A_341 = arith.cmpi slt, %gather3A_334, %lt3A_340 : vector<16xi32>
      %and3A_342 = arith.andi %ge3A_338, %lt3A_341 : vector<16xi1>
      %gt3A_343 = arith.cmpi sgt, %gather3A_335, %gather3A_334 : vector<16xi32>
      %and3A_344 = arith.andi %and3A_342, %gt3A_343 : vector<16xi1>
      %swap3A_345 = arith.index_cast %add3A_319 : i32 to index
      %swap3A_346 = tpu.vector_load %arg11[%swap3A_345] masked %and3A_344 {strides = array<i32>} : memref<10064xi32, #tpu.memory_space<vmem>>, vector<16xi32>, vector<16xi1>
      tpu.vector_store %arg11[%swap3A_345], %get3A_327 masked %and3A_344 {strides = array<i32>} : memref<10064xi32, #tpu.memory_space<vmem>>, vector<16xi32>, vector<16xi1>
      %all_reduce_population_count3A_347 = tpu.all_reduce %and3A_344 {dim = 0 : i64, kind = #tpu.reduction_kind<sum>} : vector<16xi1> -> vector<16xi32>
      %slice3A_348 = vector.extract_strided_slice %all_reduce_population_count3A_347 {offsets = [0], sizes = [1], strides = [1]} : vector<16xi32> to vector<1xi32>
      %squeeze3A_349 = vector.extract %slice3A_348[0] : i32 from vector<1xi32>
      %add3A_350 = arith.addi %add3A_319, %squeeze3A_349 : i32
      scf.yield %add3A_350 : i32
    }
    %scan3A_60 = arith.constant 25 : i32
    %add3A_61 = arith.constant 8000 : i32
    %add3A_62 = arith.addi %mul3A_2, %add3A_61 : i32
    %dma_start3A_63 = tpu.memref_slice %arg3[%add3A_62] : memref<320000xi32, #tpu.memory_space<hbm>> -> memref<2000xi32, #tpu.memory_space<hbm>>
    %dma_start3A_64 = tpu.memref_slice %arg3[%add3A_62] : memref<320000xi32, #tpu.memory_space<hbm>> -> memref<2000xi32, #tpu.memory_space<hbm>>
    tpu.enqueue_dma source(%dma_start3A_64 : memref<2000xi32, #tpu.memory_space<hbm>>) target(%arg9 : memref<2000xi32, #tpu.memory_space<vmem>>) target_semaphore(%arg21 : memref<!tpu.dma_semaphore, #tpu.memory_space<semaphore_mem>>)
    %dma_wait3A_65 = arith.constant 0 : i32
    %dma_wait3A_66 = tpu.memref_slice %arg3[%dma_wait3A_65] : memref<320000xi32, #tpu.memory_space<hbm>> -> memref<2000xi32, #tpu.memory_space<hbm>>
    %dma_wait3A_67 = arith.constant 0 : i32
    %dma_wait3A_68 = tpu.memref_slice %arg3[%dma_wait3A_67] : memref<320000xi32, #tpu.memory_space<hbm>> -> memref<2000xi32, #tpu.memory_space<hbm>>
    tpu.wait_dma2 semaphore(%arg22 : memref<!tpu.dma_semaphore, #tpu.memory_space<semaphore_mem>>) src(%dma_wait3A_68 : memref<2000xi32, #tpu.memory_space<hbm>>) dst(%arg10 : memref<2000xi32, #tpu.memory_space<vmem>>)
    %scan3A_69 = arith.constant 0 : i32
    %scan3A_70 = arith.constant 25 : i32
    %scan3A_71 = arith.addi %scan3A_69, %scan3A_70 : i32
    %scan3A_72 = arith.constant 1 : i32
    %scan3A_73 = scf.for %scan3A_201 = %scan3A_69 to %scan3A_71 step %scan3A_72 iter_args(%scan3A_202 = %scan3A_59) -> (i32)  : i32 {
      %mul3A_203 = arith.constant 5 : i32
      %mul3A_204 = arith.muli %scan3A_201, %mul3A_203 : i32
      %add3A_205 = arith.constant 0 : i32
      %add3A_206 = arith.addi %mul3A_204, %add3A_205 : i32
      %mul3A_207 = arith.constant 16 : i32
      %mul3A_208 = arith.muli %add3A_206, %mul3A_207 : i32
      %get3A = arith.index_cast %mul3A_208 : i32 to index
      %get3A_209 = tpu.vector_load %arg10[%get3A] {strides = array<i32>} : memref<2000xi32, #tpu.memory_space<vmem>>, vector<16xi32>,
      %shift_right_logical3A = arith.constant 16 : i32
      %shift_right_logical3A_210 = vector.broadcast %shift_right_logical3A : i32 to vector<16xi32>
      %shift_right_logical3A_211 = arith.shrui %get3A_209, %shift_right_logical3A_210 : vector<16xi32>
      %and3A_212 = arith.constant 65535 : i32
      %and3A_213 = vector.broadcast %and3A_212 : i32 to vector<16xi32>
      %and3A_214 = arith.andi %get3A_209, %and3A_213 : vector<16xi32>
      %gather3A = tpu.vector_load_idx %arg8[%shift_right_logical3A_211] : memref<10000xi32, #tpu.memory_space<vmem>>[vector<16xi32>], vector<16xi32>,
      %gather3A_215 = tpu.vector_load_idx %arg8[%and3A_214] : memref<10000xi32, #tpu.memory_space<vmem>>[vector<16xi32>], vector<16xi32>,
      %ge3A = arith.constant 0 : i32
      %ge3A_216 = vector.broadcast %ge3A : i32 to vector<16xi32>
      %ge3A_217 = arith.cmpi sge, %gather3A, %ge3A_216 : vector<16xi32>
      %lt3A_218 = arith.constant 4 : i32
      %lt3A_219 = vector.broadcast %lt3A_218 : i32 to vector<16xi32>
      %lt3A_220 = arith.cmpi slt, %gather3A, %lt3A_219 : vector<16xi32>
      %and3A_221 = arith.andi %ge3A_217, %lt3A_220 : vector<16xi1>
      %gt3A_222 = arith.cmpi sgt, %gather3A_215, %gather3A : vector<16xi32>
      %and3A_223 = arith.andi %and3A_221, %gt3A_222 : vector<16xi1>
      %swap3A_224 = arith.index_cast %scan3A_202 : i32 to index
      %swap3A_225 = tpu.vector_load %arg11[%swap3A_224] masked %and3A_223 {strides = array<i32>} : memref<10064xi32, #tpu.memory_space<vmem>>, vector<16xi32>, vector<16xi1>
      tpu.vector_store %arg11[%swap3A_224], %get3A_209 masked %and3A_223 {strides = array<i32>} : memref<10064xi32, #tpu.memory_space<vmem>>, vector<16xi32>, vector<16xi1>
      %all_reduce_population_count3A = tpu.all_reduce %and3A_223 {dim = 0 : i64, kind = #tpu.reduction_kind<sum>} : vector<16xi1> -> vector<16xi32>
      %slice3A = vector.extract_strided_slice %all_reduce_population_count3A {offsets = [0], sizes = [1], strides = [1]} : vector<16xi32> to vector<1xi32>
      %squeeze3A = vector.extract %slice3A[0] : i32 from vector<1xi32>
      %add3A_226 = arith.addi %scan3A_202, %squeeze3A : i32
      %mul3A_227 = arith.constant 5 : i32
      %mul3A_228 = arith.muli %scan3A_201, %mul3A_227 : i32
      %add3A_229 = arith.constant 1 : i32
      %add3A_230 = arith.addi %mul3A_228, %add3A_229 : i32
      %mul3A_231 = arith.constant 16 : i32
      %mul3A_232 = arith.muli %add3A_230, %mul3A_231 : i32
      %get3A_233 = arith.index_cast %mul3A_232 : i32 to index
      %get3A_234 = tpu.vector_load %arg10[%get3A_233] {strides = array<i32>} : memref<2000xi32, #tpu.memory_space<vmem>>, vector<16xi32>,
      %shift_right_logical3A_235 = arith.constant 16 : i32
      %shift_right_logical3A_236 = vector.broadcast %shift_right_logical3A_235 : i32 to vector<16xi32>
      %shift_right_logical3A_237 = arith.shrui %get3A_234, %shift_right_logical3A_236 : vector<16xi32>
      %and3A_238 = arith.constant 65535 : i32
      %and3A_239 = vector.broadcast %and3A_238 : i32 to vector<16xi32>
      %and3A_240 = arith.andi %get3A_234, %and3A_239 : vector<16xi32>
      %gather3A_241 = tpu.vector_load_idx %arg8[%shift_right_logical3A_237] : memref<10000xi32, #tpu.memory_space<vmem>>[vector<16xi32>], vector<16xi32>,
      %gather3A_242 = tpu.vector_load_idx %arg8[%and3A_240] : memref<10000xi32, #tpu.memory_space<vmem>>[vector<16xi32>], vector<16xi32>,
      %ge3A_243 = arith.constant 0 : i32
      %ge3A_244 = vector.broadcast %ge3A_243 : i32 to vector<16xi32>
      %ge3A_245 = arith.cmpi sge, %gather3A_241, %ge3A_244 : vector<16xi32>
      %lt3A_246 = arith.constant 4 : i32
      %lt3A_247 = vector.broadcast %lt3A_246 : i32 to vector<16xi32>
      %lt3A_248 = arith.cmpi slt, %gather3A_241, %lt3A_247 : vector<16xi32>
      %and3A_249 = arith.andi %ge3A_245, %lt3A_248 : vector<16xi1>
      %gt3A_250 = arith.cmpi sgt, %gather3A_242, %gather3A_241 : vector<16xi32>
      %and3A_251 = arith.andi %and3A_249, %gt3A_250 : vector<16xi1>
      %swap3A_252 = arith.index_cast %add3A_226 : i32 to index
      %swap3A_253 = tpu.vector_load %arg11[%swap3A_252] masked %and3A_251 {strides = array<i32>} : memref<10064xi32, #tpu.memory_space<vmem>>, vector<16xi32>, vector<16xi1>
      tpu.vector_store %arg11[%swap3A_252], %get3A_234 masked %and3A_251 {strides = array<i32>} : memref<10064xi32, #tpu.memory_space<vmem>>, vector<16xi32>, vector<16xi1>
      %all_reduce_population_count3A_254 = tpu.all_reduce %and3A_251 {dim = 0 : i64, kind = #tpu.reduction_kind<sum>} : vector<16xi1> -> vector<16xi32>
      %slice3A_255 = vector.extract_strided_slice %all_reduce_population_count3A_254 {offsets = [0], sizes = [1], strides = [1]} : vector<16xi32> to vector<1xi32>
      %squeeze3A_256 = vector.extract %slice3A_255[0] : i32 from vector<1xi32>
      %add3A_257 = arith.addi %add3A_226, %squeeze3A_256 : i32
      %mul3A_258 = arith.constant 5 : i32
      %mul3A_259 = arith.muli %scan3A_201, %mul3A_258 : i32
      %add3A_260 = arith.constant 2 : i32
      %add3A_261 = arith.addi %mul3A_259, %add3A_260 : i32
      %mul3A_262 = arith.constant 16 : i32
      %mul3A_263 = arith.muli %add3A_261, %mul3A_262 : i32
      %get3A_264 = arith.index_cast %mul3A_263 : i32 to index
      %get3A_265 = tpu.vector_load %arg10[%get3A_264] {strides = array<i32>} : memref<2000xi32, #tpu.memory_space<vmem>>, vector<16xi32>,
      %shift_right_logical3A_266 = arith.constant 16 : i32
      %shift_right_logical3A_267 = vector.broadcast %shift_right_logical3A_266 : i32 to vector<16xi32>
      %shift_right_logical3A_268 = arith.shrui %get3A_265, %shift_right_logical3A_267 : vector<16xi32>
      %and3A_269 = arith.constant 65535 : i32
      %and3A_270 = vector.broadcast %and3A_269 : i32 to vector<16xi32>
      %and3A_271 = arith.andi %get3A_265, %and3A_270 : vector<16xi32>
      %gather3A_272 = tpu.vector_load_idx %arg8[%shift_right_logical3A_268] : memref<10000xi32, #tpu.memory_space<vmem>>[vector<16xi32>], vector<16xi32>,
      %gather3A_273 = tpu.vector_load_idx %arg8[%and3A_271] : memref<10000xi32, #tpu.memory_space<vmem>>[vector<16xi32>], vector<16xi32>,
      %ge3A_274 = arith.constant 0 : i32
      %ge3A_275 = vector.broadcast %ge3A_274 : i32 to vector<16xi32>
      %ge3A_276 = arith.cmpi sge, %gather3A_272, %ge3A_275 : vector<16xi32>
      %lt3A_277 = arith.constant 4 : i32
      %lt3A_278 = vector.broadcast %lt3A_277 : i32 to vector<16xi32>
      %lt3A_279 = arith.cmpi slt, %gather3A_272, %lt3A_278 : vector<16xi32>
      %and3A_280 = arith.andi %ge3A_276, %lt3A_279 : vector<16xi1>
      %gt3A_281 = arith.cmpi sgt, %gather3A_273, %gather3A_272 : vector<16xi32>
      %and3A_282 = arith.andi %and3A_280, %gt3A_281 : vector<16xi1>
      %swap3A_283 = arith.index_cast %add3A_257 : i32 to index
      %swap3A_284 = tpu.vector_load %arg11[%swap3A_283] masked %and3A_282 {strides = array<i32>} : memref<10064xi32, #tpu.memory_space<vmem>>, vector<16xi32>, vector<16xi1>
      tpu.vector_store %arg11[%swap3A_283], %get3A_265 masked %and3A_282 {strides = array<i32>} : memref<10064xi32, #tpu.memory_space<vmem>>, vector<16xi32>, vector<16xi1>
      %all_reduce_population_count3A_285 = tpu.all_reduce %and3A_282 {dim = 0 : i64, kind = #tpu.reduction_kind<sum>} : vector<16xi1> -> vector<16xi32>
      %slice3A_286 = vector.extract_strided_slice %all_reduce_population_count3A_285 {offsets = [0], sizes = [1], strides = [1]} : vector<16xi32> to vector<1xi32>
      %squeeze3A_287 = vector.extract %slice3A_286[0] : i32 from vector<1xi32>
      %add3A_288 = arith.addi %add3A_257, %squeeze3A_287 : i32
      %mul3A_289 = arith.constant 5 : i32
      %mul3A_290 = arith.muli %scan3A_201, %mul3A_289 : i32
      %add3A_291 = arith.constant 3 : i32
      %add3A_292 = arith.addi %mul3A_290, %add3A_291 : i32
      %mul3A_293 = arith.constant 16 : i32
      %mul3A_294 = arith.muli %add3A_292, %mul3A_293 : i32
      %get3A_295 = arith.index_cast %mul3A_294 : i32 to index
      %get3A_296 = tpu.vector_load %arg10[%get3A_295] {strides = array<i32>} : memref<2000xi32, #tpu.memory_space<vmem>>, vector<16xi32>,
      %shift_right_logical3A_297 = arith.constant 16 : i32
      %shift_right_logical3A_298 = vector.broadcast %shift_right_logical3A_297 : i32 to vector<16xi32>
      %shift_right_logical3A_299 = arith.shrui %get3A_296, %shift_right_logical3A_298 : vector<16xi32>
      %and3A_300 = arith.constant 65535 : i32
      %and3A_301 = vector.broadcast %and3A_300 : i32 to vector<16xi32>
      %and3A_302 = arith.andi %get3A_296, %and3A_301 : vector<16xi32>
      %gather3A_303 = tpu.vector_load_idx %arg8[%shift_right_logical3A_299] : memref<10000xi32, #tpu.memory_space<vmem>>[vector<16xi32>], vector<16xi32>,
      %gather3A_304 = tpu.vector_load_idx %arg8[%and3A_302] : memref<10000xi32, #tpu.memory_space<vmem>>[vector<16xi32>], vector<16xi32>,
      %ge3A_305 = arith.constant 0 : i32
      %ge3A_306 = vector.broadcast %ge3A_305 : i32 to vector<16xi32>
      %ge3A_307 = arith.cmpi sge, %gather3A_303, %ge3A_306 : vector<16xi32>
      %lt3A_308 = arith.constant 4 : i32
      %lt3A_309 = vector.broadcast %lt3A_308 : i32 to vector<16xi32>
      %lt3A_310 = arith.cmpi slt, %gather3A_303, %lt3A_309 : vector<16xi32>
      %and3A_311 = arith.andi %ge3A_307, %lt3A_310 : vector<16xi1>
      %gt3A_312 = arith.cmpi sgt, %gather3A_304, %gather3A_303 : vector<16xi32>
      %and3A_313 = arith.andi %and3A_311, %gt3A_312 : vector<16xi1>
      %swap3A_314 = arith.index_cast %add3A_288 : i32 to index
      %swap3A_315 = tpu.vector_load %arg11[%swap3A_314] masked %and3A_313 {strides = array<i32>} : memref<10064xi32, #tpu.memory_space<vmem>>, vector<16xi32>, vector<16xi1>
      tpu.vector_store %arg11[%swap3A_314], %get3A_296 masked %and3A_313 {strides = array<i32>} : memref<10064xi32, #tpu.memory_space<vmem>>, vector<16xi32>, vector<16xi1>
      %all_reduce_population_count3A_316 = tpu.all_reduce %and3A_313 {dim = 0 : i64, kind = #tpu.reduction_kind<sum>} : vector<16xi1> -> vector<16xi32>
      %slice3A_317 = vector.extract_strided_slice %all_reduce_population_count3A_316 {offsets = [0], sizes = [1], strides = [1]} : vector<16xi32> to vector<1xi32>
      %squeeze3A_318 = vector.extract %slice3A_317[0] : i32 from vector<1xi32>
      %add3A_319 = arith.addi %add3A_288, %squeeze3A_318 : i32
      %mul3A_320 = arith.constant 5 : i32
      %mul3A_321 = arith.muli %scan3A_201, %mul3A_320 : i32
      %add3A_322 = arith.constant 4 : i32
      %add3A_323 = arith.addi %mul3A_321, %add3A_322 : i32
      %mul3A_324 = arith.constant 16 : i32
      %mul3A_325 = arith.muli %add3A_323, %mul3A_324 : i32
      %get3A_326 = arith.index_cast %mul3A_325 : i32 to index
      %get3A_327 = tpu.vector_load %arg10[%get3A_326] {strides = array<i32>} : memref<2000xi32, #tpu.memory_space<vmem>>, vector<16xi32>,
      %shift_right_logical3A_328 = arith.constant 16 : i32
      %shift_right_logical3A_329 = vector.broadcast %shift_right_logical3A_328 : i32 to vector<16xi32>
      %shift_right_logical3A_330 = arith.shrui %get3A_327, %shift_right_logical3A_329 : vector<16xi32>
      %and3A_331 = arith.constant 65535 : i32
      %and3A_332 = vector.broadcast %and3A_331 : i32 to vector<16xi32>
      %and3A_333 = arith.andi %get3A_327, %and3A_332 : vector<16xi32>
      %gather3A_334 = tpu.vector_load_idx %arg8[%shift_right_logical3A_330] : memref<10000xi32, #tpu.memory_space<vmem>>[vector<16xi32>], vector<16xi32>,
      %gather3A_335 = tpu.vector_load_idx %arg8[%and3A_333] : memref<10000xi32, #tpu.memory_space<vmem>>[vector<16xi32>], vector<16xi32>,
      %ge3A_336 = arith.constant 0 : i32
      %ge3A_337 = vector.broadcast %ge3A_336 : i32 to vector<16xi32>
      %ge3A_338 = arith.cmpi sge, %gather3A_334, %ge3A_337 : vector<16xi32>
      %lt3A_339 = arith.constant 4 : i32
      %lt3A_340 = vector.broadcast %lt3A_339 : i32 to vector<16xi32>
      %lt3A_341 = arith.cmpi slt, %gather3A_334, %lt3A_340 : vector<16xi32>
      %and3A_342 = arith.andi %ge3A_338, %lt3A_341 : vector<16xi1>
      %gt3A_343 = arith.cmpi sgt, %gather3A_335, %gather3A_334 : vector<16xi32>
      %and3A_344 = arith.andi %and3A_342, %gt3A_343 : vector<16xi1>
      %swap3A_345 = arith.index_cast %add3A_319 : i32 to index
      %swap3A_346 = tpu.vector_load %arg11[%swap3A_345] masked %and3A_344 {strides = array<i32>} : memref<10064xi32, #tpu.memory_space<vmem>>, vector<16xi32>, vector<16xi1>
      tpu.vector_store %arg11[%swap3A_345], %get3A_327 masked %and3A_344 {strides = array<i32>} : memref<10064xi32, #tpu.memory_space<vmem>>, vector<16xi32>, vector<16xi1>
      %all_reduce_population_count3A_347 = tpu.all_reduce %and3A_344 {dim = 0 : i64, kind = #tpu.reduction_kind<sum>} : vector<16xi1> -> vector<16xi32>
      %slice3A_348 = vector.extract_strided_slice %all_reduce_population_count3A_347 {offsets = [0], sizes = [1], strides = [1]} : vector<16xi32> to vector<1xi32>
      %squeeze3A_349 = vector.extract %slice3A_348[0] : i32 from vector<1xi32>
      %add3A_350 = arith.addi %add3A_319, %squeeze3A_349 : i32
      scf.yield %add3A_350 : i32
    }
    %scan3A_74 = arith.constant 25 : i32
    %dma_wait3A_75 = arith.constant 0 : i32
    %dma_wait3A_76 = tpu.memref_slice %arg3[%dma_wait3A_75] : memref<320000xi32, #tpu.memory_space<hbm>> -> memref<2000xi32, #tpu.memory_space<hbm>>
    %dma_wait3A_77 = arith.constant 0 : i32
    %dma_wait3A_78 = tpu.memref_slice %arg3[%dma_wait3A_77] : memref<320000xi32, #tpu.memory_space<hbm>> -> memref<2000xi32, #tpu.memory_space<hbm>>
    tpu.wait_dma2 semaphore(%arg21 : memref<!tpu.dma_semaphore, #tpu.memory_space<semaphore_mem>>) src(%dma_wait3A_78 : memref<2000xi32, #tpu.memory_space<hbm>>) dst(%arg9 : memref<2000xi32, #tpu.memory_space<vmem>>)
    %scan3A_79 = arith.constant 0 : i32
    %scan3A_80 = arith.constant 25 : i32
    %scan3A_81 = arith.addi %scan3A_79, %scan3A_80 : i32
    %scan3A_82 = arith.constant 1 : i32
    %scan3A_83 = scf.for %scan3A_201 = %scan3A_79 to %scan3A_81 step %scan3A_82 iter_args(%scan3A_202 = %scan3A_73) -> (i32)  : i32 {
      %mul3A_203 = arith.constant 5 : i32
      %mul3A_204 = arith.muli %scan3A_201, %mul3A_203 : i32
      %add3A_205 = arith.constant 0 : i32
      %add3A_206 = arith.addi %mul3A_204, %add3A_205 : i32
      %mul3A_207 = arith.constant 16 : i32
      %mul3A_208 = arith.muli %add3A_206, %mul3A_207 : i32
      %get3A = arith.index_cast %mul3A_208 : i32 to index
      %get3A_209 = tpu.vector_load %arg9[%get3A] {strides = array<i32>} : memref<2000xi32, #tpu.memory_space<vmem>>, vector<16xi32>,
      %shift_right_logical3A = arith.constant 16 : i32
      %shift_right_logical3A_210 = vector.broadcast %shift_right_logical3A : i32 to vector<16xi32>
      %shift_right_logical3A_211 = arith.shrui %get3A_209, %shift_right_logical3A_210 : vector<16xi32>
      %and3A_212 = arith.constant 65535 : i32
      %and3A_213 = vector.broadcast %and3A_212 : i32 to vector<16xi32>
      %and3A_214 = arith.andi %get3A_209, %and3A_213 : vector<16xi32>
      %gather3A = tpu.vector_load_idx %arg8[%shift_right_logical3A_211] : memref<10000xi32, #tpu.memory_space<vmem>>[vector<16xi32>], vector<16xi32>,
      %gather3A_215 = tpu.vector_load_idx %arg8[%and3A_214] : memref<10000xi32, #tpu.memory_space<vmem>>[vector<16xi32>], vector<16xi32>,
      %ge3A = arith.constant 0 : i32
      %ge3A_216 = vector.broadcast %ge3A : i32 to vector<16xi32>
      %ge3A_217 = arith.cmpi sge, %gather3A, %ge3A_216 : vector<16xi32>
      %lt3A_218 = arith.constant 4 : i32
      %lt3A_219 = vector.broadcast %lt3A_218 : i32 to vector<16xi32>
      %lt3A_220 = arith.cmpi slt, %gather3A, %lt3A_219 : vector<16xi32>
      %and3A_221 = arith.andi %ge3A_217, %lt3A_220 : vector<16xi1>
      %gt3A_222 = arith.cmpi sgt, %gather3A_215, %gather3A : vector<16xi32>
      %and3A_223 = arith.andi %and3A_221, %gt3A_222 : vector<16xi1>
      %swap3A_224 = arith.index_cast %scan3A_202 : i32 to index
      %swap3A_225 = tpu.vector_load %arg11[%swap3A_224] masked %and3A_223 {strides = array<i32>} : memref<10064xi32, #tpu.memory_space<vmem>>, vector<16xi32>, vector<16xi1>
      tpu.vector_store %arg11[%swap3A_224], %get3A_209 masked %and3A_223 {strides = array<i32>} : memref<10064xi32, #tpu.memory_space<vmem>>, vector<16xi32>, vector<16xi1>
      %all_reduce_population_count3A = tpu.all_reduce %and3A_223 {dim = 0 : i64, kind = #tpu.reduction_kind<sum>} : vector<16xi1> -> vector<16xi32>
      %slice3A = vector.extract_strided_slice %all_reduce_population_count3A {offsets = [0], sizes = [1], strides = [1]} : vector<16xi32> to vector<1xi32>
      %squeeze3A = vector.extract %slice3A[0] : i32 from vector<1xi32>
      %add3A_226 = arith.addi %scan3A_202, %squeeze3A : i32
      %mul3A_227 = arith.constant 5 : i32
      %mul3A_228 = arith.muli %scan3A_201, %mul3A_227 : i32
      %add3A_229 = arith.constant 1 : i32
      %add3A_230 = arith.addi %mul3A_228, %add3A_229 : i32
      %mul3A_231 = arith.constant 16 : i32
      %mul3A_232 = arith.muli %add3A_230, %mul3A_231 : i32
      %get3A_233 = arith.index_cast %mul3A_232 : i32 to index
      %get3A_234 = tpu.vector_load %arg9[%get3A_233] {strides = array<i32>} : memref<2000xi32, #tpu.memory_space<vmem>>, vector<16xi32>,
      %shift_right_logical3A_235 = arith.constant 16 : i32
      %shift_right_logical3A_236 = vector.broadcast %shift_right_logical3A_235 : i32 to vector<16xi32>
      %shift_right_logical3A_237 = arith.shrui %get3A_234, %shift_right_logical3A_236 : vector<16xi32>
      %and3A_238 = arith.constant 65535 : i32
      %and3A_239 = vector.broadcast %and3A_238 : i32 to vector<16xi32>
      %and3A_240 = arith.andi %get3A_234, %and3A_239 : vector<16xi32>
      %gather3A_241 = tpu.vector_load_idx %arg8[%shift_right_logical3A_237] : memref<10000xi32, #tpu.memory_space<vmem>>[vector<16xi32>], vector<16xi32>,
      %gather3A_242 = tpu.vector_load_idx %arg8[%and3A_240] : memref<10000xi32, #tpu.memory_space<vmem>>[vector<16xi32>], vector<16xi32>,
      %ge3A_243 = arith.constant 0 : i32
      %ge3A_244 = vector.broadcast %ge3A_243 : i32 to vector<16xi32>
      %ge3A_245 = arith.cmpi sge, %gather3A_241, %ge3A_244 : vector<16xi32>
      %lt3A_246 = arith.constant 4 : i32
      %lt3A_247 = vector.broadcast %lt3A_246 : i32 to vector<16xi32>
      %lt3A_248 = arith.cmpi slt, %gather3A_241, %lt3A_247 : vector<16xi32>
      %and3A_249 = arith.andi %ge3A_245, %lt3A_248 : vector<16xi1>
      %gt3A_250 = arith.cmpi sgt, %gather3A_242, %gather3A_241 : vector<16xi32>
      %and3A_251 = arith.andi %and3A_249, %gt3A_250 : vector<16xi1>
      %swap3A_252 = arith.index_cast %add3A_226 : i32 to index
      %swap3A_253 = tpu.vector_load %arg11[%swap3A_252] masked %and3A_251 {strides = array<i32>} : memref<10064xi32, #tpu.memory_space<vmem>>, vector<16xi32>, vector<16xi1>
      tpu.vector_store %arg11[%swap3A_252], %get3A_234 masked %and3A_251 {strides = array<i32>} : memref<10064xi32, #tpu.memory_space<vmem>>, vector<16xi32>, vector<16xi1>
      %all_reduce_population_count3A_254 = tpu.all_reduce %and3A_251 {dim = 0 : i64, kind = #tpu.reduction_kind<sum>} : vector<16xi1> -> vector<16xi32>
      %slice3A_255 = vector.extract_strided_slice %all_reduce_population_count3A_254 {offsets = [0], sizes = [1], strides = [1]} : vector<16xi32> to vector<1xi32>
      %squeeze3A_256 = vector.extract %slice3A_255[0] : i32 from vector<1xi32>
      %add3A_257 = arith.addi %add3A_226, %squeeze3A_256 : i32
      %mul3A_258 = arith.constant 5 : i32
      %mul3A_259 = arith.muli %scan3A_201, %mul3A_258 : i32
      %add3A_260 = arith.constant 2 : i32
      %add3A_261 = arith.addi %mul3A_259, %add3A_260 : i32
      %mul3A_262 = arith.constant 16 : i32
      %mul3A_263 = arith.muli %add3A_261, %mul3A_262 : i32
      %get3A_264 = arith.index_cast %mul3A_263 : i32 to index
      %get3A_265 = tpu.vector_load %arg9[%get3A_264] {strides = array<i32>} : memref<2000xi32, #tpu.memory_space<vmem>>, vector<16xi32>,
      %shift_right_logical3A_266 = arith.constant 16 : i32
      %shift_right_logical3A_267 = vector.broadcast %shift_right_logical3A_266 : i32 to vector<16xi32>
      %shift_right_logical3A_268 = arith.shrui %get3A_265, %shift_right_logical3A_267 : vector<16xi32>
      %and3A_269 = arith.constant 65535 : i32
      %and3A_270 = vector.broadcast %and3A_269 : i32 to vector<16xi32>
      %and3A_271 = arith.andi %get3A_265, %and3A_270 : vector<16xi32>
      %gather3A_272 = tpu.vector_load_idx %arg8[%shift_right_logical3A_268] : memref<10000xi32, #tpu.memory_space<vmem>>[vector<16xi32>], vector<16xi32>,
      %gather3A_273 = tpu.vector_load_idx %arg8[%and3A_271] : memref<10000xi32, #tpu.memory_space<vmem>>[vector<16xi32>], vector<16xi32>,
      %ge3A_274 = arith.constant 0 : i32
      %ge3A_275 = vector.broadcast %ge3A_274 : i32 to vector<16xi32>
      %ge3A_276 = arith.cmpi sge, %gather3A_272, %ge3A_275 : vector<16xi32>
      %lt3A_277 = arith.constant 4 : i32
      %lt3A_278 = vector.broadcast %lt3A_277 : i32 to vector<16xi32>
      %lt3A_279 = arith.cmpi slt, %gather3A_272, %lt3A_278 : vector<16xi32>
      %and3A_280 = arith.andi %ge3A_276, %lt3A_279 : vector<16xi1>
      %gt3A_281 = arith.cmpi sgt, %gather3A_273, %gather3A_272 : vector<16xi32>
      %and3A_282 = arith.andi %and3A_280, %gt3A_281 : vector<16xi1>
      %swap3A_283 = arith.index_cast %add3A_257 : i32 to index
      %swap3A_284 = tpu.vector_load %arg11[%swap3A_283] masked %and3A_282 {strides = array<i32>} : memref<10064xi32, #tpu.memory_space<vmem>>, vector<16xi32>, vector<16xi1>
      tpu.vector_store %arg11[%swap3A_283], %get3A_265 masked %and3A_282 {strides = array<i32>} : memref<10064xi32, #tpu.memory_space<vmem>>, vector<16xi32>, vector<16xi1>
      %all_reduce_population_count3A_285 = tpu.all_reduce %and3A_282 {dim = 0 : i64, kind = #tpu.reduction_kind<sum>} : vector<16xi1> -> vector<16xi32>
      %slice3A_286 = vector.extract_strided_slice %all_reduce_population_count3A_285 {offsets = [0], sizes = [1], strides = [1]} : vector<16xi32> to vector<1xi32>
      %squeeze3A_287 = vector.extract %slice3A_286[0] : i32 from vector<1xi32>
      %add3A_288 = arith.addi %add3A_257, %squeeze3A_287 : i32
      %mul3A_289 = arith.constant 5 : i32
      %mul3A_290 = arith.muli %scan3A_201, %mul3A_289 : i32
      %add3A_291 = arith.constant 3 : i32
      %add3A_292 = arith.addi %mul3A_290, %add3A_291 : i32
      %mul3A_293 = arith.constant 16 : i32
      %mul3A_294 = arith.muli %add3A_292, %mul3A_293 : i32
      %get3A_295 = arith.index_cast %mul3A_294 : i32 to index
      %get3A_296 = tpu.vector_load %arg9[%get3A_295] {strides = array<i32>} : memref<2000xi32, #tpu.memory_space<vmem>>, vector<16xi32>,
      %shift_right_logical3A_297 = arith.constant 16 : i32
      %shift_right_logical3A_298 = vector.broadcast %shift_right_logical3A_297 : i32 to vector<16xi32>
      %shift_right_logical3A_299 = arith.shrui %get3A_296, %shift_right_logical3A_298 : vector<16xi32>
      %and3A_300 = arith.constant 65535 : i32
      %and3A_301 = vector.broadcast %and3A_300 : i32 to vector<16xi32>
      %and3A_302 = arith.andi %get3A_296, %and3A_301 : vector<16xi32>
      %gather3A_303 = tpu.vector_load_idx %arg8[%shift_right_logical3A_299] : memref<10000xi32, #tpu.memory_space<vmem>>[vector<16xi32>], vector<16xi32>,
      %gather3A_304 = tpu.vector_load_idx %arg8[%and3A_302] : memref<10000xi32, #tpu.memory_space<vmem>>[vector<16xi32>], vector<16xi32>,
      %ge3A_305 = arith.constant 0 : i32
      %ge3A_306 = vector.broadcast %ge3A_305 : i32 to vector<16xi32>
      %ge3A_307 = arith.cmpi sge, %gather3A_303, %ge3A_306 : vector<16xi32>
      %lt3A_308 = arith.constant 4 : i32
      %lt3A_309 = vector.broadcast %lt3A_308 : i32 to vector<16xi32>
      %lt3A_310 = arith.cmpi slt, %gather3A_303, %lt3A_309 : vector<16xi32>
      %and3A_311 = arith.andi %ge3A_307, %lt3A_310 : vector<16xi1>
      %gt3A_312 = arith.cmpi sgt, %gather3A_304, %gather3A_303 : vector<16xi32>
      %and3A_313 = arith.andi %and3A_311, %gt3A_312 : vector<16xi1>
      %swap3A_314 = arith.index_cast %add3A_288 : i32 to index
      %swap3A_315 = tpu.vector_load %arg11[%swap3A_314] masked %and3A_313 {strides = array<i32>} : memref<10064xi32, #tpu.memory_space<vmem>>, vector<16xi32>, vector<16xi1>
      tpu.vector_store %arg11[%swap3A_314], %get3A_296 masked %and3A_313 {strides = array<i32>} : memref<10064xi32, #tpu.memory_space<vmem>>, vector<16xi32>, vector<16xi1>
      %all_reduce_population_count3A_316 = tpu.all_reduce %and3A_313 {dim = 0 : i64, kind = #tpu.reduction_kind<sum>} : vector<16xi1> -> vector<16xi32>
      %slice3A_317 = vector.extract_strided_slice %all_reduce_population_count3A_316 {offsets = [0], sizes = [1], strides = [1]} : vector<16xi32> to vector<1xi32>
      %squeeze3A_318 = vector.extract %slice3A_317[0] : i32 from vector<1xi32>
      %add3A_319 = arith.addi %add3A_288, %squeeze3A_318 : i32
      %mul3A_320 = arith.constant 5 : i32
      %mul3A_321 = arith.muli %scan3A_201, %mul3A_320 : i32
      %add3A_322 = arith.constant 4 : i32
      %add3A_323 = arith.addi %mul3A_321, %add3A_322 : i32
      %mul3A_324 = arith.constant 16 : i32
      %mul3A_325 = arith.muli %add3A_323, %mul3A_324 : i32
      %get3A_326 = arith.index_cast %mul3A_325 : i32 to index
      %get3A_327 = tpu.vector_load %arg9[%get3A_326] {strides = array<i32>} : memref<2000xi32, #tpu.memory_space<vmem>>, vector<16xi32>,
      %shift_right_logical3A_328 = arith.constant 16 : i32
      %shift_right_logical3A_329 = vector.broadcast %shift_right_logical3A_328 : i32 to vector<16xi32>
      %shift_right_logical3A_330 = arith.shrui %get3A_327, %shift_right_logical3A_329 : vector<16xi32>
      %and3A_331 = arith.constant 65535 : i32
      %and3A_332 = vector.broadcast %and3A_331 : i32 to vector<16xi32>
      %and3A_333 = arith.andi %get3A_327, %and3A_332 : vector<16xi32>
      %gather3A_334 = tpu.vector_load_idx %arg8[%shift_right_logical3A_330] : memref<10000xi32, #tpu.memory_space<vmem>>[vector<16xi32>], vector<16xi32>,
      %gather3A_335 = tpu.vector_load_idx %arg8[%and3A_333] : memref<10000xi32, #tpu.memory_space<vmem>>[vector<16xi32>], vector<16xi32>,
      %ge3A_336 = arith.constant 0 : i32
      %ge3A_337 = vector.broadcast %ge3A_336 : i32 to vector<16xi32>
      %ge3A_338 = arith.cmpi sge, %gather3A_334, %ge3A_337 : vector<16xi32>
      %lt3A_339 = arith.constant 4 : i32
      %lt3A_340 = vector.broadcast %lt3A_339 : i32 to vector<16xi32>
      %lt3A_341 = arith.cmpi slt, %gather3A_334, %lt3A_340 : vector<16xi32>
      %and3A_342 = arith.andi %ge3A_338, %lt3A_341 : vector<16xi1>
      %gt3A_343 = arith.cmpi sgt, %gather3A_335, %gather3A_334 : vector<16xi32>
      %and3A_344 = arith.andi %and3A_342, %gt3A_343 : vector<16xi1>
      %swap3A_345 = arith.index_cast %add3A_319 : i32 to index
      %swap3A_346 = tpu.vector_load %arg11[%swap3A_345] masked %and3A_344 {strides = array<i32>} : memref<10064xi32, #tpu.memory_space<vmem>>, vector<16xi32>, vector<16xi1>
      tpu.vector_store %arg11[%swap3A_345], %get3A_327 masked %and3A_344 {strides = array<i32>} : memref<10064xi32, #tpu.memory_space<vmem>>, vector<16xi32>, vector<16xi1>
      %all_reduce_population_count3A_347 = tpu.all_reduce %and3A_344 {dim = 0 : i64, kind = #tpu.reduction_kind<sum>} : vector<16xi1> -> vector<16xi32>
      %slice3A_348 = vector.extract_strided_slice %all_reduce_population_count3A_347 {offsets = [0], sizes = [1], strides = [1]} : vector<16xi32> to vector<1xi32>
      %squeeze3A_349 = vector.extract %slice3A_348[0] : i32 from vector<1xi32>
      %add3A_350 = arith.addi %add3A_319, %squeeze3A_349 : i32
      scf.yield %add3A_350 : i32
    }
    %scan3A_84 = arith.constant 25 : i32
    %iota3A = tpu.iota {dimensions = array<i32: 0>} : vector<16xi32>
    %add3A_85 = arith.constant 10000 : i32
    %add3A_86 = vector.broadcast %add3A_85 : i32 to vector<16xi32>
    %add3A_87 = arith.addi %add3A_86, %iota3A : vector<16xi32>
    %add3A_88 = arith.constant 0 : i32
    %add3A_89 = arith.addi %scan3A_83, %add3A_88 : i32
    %swap3A = arith.index_cast %add3A_89 : i32 to index
    %swap3A_90 = tpu.vector_load %arg11[%swap3A] {strides = array<i32>} : memref<10064xi32, #tpu.memory_space<vmem>>, vector<16xi32>,
    tpu.vector_store %arg11[%swap3A], %add3A_87 {strides = array<i32>} : memref<10064xi32, #tpu.memory_space<vmem>>, vector<16xi32>,
    %iota3A_91 = tpu.iota {dimensions = array<i32: 0>} : vector<16xi32>
    %add3A_92 = arith.constant 10016 : i32
    %add3A_93 = vector.broadcast %add3A_92 : i32 to vector<16xi32>
    %add3A_94 = arith.addi %add3A_93, %iota3A_91 : vector<16xi32>
    %add3A_95 = arith.constant 16 : i32
    %add3A_96 = arith.addi %scan3A_83, %add3A_95 : i32
    %swap3A_97 = arith.index_cast %add3A_96 : i32 to index
    %swap3A_98 = tpu.vector_load %arg11[%swap3A_97] {strides = array<i32>} : memref<10064xi32, #tpu.memory_space<vmem>>, vector<16xi32>,
    tpu.vector_store %arg11[%swap3A_97], %add3A_94 {strides = array<i32>} : memref<10064xi32, #tpu.memory_space<vmem>>, vector<16xi32>,
    %iota3A_99 = tpu.iota {dimensions = array<i32: 0>} : vector<16xi32>
    %add3A_100 = arith.constant 10032 : i32
    %add3A_101 = vector.broadcast %add3A_100 : i32 to vector<16xi32>
    %add3A_102 = arith.addi %add3A_101, %iota3A_99 : vector<16xi32>
    %add3A_103 = arith.constant 32 : i32
    %add3A_104 = arith.addi %scan3A_83, %add3A_103 : i32
    %swap3A_105 = arith.index_cast %add3A_104 : i32 to index
    %swap3A_106 = tpu.vector_load %arg11[%swap3A_105] {strides = array<i32>} : memref<10064xi32, #tpu.memory_space<vmem>>, vector<16xi32>,
    tpu.vector_store %arg11[%swap3A_105], %add3A_102 {strides = array<i32>} : memref<10064xi32, #tpu.memory_space<vmem>>, vector<16xi32>,
    %iota3A_107 = tpu.iota {dimensions = array<i32: 0>} : vector<16xi32>
    %add3A_108 = arith.constant 10048 : i32
    %add3A_109 = vector.broadcast %add3A_108 : i32 to vector<16xi32>
    %add3A_110 = arith.addi %add3A_109, %iota3A_107 : vector<16xi32>
    %add3A_111 = arith.constant 48 : i32
    %add3A_112 = arith.addi %scan3A_83, %add3A_111 : i32
    %swap3A_113 = arith.index_cast %add3A_112 : i32 to index
    %swap3A_114 = tpu.vector_load %arg11[%swap3A_113] {strides = array<i32>} : memref<10064xi32, #tpu.memory_space<vmem>>, vector<16xi32>,
    tpu.vector_store %arg11[%swap3A_113], %add3A_110 {strides = array<i32>} : memref<10064xi32, #tpu.memory_space<vmem>>, vector<16xi32>,
    %add3A_115 = arith.constant 64 : i32
    %add3A_116 = arith.addi %scan3A_83, %add3A_115 : i32
    %sub3A = arith.constant 1 : i32
    %sub3A_117 = arith.subi %add3A_116, %sub3A : i32
    %jit3A = arith.constant 64 : i32
    %div3A = arith.divsi %sub3A_117, %jit3A : i32
    %sign3A = arith.constant 0 : i32
    %sign3A_118 = arith.cmpi sgt, %sub3A_117, %sign3A : i32
    %sign3A_119 = arith.extui %sign3A_118 : i1 to i32
    %sign3A_120 = arith.constant 0 : i32
    %sign3A_121 = arith.cmpi slt, %sub3A_117, %sign3A_120 : i32
    %sign3A_122 = arith.extui %sign3A_121 : i1 to i32
    %sign3A_123 = arith.subi %sign3A_119, %sign3A_122 : i32
    %sign3A_124 = arith.constant 0 : i32
    %sign3A_125 = arith.cmpi sgt, %jit3A, %sign3A_124 : i32
    %sign3A_126 = arith.extui %sign3A_125 : i1 to i32
    %sign3A_127 = arith.constant 0 : i32
    %sign3A_128 = arith.cmpi slt, %jit3A, %sign3A_127 : i32
    %sign3A_129 = arith.extui %sign3A_128 : i1 to i32
    %sign3A_130 = arith.subi %sign3A_126, %sign3A_129 : i32
    %ne3A = arith.cmpi ne, %sign3A_123, %sign3A_130 : i32
    %rem3A = arith.remsi %sub3A_117, %jit3A : i32
    %ne3A_131 = arith.constant 0 : i32
    %ne3A_132 = arith.cmpi ne, %rem3A, %ne3A_131 : i32
    %and3A_133 = arith.andi %ne3A, %ne3A_132 : i1
    %sub3A_134 = arith.constant 1 : i32
    %sub3A_135 = arith.subi %div3A, %sub3A_134 : i32
    %select_n3A = arith.select %and3A_133, %sub3A_135, %div3A : i32
    %eq3A_136 = arith.constant 0 : i32
    %eq3A_137 = arith.cmpi eq, %arg0, %eq3A_136 : i32
    %lt3A_138 = arith.constant 15 : i32
    %lt3A_139 = arith.cmpi slt, %arg1, %lt3A_138 : i32
    %and3A_140 = arith.andi %eq3A_137, %lt3A_139 : i1
    %convert_element_type3A_141 = arith.extui %and3A_140 : i1 to i32
    %cond3A_142 = arith.constant 0 : i32
    %cond3A_143 = arith.cmpi ne, %convert_element_type3A_141, %cond3A_142 : i32
    scf.if %cond3A_143 {
      %mul3A_201 = arith.constant 640 : i32
      %mul3A_202 = arith.muli %arg1, %mul3A_201 : i32
      %mul3A_203 = arith.constant 640 : i32
      %mul3A_204 = arith.muli %arg1, %mul3A_203 : i32
      %dma_wait3A_205 = arith.constant 0 : i32
      %dma_wait3A_206 = tpu.memref_slice %arg18[%mul3A_204, %dma_wait3A_205] : memref<10240x128xf32, #tpu.memory_space<vmem_shared>> -> memref<640x128xf32, #tpu.memory_space<vmem_shared>>
      %dma_wait3A_207 = arith.constant 0 : i32
      %dma_wait3A_208 = tpu.memref_slice %arg5[%mul3A_202, %dma_wait3A_207] : memref<10000x128xf32, #tpu.memory_space<hbm>> -> memref<640x128xf32, #tpu.memory_space<hbm>>
      tpu.wait_dma2 semaphore(%arg19 : memref<!tpu.dma_semaphore, #tpu.memory_space<semaphore_mem>>) src(%dma_wait3A_208 : memref<640x128xf32, #tpu.memory_space<hbm>>) dst(%dma_wait3A_206 : memref<640x128xf32, #tpu.memory_space<vmem_shared>>)
    } else {
    }
    %eq3A_144 = arith.constant 0 : i32
    %eq3A_145 = arith.cmpi eq, %arg0, %eq3A_144 : i32
    %eq3A_146 = arith.constant 15 : i32
    %eq3A_147 = arith.cmpi eq, %arg1, %eq3A_146 : i32
    %and3A_148 = arith.andi %eq3A_145, %eq3A_147 : i1
    %convert_element_type3A_149 = arith.extui %and3A_148 : i1 to i32
    %cond3A_150 = arith.constant 0 : i32
    %cond3A_151 = arith.cmpi ne, %convert_element_type3A_149, %cond3A_150 : i32
    scf.if %cond3A_151 {
      %dma_wait3A_201 = arith.constant 9600 : i32
      %dma_wait3A_202 = arith.constant 0 : i32
      %dma_wait3A_203 = tpu.memref_slice %arg18[%dma_wait3A_201, %dma_wait3A_202] : memref<10240x128xf32, #tpu.memory_space<vmem_shared>> -> memref<400x128xf32, #tpu.memory_space<vmem_shared>>
      %dma_wait3A_204 = arith.constant 9600 : i32
      %dma_wait3A_205 = arith.constant 0 : i32
      %dma_wait3A_206 = tpu.memref_slice %arg5[%dma_wait3A_204, %dma_wait3A_205] : memref<10000x128xf32, #tpu.memory_space<hbm>> -> memref<400x128xf32, #tpu.memory_space<hbm>>
      tpu.wait_dma2 semaphore(%arg19 : memref<!tpu.dma_semaphore, #tpu.memory_space<semaphore_mem>>) src(%dma_wait3A_206 : memref<400x128xf32, #tpu.memory_space<hbm>>) dst(%dma_wait3A_203 : memref<400x128xf32, #tpu.memory_space<vmem_shared>>)
      %dma_wait3A_207 = arith.constant 10000 : i32
      %dma_wait3A_208 = arith.constant 0 : i32
      %dma_wait3A_209 = tpu.memref_slice %arg18[%dma_wait3A_207, %dma_wait3A_208] : memref<10240x128xf32, #tpu.memory_space<vmem_shared>> -> memref<240x128xf32, #tpu.memory_space<vmem_shared>>
      %dma_wait3A_210 = arith.constant 0 : i32
      %dma_wait3A_211 = arith.constant 0 : i32
      %dma_wait3A_212 = tpu.memref_slice %arg6[%dma_wait3A_210, %dma_wait3A_211] : memref<640x128xf32, #tpu.memory_space<hbm>> -> memref<240x128xf32, #tpu.memory_space<hbm>>
      tpu.wait_dma2 semaphore(%arg19 : memref<!tpu.dma_semaphore, #tpu.memory_space<semaphore_mem>>) src(%dma_wait3A_212 : memref<240x128xf32, #tpu.memory_space<hbm>>) dst(%dma_wait3A_209 : memref<240x128xf32, #tpu.memory_space<vmem_shared>>)
    } else {
    }
    %eq3A_152 = arith.constant 1 : i32
    %eq3A_153 = arith.cmpi eq, %arg0, %eq3A_152 : i32
    %convert_element_type3A_154 = arith.extui %eq3A_153 : i1 to i32
    %cond3A_155 = arith.constant 0 : i32
    %cond3A_156 = arith.cmpi ne, %convert_element_type3A_154, %cond3A_155 : i32
    scf.if %cond3A_156 {
      %mul3A_201 = arith.constant 640 : i32
      %mul3A_202 = arith.muli %arg1, %mul3A_201 : i32
      %dma_wait3A_203 = arith.constant 0 : i32
      %dma_wait3A_204 = tpu.memref_slice %arg18[%mul3A_202, %dma_wait3A_203] : memref<10240x128xf32, #tpu.memory_space<vmem_shared>> -> memref<640x128xf32, #tpu.memory_space<vmem_shared>>
      tpu.wait_dma2 semaphore(%arg19 : memref<!tpu.dma_semaphore, #tpu.memory_space<semaphore_mem>>) src(%arg6 : memref<640x128xf32, #tpu.memory_space<hbm>>) dst(%dma_wait3A_204 : memref<640x128xf32, #tpu.memory_space<vmem_shared>>)
    } else {
    }
    %barrier3A = arith.constant 0 : index
    tpu.barrier barrier_id(%barrier3A)
    %gt3A = arith.constant 0 : i32
    %gt3A_157 = arith.cmpi sgt, %select_n3A, %gt3A : i32
    %convert_element_type3A_158 = arith.extui %gt3A_157 : i1 to i32
    %cond3A_159 = arith.constant 0 : i32
    %cond3A_160 = arith.cmpi ne, %convert_element_type3A_158, %cond3A_159 : i32
    scf.if %cond3A_160 {
      %get3A = arith.constant 0 : index
      %get3A_201 = tpu.vector_load %arg11[%get3A] {strides = array<i32>} : memref<10064xi32, #tpu.memory_space<vmem>>, vector<16xi32>,
      %shift_right_logical3A = arith.constant 16 : i32
      %shift_right_logical3A_202 = vector.broadcast %shift_right_logical3A : i32 to vector<16xi32>
      %shift_right_logical3A_203 = arith.shrui %get3A_201, %shift_right_logical3A_202 : vector<16xi32>
      %swap3A_204 = arith.constant 0 : index
      %swap3A_205 = tpu.vector_load %arg12[%swap3A_204] {strides = array<i32>} : memref<64xi32, #tpu.memory_space<vmem>>, vector<16xi32>,
      tpu.vector_store %arg12[%swap3A_204], %shift_right_logical3A_203 {strides = array<i32>} : memref<64xi32, #tpu.memory_space<vmem>>, vector<16xi32>,
      %and3A_206 = arith.constant 65535 : i32
      %and3A_207 = vector.broadcast %and3A_206 : i32 to vector<16xi32>
      %and3A_208 = arith.andi %get3A_201, %and3A_207 : vector<16xi32>
      %swap3A_209 = arith.constant 0 : index
      %swap3A_210 = tpu.vector_load %arg14[%swap3A_209] {strides = array<i32>} : memref<64xi32, #tpu.memory_space<vmem>>, vector<16xi32>,
      tpu.vector_store %arg14[%swap3A_209], %and3A_208 {strides = array<i32>} : memref<64xi32, #tpu.memory_space<vmem>>, vector<16xi32>,
      %get3A_211 = arith.constant 16 : index
      %get3A_212 = tpu.vector_load %arg11[%get3A_211] {strides = array<i32>} : memref<10064xi32, #tpu.memory_space<vmem>>, vector<16xi32>,
      %shift_right_logical3A_213 = arith.constant 16 : i32
      %shift_right_logical3A_214 = vector.broadcast %shift_right_logical3A_213 : i32 to vector<16xi32>
      %shift_right_logical3A_215 = arith.shrui %get3A_212, %shift_right_logical3A_214 : vector<16xi32>
      %swap3A_216 = arith.constant 16 : index
      %swap3A_217 = tpu.vector_load %arg12[%swap3A_216] {strides = array<i32>} : memref<64xi32, #tpu.memory_space<vmem>>, vector<16xi32>,
      tpu.vector_store %arg12[%swap3A_216], %shift_right_logical3A_215 {strides = array<i32>} : memref<64xi32, #tpu.memory_space<vmem>>, vector<16xi32>,
      %and3A_218 = arith.constant 65535 : i32
      %and3A_219 = vector.broadcast %and3A_218 : i32 to vector<16xi32>
      %and3A_220 = arith.andi %get3A_212, %and3A_219 : vector<16xi32>
      %swap3A_221 = arith.constant 16 : index
      %swap3A_222 = tpu.vector_load %arg14[%swap3A_221] {strides = array<i32>} : memref<64xi32, #tpu.memory_space<vmem>>, vector<16xi32>,
      tpu.vector_store %arg14[%swap3A_221], %and3A_220 {strides = array<i32>} : memref<64xi32, #tpu.memory_space<vmem>>, vector<16xi32>,
      %get3A_223 = arith.constant 32 : index
      %get3A_224 = tpu.vector_load %arg11[%get3A_223] {strides = array<i32>} : memref<10064xi32, #tpu.memory_space<vmem>>, vector<16xi32>,
      %shift_right_logical3A_225 = arith.constant 16 : i32
      %shift_right_logical3A_226 = vector.broadcast %shift_right_logical3A_225 : i32 to vector<16xi32>
      %shift_right_logical3A_227 = arith.shrui %get3A_224, %shift_right_logical3A_226 : vector<16xi32>
      %swap3A_228 = arith.constant 32 : index
      %swap3A_229 = tpu.vector_load %arg12[%swap3A_228] {strides = array<i32>} : memref<64xi32, #tpu.memory_space<vmem>>, vector<16xi32>,
      tpu.vector_store %arg12[%swap3A_228], %shift_right_logical3A_227 {strides = array<i32>} : memref<64xi32, #tpu.memory_space<vmem>>, vector<16xi32>,
      %and3A_230 = arith.constant 65535 : i32
      %and3A_231 = vector.broadcast %and3A_230 : i32 to vector<16xi32>
      %and3A_232 = arith.andi %get3A_224, %and3A_231 : vector<16xi32>
      %swap3A_233 = arith.constant 32 : index
      %swap3A_234 = tpu.vector_load %arg14[%swap3A_233] {strides = array<i32>} : memref<64xi32, #tpu.memory_space<vmem>>, vector<16xi32>,
      tpu.vector_store %arg14[%swap3A_233], %and3A_232 {strides = array<i32>} : memref<64xi32, #tpu.memory_space<vmem>>, vector<16xi32>,
      %get3A_235 = arith.constant 48 : index
      %get3A_236 = tpu.vector_load %arg11[%get3A_235] {strides = array<i32>} : memref<10064xi32, #tpu.memory_space<vmem>>, vector<16xi32>,
      %shift_right_logical3A_237 = arith.constant 16 : i32
      %shift_right_logical3A_238 = vector.broadcast %shift_right_logical3A_237 : i32 to vector<16xi32>
      %shift_right_logical3A_239 = arith.shrui %get3A_236, %shift_right_logical3A_238 : vector<16xi32>
      %swap3A_240 = arith.constant 48 : index
      %swap3A_241 = tpu.vector_load %arg12[%swap3A_240] {strides = array<i32>} : memref<64xi32, #tpu.memory_space<vmem>>, vector<16xi32>,
      tpu.vector_store %arg12[%swap3A_240], %shift_right_logical3A_239 {strides = array<i32>} : memref<64xi32, #tpu.memory_space<vmem>>, vector<16xi32>,
      %and3A_242 = arith.constant 65535 : i32
      %and3A_243 = vector.broadcast %and3A_242 : i32 to vector<16xi32>
      %and3A_244 = arith.andi %get3A_236, %and3A_243 : vector<16xi32>
      %swap3A_245 = arith.constant 48 : index
      %swap3A_246 = tpu.vector_load %arg14[%swap3A_245] {strides = array<i32>} : memref<64xi32, #tpu.memory_space<vmem>>, vector<16xi32>,
      tpu.vector_store %arg14[%swap3A_245], %and3A_244 {strides = array<i32>} : memref<64xi32, #tpu.memory_space<vmem>>, vector<16xi32>,
      %dma_start3A_247 = arith.constant 0 : i32
      %dma_start3A_248 = arith.constant 0 : i32
      %dma_start3A_249 = tpu.memref_slice %arg2[%dma_start3A_247, %dma_start3A_248] : memref<10000x128xf32, #tpu.memory_space<hbm>> -> memref<10000x128xf32, #tpu.memory_space<hbm>>
      tpu.enqueue_indirect_dma source(%dma_start3A_249 : memref<10000x128xf32, #tpu.memory_space<hbm>>) target(%arg16 : memref<64x128xf32, #tpu.memory_space<vmem>>) offsets(%arg12 : memref<64xi32, #tpu.memory_space<vmem>>) semaphore(%arg23 : memref<!tpu.dma_semaphore, #tpu.memory_space<semaphore_mem>>)
    } else {
    }
    %add3A_161 = arith.constant 1 : i32
    %add3A_162 = arith.addi %select_n3A, %add3A_161 : i32
    %jit3A_163 = arith.constant 2 : i32
    %div3A_164 = arith.divsi %add3A_162, %jit3A_163 : i32
    %sign3A_165 = arith.constant 0 : i32
    %sign3A_166 = arith.cmpi sgt, %add3A_162, %sign3A_165 : i32
    %sign3A_167 = arith.extui %sign3A_166 : i1 to i32
    %sign3A_168 = arith.constant 0 : i32
    %sign3A_169 = arith.cmpi slt, %add3A_162, %sign3A_168 : i32
    %sign3A_170 = arith.extui %sign3A_169 : i1 to i32
    %sign3A_171 = arith.subi %sign3A_167, %sign3A_170 : i32
    %sign3A_172 = arith.constant 0 : i32
    %sign3A_173 = arith.cmpi sgt, %jit3A_163, %sign3A_172 : i32
    %sign3A_174 = arith.extui %sign3A_173 : i1 to i32
    %sign3A_175 = arith.constant 0 : i32
    %sign3A_176 = arith.cmpi slt, %jit3A_163, %sign3A_175 : i32
    %sign3A_177 = arith.extui %sign3A_176 : i1 to i32
    %sign3A_178 = arith.subi %sign3A_174, %sign3A_177 : i32
    %ne3A_179 = arith.cmpi ne, %sign3A_171, %sign3A_178 : i32
    %rem3A_180 = arith.remsi %add3A_162, %jit3A_163 : i32
    %ne3A_181 = arith.constant 0 : i32
    %ne3A_182 = arith.cmpi ne, %rem3A_180, %ne3A_181 : i32
    %and3A_183 = arith.andi %ne3A_179, %ne3A_182 : i1
    %sub3A_184 = arith.constant 1 : i32
    %sub3A_185 = arith.subi %div3A_164, %sub3A_184 : i32
    %select_n3A_186 = arith.select %and3A_183, %sub3A_185, %div3A_164 : i32
    %while3A = arith.constant 0 : i32
    %while3A_187 = arith.constant 0 : i32
    %while3A_188 = arith.subi %select_n3A_186, %while3A_187 : i32
    %while3A_189 = arith.addi %while3A_187, %while3A_188 : i32
    %while3A_190 = arith.constant 1 : i32
    %while3A_191 = arith.divsi %while3A_188, %while3A_190 : i32
    %while3A_192 = arith.muli %while3A_191, %while3A_190 : i32
    %while3A_193 = arith.addi %while3A_187, %while3A_192 : i32
    %while3A_194 = arith.constant 1 : i32
    scf.for %while3A_201 = %while3A_187 to %while3A_193 step %while3A_194  : i32 {
      %mul3A_202 = arith.constant 2 : i32
      %mul3A_203 = arith.muli %mul3A_202, %while3A_201 : i32
      %add3A_204 = arith.constant 1 : i32
      %add3A_205 = arith.addi %mul3A_203, %add3A_204 : i32
      %lt3A_206 = arith.cmpi slt, %add3A_205, %select_n3A : i32
      %convert_element_type3A_207 = arith.extui %lt3A_206 : i1 to i32
      %cond3A_208 = arith.constant 0 : i32
      %cond3A_209 = arith.cmpi ne, %convert_element_type3A_207, %cond3A_208 : i32
      scf.if %cond3A_209 {
        %mul3A_223 = arith.constant 64 : i32
        %mul3A_224 = arith.muli %add3A_205, %mul3A_223 : i32
        %add3A_225 = arith.constant 0 : i32
        %add3A_226 = arith.addi %mul3A_224, %add3A_225 : i32
        %get3A = arith.index_cast %add3A_226 : i32 to index
        %get3A_227 = tpu.vector_load %arg11[%get3A] {strides = array<i32>} : memref<10064xi32, #tpu.memory_space<vmem>>, vector<16xi32>,
        %shift_right_logical3A = arith.constant 16 : i32
        %shift_right_logical3A_228 = vector.broadcast %shift_right_logical3A : i32 to vector<16xi32>
        %shift_right_logical3A_229 = arith.shrui %get3A_227, %shift_right_logical3A_228 : vector<16xi32>
        %swap3A_230 = arith.constant 0 : index
        %swap3A_231 = tpu.vector_load %arg13[%swap3A_230] {strides = array<i32>} : memref<64xi32, #tpu.memory_space<vmem>>, vector<16xi32>,
        tpu.vector_store %arg13[%swap3A_230], %shift_right_logical3A_229 {strides = array<i32>} : memref<64xi32, #tpu.memory_space<vmem>>, vector<16xi32>,
        %and3A_232 = arith.constant 65535 : i32
        %and3A_233 = vector.broadcast %and3A_232 : i32 to vector<16xi32>
        %and3A_234 = arith.andi %get3A_227, %and3A_233 : vector<16xi32>
        %swap3A_235 = arith.constant 0 : index
        %swap3A_236 = tpu.vector_load %arg15[%swap3A_235] {strides = array<i32>} : memref<64xi32, #tpu.memory_space<vmem>>, vector<16xi32>,
        tpu.vector_store %arg15[%swap3A_235], %and3A_234 {strides = array<i32>} : memref<64xi32, #tpu.memory_space<vmem>>, vector<16xi32>,
        %mul3A_237 = arith.constant 64 : i32
        %mul3A_238 = arith.muli %add3A_205, %mul3A_237 : i32
        %add3A_239 = arith.constant 16 : i32
        %add3A_240 = arith.addi %mul3A_238, %add3A_239 : i32
        %get3A_241 = arith.index_cast %add3A_240 : i32 to index
        %get3A_242 = tpu.vector_load %arg11[%get3A_241] {strides = array<i32>} : memref<10064xi32, #tpu.memory_space<vmem>>, vector<16xi32>,
        %shift_right_logical3A_243 = arith.constant 16 : i32
        %shift_right_logical3A_244 = vector.broadcast %shift_right_logical3A_243 : i32 to vector<16xi32>
        %shift_right_logical3A_245 = arith.shrui %get3A_242, %shift_right_logical3A_244 : vector<16xi32>
        %swap3A_246 = arith.constant 16 : index
        %swap3A_247 = tpu.vector_load %arg13[%swap3A_246] {strides = array<i32>} : memref<64xi32, #tpu.memory_space<vmem>>, vector<16xi32>,
        tpu.vector_store %arg13[%swap3A_246], %shift_right_logical3A_245 {strides = array<i32>} : memref<64xi32, #tpu.memory_space<vmem>>, vector<16xi32>,
        %and3A_248 = arith.constant 65535 : i32
        %and3A_249 = vector.broadcast %and3A_248 : i32 to vector<16xi32>
        %and3A_250 = arith.andi %get3A_242, %and3A_249 : vector<16xi32>
        %swap3A_251 = arith.constant 16 : index
        %swap3A_252 = tpu.vector_load %arg15[%swap3A_251] {strides = array<i32>} : memref<64xi32, #tpu.memory_space<vmem>>, vector<16xi32>,
        tpu.vector_store %arg15[%swap3A_251], %and3A_250 {strides = array<i32>} : memref<64xi32, #tpu.memory_space<vmem>>, vector<16xi32>,
        %mul3A_253 = arith.constant 64 : i32
        %mul3A_254 = arith.muli %add3A_205, %mul3A_253 : i32
        %add3A_255 = arith.constant 32 : i32
        %add3A_256 = arith.addi %mul3A_254, %add3A_255 : i32
        %get3A_257 = arith.index_cast %add3A_256 : i32 to index
        %get3A_258 = tpu.vector_load %arg11[%get3A_257] {strides = array<i32>} : memref<10064xi32, #tpu.memory_space<vmem>>, vector<16xi32>,
        %shift_right_logical3A_259 = arith.constant 16 : i32
        %shift_right_logical3A_260 = vector.broadcast %shift_right_logical3A_259 : i32 to vector<16xi32>
        %shift_right_logical3A_261 = arith.shrui %get3A_258, %shift_right_logical3A_260 : vector<16xi32>
        %swap3A_262 = arith.constant 32 : index
        %swap3A_263 = tpu.vector_load %arg13[%swap3A_262] {strides = array<i32>} : memref<64xi32, #tpu.memory_space<vmem>>, vector<16xi32>,
        tpu.vector_store %arg13[%swap3A_262], %shift_right_logical3A_261 {strides = array<i32>} : memref<64xi32, #tpu.memory_space<vmem>>, vector<16xi32>,
        %and3A_264 = arith.constant 65535 : i32
        %and3A_265 = vector.broadcast %and3A_264 : i32 to vector<16xi32>
        %and3A_266 = arith.andi %get3A_258, %and3A_265 : vector<16xi32>
        %swap3A_267 = arith.constant 32 : index
        %swap3A_268 = tpu.vector_load %arg15[%swap3A_267] {strides = array<i32>} : memref<64xi32, #tpu.memory_space<vmem>>, vector<16xi32>,
        tpu.vector_store %arg15[%swap3A_267], %and3A_266 {strides = array<i32>} : memref<64xi32, #tpu.memory_space<vmem>>, vector<16xi32>,
        %mul3A_269 = arith.constant 64 : i32
        %mul3A_270 = arith.muli %add3A_205, %mul3A_269 : i32
        %add3A_271 = arith.constant 48 : i32
        %add3A_272 = arith.addi %mul3A_270, %add3A_271 : i32
        %get3A_273 = arith.index_cast %add3A_272 : i32 to index
        %get3A_274 = tpu.vector_load %arg11[%get3A_273] {strides = array<i32>} : memref<10064xi32, #tpu.memory_space<vmem>>, vector<16xi32>,
        %shift_right_logical3A_275 = arith.constant 16 : i32
        %shift_right_logical3A_276 = vector.broadcast %shift_right_logical3A_275 : i32 to vector<16xi32>
        %shift_right_logical3A_277 = arith.shrui %get3A_274, %shift_right_logical3A_276 : vector<16xi32>
        %swap3A_278 = arith.constant 48 : index
        %swap3A_279 = tpu.vector_load %arg13[%swap3A_278] {strides = array<i32>} : memref<64xi32, #tpu.memory_space<vmem>>, vector<16xi32>,
        tpu.vector_store %arg13[%swap3A_278], %shift_right_logical3A_277 {strides = array<i32>} : memref<64xi32, #tpu.memory_space<vmem>>, vector<16xi32>,
        %and3A_280 = arith.constant 65535 : i32
        %and3A_281 = vector.broadcast %and3A_280 : i32 to vector<16xi32>
        %and3A_282 = arith.andi %get3A_274, %and3A_281 : vector<16xi32>
        %swap3A_283 = arith.constant 48 : index
        %swap3A_284 = tpu.vector_load %arg15[%swap3A_283] {strides = array<i32>} : memref<64xi32, #tpu.memory_space<vmem>>, vector<16xi32>,
        tpu.vector_store %arg15[%swap3A_283], %and3A_282 {strides = array<i32>} : memref<64xi32, #tpu.memory_space<vmem>>, vector<16xi32>,
        %dma_start3A_285 = arith.constant 0 : i32
        %dma_start3A_286 = arith.constant 0 : i32
        %dma_start3A_287 = tpu.memref_slice %arg2[%dma_start3A_285, %dma_start3A_286] : memref<10000x128xf32, #tpu.memory_space<hbm>> -> memref<10000x128xf32, #tpu.memory_space<hbm>>
        tpu.enqueue_indirect_dma source(%dma_start3A_287 : memref<10000x128xf32, #tpu.memory_space<hbm>>) target(%arg17 : memref<64x128xf32, #tpu.memory_space<vmem>>) offsets(%arg13 : memref<64xi32, #tpu.memory_space<vmem>>) semaphore(%arg24 : memref<!tpu.dma_semaphore, #tpu.memory_space<semaphore_mem>>)
      } else {
      }
      %dma_wait3A_210 = arith.constant 0 : i32
      %dma_wait3A_211 = arith.constant 0 : i32
      %dma_wait3A_212 = tpu.memref_slice %arg2[%dma_wait3A_210, %dma_wait3A_211] : memref<10000x128xf32, #tpu.memory_space<hbm>> -> memref<10000x128xf32, #tpu.memory_space<hbm>>
      tpu.wait_indirect_dma semaphore(%arg23 : memref<!tpu.dma_semaphore, #tpu.memory_space<semaphore_mem>>) src(%dma_wait3A_212 : memref<10000x128xf32, #tpu.memory_space<hbm>>) dst(%arg16 : memref<64x128xf32, #tpu.memory_space<vmem>>)
      "tpu.region"() ({
        %run_scoped3A = tpu.sem_alloc : memref<!tpu.dma_semaphore, #tpu.memory_space<semaphore_mem>>
        %dma_start3A_223 = arith.constant 0 : i32
        %dma_start3A_224 = arith.constant 0 : i32
        %dma_start3A_225 = tpu.memref_slice %arg18[%dma_start3A_223, %dma_start3A_224] : memref<10240x128xf32, #tpu.memory_space<vmem_shared>> -> memref<10240x128xf32, #tpu.memory_space<vmem_shared>>
        tpu.enqueue_indirect_dma source(%arg16 : memref<64x128xf32, #tpu.memory_space<vmem>>) target(%dma_start3A_225 : memref<10240x128xf32, #tpu.memory_space<vmem_shared>>) offsets(%arg14 : memref<64xi32, #tpu.memory_space<vmem>>) semaphore(%run_scoped3A : memref<!tpu.dma_semaphore, #tpu.memory_space<semaphore_mem>>) {add = true}
        %dma_wait3A_226 = arith.constant 0 : i32
        %dma_wait3A_227 = arith.constant 0 : i32
        %dma_wait3A_228 = tpu.memref_slice %arg18[%dma_wait3A_226, %dma_wait3A_227] : memref<10240x128xf32, #tpu.memory_space<vmem_shared>> -> memref<10240x128xf32, #tpu.memory_space<vmem_shared>>
        tpu.wait_indirect_dma semaphore(%run_scoped3A : memref<!tpu.dma_semaphore, #tpu.memory_space<semaphore_mem>>) src(%arg16 : memref<64x128xf32, #tpu.memory_space<vmem>>) dst(%dma_wait3A_228 : memref<10240x128xf32, #tpu.memory_space<vmem_shared>>)
        tpu.yield
      }) : () -> ()
      %add3A_213 = arith.constant 2 : i32
      %add3A_214 = arith.addi %mul3A_203, %add3A_213 : i32
      %lt3A_215 = arith.cmpi slt, %add3A_214, %select_n3A : i32
      %convert_element_type3A_216 = arith.extui %lt3A_215 : i1 to i32
      %cond3A_217 = arith.constant 0 : i32
      %cond3A_218 = arith.cmpi ne, %convert_element_type3A_216, %cond3A_217 : i32
      scf.if %cond3A_218 {
        %add3A_223 = arith.constant 2 : i32
        %add3A_224 = arith.addi %mul3A_203, %add3A_223 : i32
        %mul3A_225 = arith.constant 64 : i32
        %mul3A_226 = arith.muli %add3A_224, %mul3A_225 : i32
        %add3A_227 = arith.constant 0 : i32
        %add3A_228 = arith.addi %mul3A_226, %add3A_227 : i32
        %get3A = arith.index_cast %add3A_228 : i32 to index
        %get3A_229 = tpu.vector_load %arg11[%get3A] {strides = array<i32>} : memref<10064xi32, #tpu.memory_space<vmem>>, vector<16xi32>,
        %shift_right_logical3A = arith.constant 16 : i32
        %shift_right_logical3A_230 = vector.broadcast %shift_right_logical3A : i32 to vector<16xi32>
        %shift_right_logical3A_231 = arith.shrui %get3A_229, %shift_right_logical3A_230 : vector<16xi32>
        %swap3A_232 = arith.constant 0 : index
        %swap3A_233 = tpu.vector_load %arg12[%swap3A_232] {strides = array<i32>} : memref<64xi32, #tpu.memory_space<vmem>>, vector<16xi32>,
        tpu.vector_store %arg12[%swap3A_232], %shift_right_logical3A_231 {strides = array<i32>} : memref<64xi32, #tpu.memory_space<vmem>>, vector<16xi32>,
        %and3A_234 = arith.constant 65535 : i32
        %and3A_235 = vector.broadcast %and3A_234 : i32 to vector<16xi32>
        %and3A_236 = arith.andi %get3A_229, %and3A_235 : vector<16xi32>
        %swap3A_237 = arith.constant 0 : index
        %swap3A_238 = tpu.vector_load %arg14[%swap3A_237] {strides = array<i32>} : memref<64xi32, #tpu.memory_space<vmem>>, vector<16xi32>,
        tpu.vector_store %arg14[%swap3A_237], %and3A_236 {strides = array<i32>} : memref<64xi32, #tpu.memory_space<vmem>>, vector<16xi32>,
        %mul3A_239 = arith.constant 64 : i32
        %mul3A_240 = arith.muli %add3A_224, %mul3A_239 : i32
        %add3A_241 = arith.constant 16 : i32
        %add3A_242 = arith.addi %mul3A_240, %add3A_241 : i32
        %get3A_243 = arith.index_cast %add3A_242 : i32 to index
        %get3A_244 = tpu.vector_load %arg11[%get3A_243] {strides = array<i32>} : memref<10064xi32, #tpu.memory_space<vmem>>, vector<16xi32>,
        %shift_right_logical3A_245 = arith.constant 16 : i32
        %shift_right_logical3A_246 = vector.broadcast %shift_right_logical3A_245 : i32 to vector<16xi32>
        %shift_right_logical3A_247 = arith.shrui %get3A_244, %shift_right_logical3A_246 : vector<16xi32>
        %swap3A_248 = arith.constant 16 : index
        %swap3A_249 = tpu.vector_load %arg12[%swap3A_248] {strides = array<i32>} : memref<64xi32, #tpu.memory_space<vmem>>, vector<16xi32>,
        tpu.vector_store %arg12[%swap3A_248], %shift_right_logical3A_247 {strides = array<i32>} : memref<64xi32, #tpu.memory_space<vmem>>, vector<16xi32>,
        %and3A_250 = arith.constant 65535 : i32
        %and3A_251 = vector.broadcast %and3A_250 : i32 to vector<16xi32>
        %and3A_252 = arith.andi %get3A_244, %and3A_251 : vector<16xi32>
        %swap3A_253 = arith.constant 16 : index
        %swap3A_254 = tpu.vector_load %arg14[%swap3A_253] {strides = array<i32>} : memref<64xi32, #tpu.memory_space<vmem>>, vector<16xi32>,
        tpu.vector_store %arg14[%swap3A_253], %and3A_252 {strides = array<i32>} : memref<64xi32, #tpu.memory_space<vmem>>, vector<16xi32>,
        %mul3A_255 = arith.constant 64 : i32
        %mul3A_256 = arith.muli %add3A_224, %mul3A_255 : i32
        %add3A_257 = arith.constant 32 : i32
        %add3A_258 = arith.addi %mul3A_256, %add3A_257 : i32
        %get3A_259 = arith.index_cast %add3A_258 : i32 to index
        %get3A_260 = tpu.vector_load %arg11[%get3A_259] {strides = array<i32>} : memref<10064xi32, #tpu.memory_space<vmem>>, vector<16xi32>,
        %shift_right_logical3A_261 = arith.constant 16 : i32
        %shift_right_logical3A_262 = vector.broadcast %shift_right_logical3A_261 : i32 to vector<16xi32>
        %shift_right_logical3A_263 = arith.shrui %get3A_260, %shift_right_logical3A_262 : vector<16xi32>
        %swap3A_264 = arith.constant 32 : index
        %swap3A_265 = tpu.vector_load %arg12[%swap3A_264] {strides = array<i32>} : memref<64xi32, #tpu.memory_space<vmem>>, vector<16xi32>,
        tpu.vector_store %arg12[%swap3A_264], %shift_right_logical3A_263 {strides = array<i32>} : memref<64xi32, #tpu.memory_space<vmem>>, vector<16xi32>,
        %and3A_266 = arith.constant 65535 : i32
        %and3A_267 = vector.broadcast %and3A_266 : i32 to vector<16xi32>
        %and3A_268 = arith.andi %get3A_260, %and3A_267 : vector<16xi32>
        %swap3A_269 = arith.constant 32 : index
        %swap3A_270 = tpu.vector_load %arg14[%swap3A_269] {strides = array<i32>} : memref<64xi32, #tpu.memory_space<vmem>>, vector<16xi32>,
        tpu.vector_store %arg14[%swap3A_269], %and3A_268 {strides = array<i32>} : memref<64xi32, #tpu.memory_space<vmem>>, vector<16xi32>,
        %mul3A_271 = arith.constant 64 : i32
        %mul3A_272 = arith.muli %add3A_224, %mul3A_271 : i32
        %add3A_273 = arith.constant 48 : i32
        %add3A_274 = arith.addi %mul3A_272, %add3A_273 : i32
        %get3A_275 = arith.index_cast %add3A_274 : i32 to index
        %get3A_276 = tpu.vector_load %arg11[%get3A_275] {strides = array<i32>} : memref<10064xi32, #tpu.memory_space<vmem>>, vector<16xi32>,
        %shift_right_logical3A_277 = arith.constant 16 : i32
        %shift_right_logical3A_278 = vector.broadcast %shift_right_logical3A_277 : i32 to vector<16xi32>
        %shift_right_logical3A_279 = arith.shrui %get3A_276, %shift_right_logical3A_278 : vector<16xi32>
        %swap3A_280 = arith.constant 48 : index
        %swap3A_281 = tpu.vector_load %arg12[%swap3A_280] {strides = array<i32>} : memref<64xi32, #tpu.memory_space<vmem>>, vector<16xi32>,
        tpu.vector_store %arg12[%swap3A_280], %shift_right_logical3A_279 {strides = array<i32>} : memref<64xi32, #tpu.memory_space<vmem>>, vector<16xi32>,
        %and3A_282 = arith.constant 65535 : i32
        %and3A_283 = vector.broadcast %and3A_282 : i32 to vector<16xi32>
        %and3A_284 = arith.andi %get3A_276, %and3A_283 : vector<16xi32>
        %swap3A_285 = arith.constant 48 : index
        %swap3A_286 = tpu.vector_load %arg14[%swap3A_285] {strides = array<i32>} : memref<64xi32, #tpu.memory_space<vmem>>, vector<16xi32>,
        tpu.vector_store %arg14[%swap3A_285], %and3A_284 {strides = array<i32>} : memref<64xi32, #tpu.memory_space<vmem>>, vector<16xi32>,
        %dma_start3A_287 = arith.constant 0 : i32
        %dma_start3A_288 = arith.constant 0 : i32
        %dma_start3A_289 = tpu.memref_slice %arg2[%dma_start3A_287, %dma_start3A_288] : memref<10000x128xf32, #tpu.memory_space<hbm>> -> memref<10000x128xf32, #tpu.memory_space<hbm>>
        tpu.enqueue_indirect_dma source(%dma_start3A_289 : memref<10000x128xf32, #tpu.memory_space<hbm>>) target(%arg16 : memref<64x128xf32, #tpu.memory_space<vmem>>) offsets(%arg12 : memref<64xi32, #tpu.memory_space<vmem>>) semaphore(%arg23 : memref<!tpu.dma_semaphore, #tpu.memory_space<semaphore_mem>>)
      } else {
      }
      %lt3A_219 = arith.cmpi slt, %add3A_205, %select_n3A : i32
      %convert_element_type3A_220 = arith.extui %lt3A_219 : i1 to i32
      %cond3A_221 = arith.constant 0 : i32
      %cond3A_222 = arith.cmpi ne, %convert_element_type3A_220, %cond3A_221 : i32
      scf.if %cond3A_222 {
        %dma_wait3A_223 = arith.constant 0 : i32
        %dma_wait3A_224 = arith.constant 0 : i32
        %dma_wait3A_225 = tpu.memref_slice %arg2[%dma_wait3A_223, %dma_wait3A_224] : memref<10000x128xf32, #tpu.memory_space<hbm>> -> memref<10000x128xf32, #tpu.memory_space<hbm>>
        tpu.wait_indirect_dma semaphore(%arg24 : memref<!tpu.dma_semaphore, #tpu.memory_space<semaphore_mem>>) src(%dma_wait3A_225 : memref<10000x128xf32, #tpu.memory_space<hbm>>) dst(%arg17 : memref<64x128xf32, #tpu.memory_space<vmem>>)
        "tpu.region"() ({
          %run_scoped3A = tpu.sem_alloc : memref<!tpu.dma_semaphore, #tpu.memory_space<semaphore_mem>>
          %dma_start3A_226 = arith.constant 0 : i32
          %dma_start3A_227 = arith.constant 0 : i32
          %dma_start3A_228 = tpu.memref_slice %arg18[%dma_start3A_226, %dma_start3A_227] : memref<10240x128xf32, #tpu.memory_space<vmem_shared>> -> memref<10240x128xf32, #tpu.memory_space<vmem_shared>>
          tpu.enqueue_indirect_dma source(%arg17 : memref<64x128xf32, #tpu.memory_space<vmem>>) target(%dma_start3A_228 : memref<10240x128xf32, #tpu.memory_space<vmem_shared>>) offsets(%arg15 : memref<64xi32, #tpu.memory_space<vmem>>) semaphore(%run_scoped3A : memref<!tpu.dma_semaphore, #tpu.memory_space<semaphore_mem>>) {add = true}
          %dma_wait3A_229 = arith.constant 0 : i32
          %dma_wait3A_230 = arith.constant 0 : i32
          %dma_wait3A_231 = tpu.memref_slice %arg18[%dma_wait3A_229, %dma_wait3A_230] : memref<10240x128xf32, #tpu.memory_space<vmem_shared>> -> memref<10240x128xf32, #tpu.memory_space<vmem_shared>>
          tpu.wait_indirect_dma semaphore(%run_scoped3A : memref<!tpu.dma_semaphore, #tpu.memory_space<semaphore_mem>>) src(%arg17 : memref<64x128xf32, #tpu.memory_space<vmem>>) dst(%dma_wait3A_231 : memref<10240x128xf32, #tpu.memory_space<vmem_shared>>)
          tpu.yield
        }) : () -> ()
      } else {
      }
    }
    %while3A_195 = arith.constant 1 : i32
    scf.for %while3A_201 = %while3A_193 to %while3A_189 step %while3A_195  : i32 {
      %mul3A_202 = arith.constant 2 : i32
      %mul3A_203 = arith.muli %mul3A_202, %while3A_201 : i32
      %add3A_204 = arith.constant 1 : i32
      %add3A_205 = arith.addi %mul3A_203, %add3A_204 : i32
      %lt3A_206 = arith.cmpi slt, %add3A_205, %select_n3A : i32
      %convert_element_type3A_207 = arith.extui %lt3A_206 : i1 to i32
      %cond3A_208 = arith.constant 0 : i32
      %cond3A_209 = arith.cmpi ne, %convert_element_type3A_207, %cond3A_208 : i32
      scf.if %cond3A_209 {
        %mul3A_223 = arith.constant 64 : i32
        %mul3A_224 = arith.muli %add3A_205, %mul3A_223 : i32
        %add3A_225 = arith.constant 0 : i32
        %add3A_226 = arith.addi %mul3A_224, %add3A_225 : i32
        %get3A = arith.index_cast %add3A_226 : i32 to index
        %get3A_227 = tpu.vector_load %arg11[%get3A] {strides = array<i32>} : memref<10064xi32, #tpu.memory_space<vmem>>, vector<16xi32>,
        %shift_right_logical3A = arith.constant 16 : i32
        %shift_right_logical3A_228 = vector.broadcast %shift_right_logical3A : i32 to vector<16xi32>
        %shift_right_logical3A_229 = arith.shrui %get3A_227, %shift_right_logical3A_228 : vector<16xi32>
        %swap3A_230 = arith.constant 0 : index
        %swap3A_231 = tpu.vector_load %arg13[%swap3A_230] {strides = array<i32>} : memref<64xi32, #tpu.memory_space<vmem>>, vector<16xi32>,
        tpu.vector_store %arg13[%swap3A_230], %shift_right_logical3A_229 {strides = array<i32>} : memref<64xi32, #tpu.memory_space<vmem>>, vector<16xi32>,
        %and3A_232 = arith.constant 65535 : i32
        %and3A_233 = vector.broadcast %and3A_232 : i32 to vector<16xi32>
        %and3A_234 = arith.andi %get3A_227, %and3A_233 : vector<16xi32>
        %swap3A_235 = arith.constant 0 : index
        %swap3A_236 = tpu.vector_load %arg15[%swap3A_235] {strides = array<i32>} : memref<64xi32, #tpu.memory_space<vmem>>, vector<16xi32>,
        tpu.vector_store %arg15[%swap3A_235], %and3A_234 {strides = array<i32>} : memref<64xi32, #tpu.memory_space<vmem>>, vector<16xi32>,
        %mul3A_237 = arith.constant 64 : i32
        %mul3A_238 = arith.muli %add3A_205, %mul3A_237 : i32
        %add3A_239 = arith.constant 16 : i32
        %add3A_240 = arith.addi %mul3A_238, %add3A_239 : i32
        %get3A_241 = arith.index_cast %add3A_240 : i32 to index
        %get3A_242 = tpu.vector_load %arg11[%get3A_241] {strides = array<i32>} : memref<10064xi32, #tpu.memory_space<vmem>>, vector<16xi32>,
        %shift_right_logical3A_243 = arith.constant 16 : i32
        %shift_right_logical3A_244 = vector.broadcast %shift_right_logical3A_243 : i32 to vector<16xi32>
        %shift_right_logical3A_245 = arith.shrui %get3A_242, %shift_right_logical3A_244 : vector<16xi32>
        %swap3A_246 = arith.constant 16 : index
        %swap3A_247 = tpu.vector_load %arg13[%swap3A_246] {strides = array<i32>} : memref<64xi32, #tpu.memory_space<vmem>>, vector<16xi32>,
        tpu.vector_store %arg13[%swap3A_246], %shift_right_logical3A_245 {strides = array<i32>} : memref<64xi32, #tpu.memory_space<vmem>>, vector<16xi32>,
        %and3A_248 = arith.constant 65535 : i32
        %and3A_249 = vector.broadcast %and3A_248 : i32 to vector<16xi32>
        %and3A_250 = arith.andi %get3A_242, %and3A_249 : vector<16xi32>
        %swap3A_251 = arith.constant 16 : index
        %swap3A_252 = tpu.vector_load %arg15[%swap3A_251] {strides = array<i32>} : memref<64xi32, #tpu.memory_space<vmem>>, vector<16xi32>,
        tpu.vector_store %arg15[%swap3A_251], %and3A_250 {strides = array<i32>} : memref<64xi32, #tpu.memory_space<vmem>>, vector<16xi32>,
        %mul3A_253 = arith.constant 64 : i32
        %mul3A_254 = arith.muli %add3A_205, %mul3A_253 : i32
        %add3A_255 = arith.constant 32 : i32
        %add3A_256 = arith.addi %mul3A_254, %add3A_255 : i32
        %get3A_257 = arith.index_cast %add3A_256 : i32 to index
        %get3A_258 = tpu.vector_load %arg11[%get3A_257] {strides = array<i32>} : memref<10064xi32, #tpu.memory_space<vmem>>, vector<16xi32>,
        %shift_right_logical3A_259 = arith.constant 16 : i32
        %shift_right_logical3A_260 = vector.broadcast %shift_right_logical3A_259 : i32 to vector<16xi32>
        %shift_right_logical3A_261 = arith.shrui %get3A_258, %shift_right_logical3A_260 : vector<16xi32>
        %swap3A_262 = arith.constant 32 : index
        %swap3A_263 = tpu.vector_load %arg13[%swap3A_262] {strides = array<i32>} : memref<64xi32, #tpu.memory_space<vmem>>, vector<16xi32>,
        tpu.vector_store %arg13[%swap3A_262], %shift_right_logical3A_261 {strides = array<i32>} : memref<64xi32, #tpu.memory_space<vmem>>, vector<16xi32>,
        %and3A_264 = arith.constant 65535 : i32
        %and3A_265 = vector.broadcast %and3A_264 : i32 to vector<16xi32>
        %and3A_266 = arith.andi %get3A_258, %and3A_265 : vector<16xi32>
        %swap3A_267 = arith.constant 32 : index
        %swap3A_268 = tpu.vector_load %arg15[%swap3A_267] {strides = array<i32>} : memref<64xi32, #tpu.memory_space<vmem>>, vector<16xi32>,
        tpu.vector_store %arg15[%swap3A_267], %and3A_266 {strides = array<i32>} : memref<64xi32, #tpu.memory_space<vmem>>, vector<16xi32>,
        %mul3A_269 = arith.constant 64 : i32
        %mul3A_270 = arith.muli %add3A_205, %mul3A_269 : i32
        %add3A_271 = arith.constant 48 : i32
        %add3A_272 = arith.addi %mul3A_270, %add3A_271 : i32
        %get3A_273 = arith.index_cast %add3A_272 : i32 to index
        %get3A_274 = tpu.vector_load %arg11[%get3A_273] {strides = array<i32>} : memref<10064xi32, #tpu.memory_space<vmem>>, vector<16xi32>,
        %shift_right_logical3A_275 = arith.constant 16 : i32
        %shift_right_logical3A_276 = vector.broadcast %shift_right_logical3A_275 : i32 to vector<16xi32>
        %shift_right_logical3A_277 = arith.shrui %get3A_274, %shift_right_logical3A_276 : vector<16xi32>
        %swap3A_278 = arith.constant 48 : index
        %swap3A_279 = tpu.vector_load %arg13[%swap3A_278] {strides = array<i32>} : memref<64xi32, #tpu.memory_space<vmem>>, vector<16xi32>,
        tpu.vector_store %arg13[%swap3A_278], %shift_right_logical3A_277 {strides = array<i32>} : memref<64xi32, #tpu.memory_space<vmem>>, vector<16xi32>,
        %and3A_280 = arith.constant 65535 : i32
        %and3A_281 = vector.broadcast %and3A_280 : i32 to vector<16xi32>
        %and3A_282 = arith.andi %get3A_274, %and3A_281 : vector<16xi32>
        %swap3A_283 = arith.constant 48 : index
        %swap3A_284 = tpu.vector_load %arg15[%swap3A_283] {strides = array<i32>} : memref<64xi32, #tpu.memory_space<vmem>>, vector<16xi32>,
        tpu.vector_store %arg15[%swap3A_283], %and3A_282 {strides = array<i32>} : memref<64xi32, #tpu.memory_space<vmem>>, vector<16xi32>,
        %dma_start3A_285 = arith.constant 0 : i32
        %dma_start3A_286 = arith.constant 0 : i32
        %dma_start3A_287 = tpu.memref_slice %arg2[%dma_start3A_285, %dma_start3A_286] : memref<10000x128xf32, #tpu.memory_space<hbm>> -> memref<10000x128xf32, #tpu.memory_space<hbm>>
        tpu.enqueue_indirect_dma source(%dma_start3A_287 : memref<10000x128xf32, #tpu.memory_space<hbm>>) target(%arg17 : memref<64x128xf32, #tpu.memory_space<vmem>>) offsets(%arg13 : memref<64xi32, #tpu.memory_space<vmem>>) semaphore(%arg24 : memref<!tpu.dma_semaphore, #tpu.memory_space<semaphore_mem>>)
      } else {
      }
      %dma_wait3A_210 = arith.constant 0 : i32
      %dma_wait3A_211 = arith.constant 0 : i32
      %dma_wait3A_212 = tpu.memref_slice %arg2[%dma_wait3A_210, %dma_wait3A_211] : memref<10000x128xf32, #tpu.memory_space<hbm>> -> memref<10000x128xf32, #tpu.memory_space<hbm>>
      tpu.wait_indirect_dma semaphore(%arg23 : memref<!tpu.dma_semaphore, #tpu.memory_space<semaphore_mem>>) src(%dma_wait3A_212 : memref<10000x128xf32, #tpu.memory_space<hbm>>) dst(%arg16 : memref<64x128xf32, #tpu.memory_space<vmem>>)
      "tpu.region"() ({
        %run_scoped3A = tpu.sem_alloc : memref<!tpu.dma_semaphore, #tpu.memory_space<semaphore_mem>>
        %dma_start3A_223 = arith.constant 0 : i32
        %dma_start3A_224 = arith.constant 0 : i32
        %dma_start3A_225 = tpu.memref_slice %arg18[%dma_start3A_223, %dma_start3A_224] : memref<10240x128xf32, #tpu.memory_space<vmem_shared>> -> memref<10240x128xf32, #tpu.memory_space<vmem_shared>>
        tpu.enqueue_indirect_dma source(%arg16 : memref<64x128xf32, #tpu.memory_space<vmem>>) target(%dma_start3A_225 : memref<10240x128xf32, #tpu.memory_space<vmem_shared>>) offsets(%arg14 : memref<64xi32, #tpu.memory_space<vmem>>) semaphore(%run_scoped3A : memref<!tpu.dma_semaphore, #tpu.memory_space<semaphore_mem>>) {add = true}
        %dma_wait3A_226 = arith.constant 0 : i32
        %dma_wait3A_227 = arith.constant 0 : i32
        %dma_wait3A_228 = tpu.memref_slice %arg18[%dma_wait3A_226, %dma_wait3A_227] : memref<10240x128xf32, #tpu.memory_space<vmem_shared>> -> memref<10240x128xf32, #tpu.memory_space<vmem_shared>>
        tpu.wait_indirect_dma semaphore(%run_scoped3A : memref<!tpu.dma_semaphore, #tpu.memory_space<semaphore_mem>>) src(%arg16 : memref<64x128xf32, #tpu.memory_space<vmem>>) dst(%dma_wait3A_228 : memref<10240x128xf32, #tpu.memory_space<vmem_shared>>)
        tpu.yield
      }) : () -> ()
      %add3A_213 = arith.constant 2 : i32
      %add3A_214 = arith.addi %mul3A_203, %add3A_213 : i32
      %lt3A_215 = arith.cmpi slt, %add3A_214, %select_n3A : i32
      %convert_element_type3A_216 = arith.extui %lt3A_215 : i1 to i32
      %cond3A_217 = arith.constant 0 : i32
      %cond3A_218 = arith.cmpi ne, %convert_element_type3A_216, %cond3A_217 : i32
      scf.if %cond3A_218 {
        %add3A_223 = arith.constant 2 : i32
        %add3A_224 = arith.addi %mul3A_203, %add3A_223 : i32
        %mul3A_225 = arith.constant 64 : i32
        %mul3A_226 = arith.muli %add3A_224, %mul3A_225 : i32
        %add3A_227 = arith.constant 0 : i32
        %add3A_228 = arith.addi %mul3A_226, %add3A_227 : i32
        %get3A = arith.index_cast %add3A_228 : i32 to index
        %get3A_229 = tpu.vector_load %arg11[%get3A] {strides = array<i32>} : memref<10064xi32, #tpu.memory_space<vmem>>, vector<16xi32>,
        %shift_right_logical3A = arith.constant 16 : i32
        %shift_right_logical3A_230 = vector.broadcast %shift_right_logical3A : i32 to vector<16xi32>
        %shift_right_logical3A_231 = arith.shrui %get3A_229, %shift_right_logical3A_230 : vector<16xi32>
        %swap3A_232 = arith.constant 0 : index
        %swap3A_233 = tpu.vector_load %arg12[%swap3A_232] {strides = array<i32>} : memref<64xi32, #tpu.memory_space<vmem>>, vector<16xi32>,
        tpu.vector_store %arg12[%swap3A_232], %shift_right_logical3A_231 {strides = array<i32>} : memref<64xi32, #tpu.memory_space<vmem>>, vector<16xi32>,
        %and3A_234 = arith.constant 65535 : i32
        %and3A_235 = vector.broadcast %and3A_234 : i32 to vector<16xi32>
        %and3A_236 = arith.andi %get3A_229, %and3A_235 : vector<16xi32>
        %swap3A_237 = arith.constant 0 : index
        %swap3A_238 = tpu.vector_load %arg14[%swap3A_237] {strides = array<i32>} : memref<64xi32, #tpu.memory_space<vmem>>, vector<16xi32>,
        tpu.vector_store %arg14[%swap3A_237], %and3A_236 {strides = array<i32>} : memref<64xi32, #tpu.memory_space<vmem>>, vector<16xi32>,
        %mul3A_239 = arith.constant 64 : i32
        %mul3A_240 = arith.muli %add3A_224, %mul3A_239 : i32
        %add3A_241 = arith.constant 16 : i32
        %add3A_242 = arith.addi %mul3A_240, %add3A_241 : i32
        %get3A_243 = arith.index_cast %add3A_242 : i32 to index
        %get3A_244 = tpu.vector_load %arg11[%get3A_243] {strides = array<i32>} : memref<10064xi32, #tpu.memory_space<vmem>>, vector<16xi32>,
        %shift_right_logical3A_245 = arith.constant 16 : i32
        %shift_right_logical3A_246 = vector.broadcast %shift_right_logical3A_245 : i32 to vector<16xi32>
        %shift_right_logical3A_247 = arith.shrui %get3A_244, %shift_right_logical3A_246 : vector<16xi32>
        %swap3A_248 = arith.constant 16 : index
        %swap3A_249 = tpu.vector_load %arg12[%swap3A_248] {strides = array<i32>} : memref<64xi32, #tpu.memory_space<vmem>>, vector<16xi32>,
        tpu.vector_store %arg12[%swap3A_248], %shift_right_logical3A_247 {strides = array<i32>} : memref<64xi32, #tpu.memory_space<vmem>>, vector<16xi32>,
        %and3A_250 = arith.constant 65535 : i32
        %and3A_251 = vector.broadcast %and3A_250 : i32 to vector<16xi32>
        %and3A_252 = arith.andi %get3A_244, %and3A_251 : vector<16xi32>
        %swap3A_253 = arith.constant 16 : index
        %swap3A_254 = tpu.vector_load %arg14[%swap3A_253] {strides = array<i32>} : memref<64xi32, #tpu.memory_space<vmem>>, vector<16xi32>,
        tpu.vector_store %arg14[%swap3A_253], %and3A_252 {strides = array<i32>} : memref<64xi32, #tpu.memory_space<vmem>>, vector<16xi32>,
        %mul3A_255 = arith.constant 64 : i32
        %mul3A_256 = arith.muli %add3A_224, %mul3A_255 : i32
        %add3A_257 = arith.constant 32 : i32
        %add3A_258 = arith.addi %mul3A_256, %add3A_257 : i32
        %get3A_259 = arith.index_cast %add3A_258 : i32 to index
        %get3A_260 = tpu.vector_load %arg11[%get3A_259] {strides = array<i32>} : memref<10064xi32, #tpu.memory_space<vmem>>, vector<16xi32>,
        %shift_right_logical3A_261 = arith.constant 16 : i32
        %shift_right_logical3A_262 = vector.broadcast %shift_right_logical3A_261 : i32 to vector<16xi32>
        %shift_right_logical3A_263 = arith.shrui %get3A_260, %shift_right_logical3A_262 : vector<16xi32>
        %swap3A_264 = arith.constant 32 : index
        %swap3A_265 = tpu.vector_load %arg12[%swap3A_264] {strides = array<i32>} : memref<64xi32, #tpu.memory_space<vmem>>, vector<16xi32>,
        tpu.vector_store %arg12[%swap3A_264], %shift_right_logical3A_263 {strides = array<i32>} : memref<64xi32, #tpu.memory_space<vmem>>, vector<16xi32>,
        %and3A_266 = arith.constant 65535 : i32
        %and3A_267 = vector.broadcast %and3A_266 : i32 to vector<16xi32>
        %and3A_268 = arith.andi %get3A_260, %and3A_267 : vector<16xi32>
        %swap3A_269 = arith.constant 32 : index
        %swap3A_270 = tpu.vector_load %arg14[%swap3A_269] {strides = array<i32>} : memref<64xi32, #tpu.memory_space<vmem>>, vector<16xi32>,
        tpu.vector_store %arg14[%swap3A_269], %and3A_268 {strides = array<i32>} : memref<64xi32, #tpu.memory_space<vmem>>, vector<16xi32>,
        %mul3A_271 = arith.constant 64 : i32
        %mul3A_272 = arith.muli %add3A_224, %mul3A_271 : i32
        %add3A_273 = arith.constant 48 : i32
        %add3A_274 = arith.addi %mul3A_272, %add3A_273 : i32
        %get3A_275 = arith.index_cast %add3A_274 : i32 to index
        %get3A_276 = tpu.vector_load %arg11[%get3A_275] {strides = array<i32>} : memref<10064xi32, #tpu.memory_space<vmem>>, vector<16xi32>,
        %shift_right_logical3A_277 = arith.constant 16 : i32
        %shift_right_logical3A_278 = vector.broadcast %shift_right_logical3A_277 : i32 to vector<16xi32>
        %shift_right_logical3A_279 = arith.shrui %get3A_276, %shift_right_logical3A_278 : vector<16xi32>
        %swap3A_280 = arith.constant 48 : index
        %swap3A_281 = tpu.vector_load %arg12[%swap3A_280] {strides = array<i32>} : memref<64xi32, #tpu.memory_space<vmem>>, vector<16xi32>,
        tpu.vector_store %arg12[%swap3A_280], %shift_right_logical3A_279 {strides = array<i32>} : memref<64xi32, #tpu.memory_space<vmem>>, vector<16xi32>,
        %and3A_282 = arith.constant 65535 : i32
        %and3A_283 = vector.broadcast %and3A_282 : i32 to vector<16xi32>
        %and3A_284 = arith.andi %get3A_276, %and3A_283 : vector<16xi32>
        %swap3A_285 = arith.constant 48 : index
        %swap3A_286 = tpu.vector_load %arg14[%swap3A_285] {strides = array<i32>} : memref<64xi32, #tpu.memory_space<vmem>>, vector<16xi32>,
        tpu.vector_store %arg14[%swap3A_285], %and3A_284 {strides = array<i32>} : memref<64xi32, #tpu.memory_space<vmem>>, vector<16xi32>,
        %dma_start3A_287 = arith.constant 0 : i32
        %dma_start3A_288 = arith.constant 0 : i32
        %dma_start3A_289 = tpu.memref_slice %arg2[%dma_start3A_287, %dma_start3A_288] : memref<10000x128xf32, #tpu.memory_space<hbm>> -> memref<10000x128xf32, #tpu.memory_space<hbm>>
        tpu.enqueue_indirect_dma source(%dma_start3A_289 : memref<10000x128xf32, #tpu.memory_space<hbm>>) target(%arg16 : memref<64x128xf32, #tpu.memory_space<vmem>>) offsets(%arg12 : memref<64xi32, #tpu.memory_space<vmem>>) semaphore(%arg23 : memref<!tpu.dma_semaphore, #tpu.memory_space<semaphore_mem>>)
      } else {
      }
      %lt3A_219 = arith.cmpi slt, %add3A_205, %select_n3A : i32
      %convert_element_type3A_220 = arith.extui %lt3A_219 : i1 to i32
      %cond3A_221 = arith.constant 0 : i32
      %cond3A_222 = arith.cmpi ne, %convert_element_type3A_220, %cond3A_221 : i32
      scf.if %cond3A_222 {
        %dma_wait3A_223 = arith.constant 0 : i32
        %dma_wait3A_224 = arith.constant 0 : i32
        %dma_wait3A_225 = tpu.memref_slice %arg2[%dma_wait3A_223, %dma_wait3A_224] : memref<10000x128xf32, #tpu.memory_space<hbm>> -> memref<10000x128xf32, #tpu.memory_space<hbm>>
        tpu.wait_indirect_dma semaphore(%arg24 : memref<!tpu.dma_semaphore, #tpu.memory_space<semaphore_mem>>) src(%dma_wait3A_225 : memref<10000x128xf32, #tpu.memory_space<hbm>>) dst(%arg17 : memref<64x128xf32, #tpu.memory_space<vmem>>)
        "tpu.region"() ({
          %run_scoped3A = tpu.sem_alloc : memref<!tpu.dma_semaphore, #tpu.memory_space<semaphore_mem>>
          %dma_start3A_226 = arith.constant 0 : i32
          %dma_start3A_227 = arith.constant 0 : i32
          %dma_start3A_228 = tpu.memref_slice %arg18[%dma_start3A_226, %dma_start3A_227] : memref<10240x128xf32, #tpu.memory_space<vmem_shared>> -> memref<10240x128xf32, #tpu.memory_space<vmem_shared>>
          tpu.enqueue_indirect_dma source(%arg17 : memref<64x128xf32, #tpu.memory_space<vmem>>) target(%dma_start3A_228 : memref<10240x128xf32, #tpu.memory_space<vmem_shared>>) offsets(%arg15 : memref<64xi32, #tpu.memory_space<vmem>>) semaphore(%run_scoped3A : memref<!tpu.dma_semaphore, #tpu.memory_space<semaphore_mem>>) {add = true}
          %dma_wait3A_229 = arith.constant 0 : i32
          %dma_wait3A_230 = arith.constant 0 : i32
          %dma_wait3A_231 = tpu.memref_slice %arg18[%dma_wait3A_229, %dma_wait3A_230] : memref<10240x128xf32, #tpu.memory_space<vmem_shared>> -> memref<10240x128xf32, #tpu.memory_space<vmem_shared>>
          tpu.wait_indirect_dma semaphore(%run_scoped3A : memref<!tpu.dma_semaphore, #tpu.memory_space<semaphore_mem>>) src(%arg17 : memref<64x128xf32, #tpu.memory_space<vmem>>) dst(%dma_wait3A_231 : memref<10240x128xf32, #tpu.memory_space<vmem_shared>>)
          tpu.yield
        }) : () -> ()
      } else {
      }
    }
    %barrier3A_196 = arith.constant 0 : index
    tpu.barrier barrier_id(%barrier3A_196)
    %mul3A_197 = arith.constant 640 : i32
    %mul3A_198 = arith.muli %arg1, %mul3A_197 : i32
    %mul3A_199 = arith.constant 640 : i32
    %mul3A_200 = arith.muli %arg1, %mul3A_199 : i32
    "tpu.region"() ({
      %run_scoped3A = tpu.sem_alloc : memref<!tpu.dma_semaphore, #tpu.memory_space<semaphore_mem>>
      %dma_start3A_201 = arith.constant 0 : i32
      %dma_start3A_202 = tpu.memref_slice %arg7[%arg0, %mul3A_200, %dma_start3A_201] : memref<2x10240x128xf32, #tpu.memory_space<hbm>> -> memref<1x640x128xf32, #tpu.memory_space<hbm>>
      %dma_start3A_203 = tpu.memref_squeeze %dma_start3A_202 : memref<1x640x128xf32, #tpu.memory_space<hbm>> -> memref<640x128xf32, #tpu.memory_space<hbm>>
      %dma_start3A_204 = arith.constant 0 : i32
      %dma_start3A_205 = tpu.memref_slice %arg18[%mul3A_198, %dma_start3A_204] : memref<10240x128xf32, #tpu.memory_space<vmem_shared>> -> memref<640x128xf32, #tpu.memory_space<vmem_shared>>
      tpu.enqueue_dma source(%dma_start3A_205 : memref<640x128xf32, #tpu.memory_space<vmem_shared>>) target(%dma_start3A_203 : memref<640x128xf32, #tpu.memory_space<hbm>>) target_semaphore(%run_scoped3A : memref<!tpu.dma_semaphore, #tpu.memory_space<semaphore_mem>>)
      %dma_wait3A_206 = arith.constant 0 : i32
      %dma_wait3A_207 = tpu.memref_slice %arg7[%arg0, %mul3A_200, %dma_wait3A_206] : memref<2x10240x128xf32, #tpu.memory_space<hbm>> -> memref<1x640x128xf32, #tpu.memory_space<hbm>>
      %dma_wait3A_208 = tpu.memref_squeeze %dma_wait3A_207 : memref<1x640x128xf32, #tpu.memory_space<hbm>> -> memref<640x128xf32, #tpu.memory_space<hbm>>
      %dma_wait3A_209 = arith.constant 0 : i32
      %dma_wait3A_210 = tpu.memref_slice %arg18[%mul3A_198, %dma_wait3A_209] : memref<10240x128xf32, #tpu.memory_space<vmem_shared>> -> memref<640x128xf32, #tpu.memory_space<vmem_shared>>
      tpu.wait_dma2 semaphore(%run_scoped3A : memref<!tpu.dma_semaphore, #tpu.memory_space<semaphore_mem>>) src(%dma_wait3A_210 : memref<640x128xf32, #tpu.memory_space<vmem_shared>>) dst(%dma_wait3A_208 : memref<640x128xf32, #tpu.memory_space<hbm>>)
      tpu.yield
    }) : () -> ()
    return
  }
}

module attributes {stable_mosaic.version = 14 : i64} {
  func.func @_transform_body(%arg0: i32, %arg1: memref<2000x128xf32, #tpu.memory_space<vmem>>, %arg2: memref<1x1x2000xi32, #tpu.memory_space<vmem>>, %arg3: memref<4x128x128xf32, #tpu.memory_space<vmem>>, %arg4: memref<4x128xf32, #tpu.memory_space<vmem>>, %arg5: memref<2000x128xf32, #tpu.memory_space<vmem>>) attributes {dimension_semantics = [#tpu.dimension_semantics<arbitrary>], iteration_bounds = array<i64: 5>, scalar_prefetch = 0 : i64, scratch_operands = 0 : i64, tpu.core_type = #tpu.core_type<tc>, window_params = [{transform_indices = @transform_0, window_bounds = array<i64: 2000, 128>}, {transform_indices = @transform_1, window_bounds = array<i64: 1, 1, 2000>}, {pipeline_mode = #tpu.pipeline_mode<synchronous>, transform_indices = @transform_2, window_bounds = array<i64: 4, 128, 128>}, {pipeline_mode = #tpu.pipeline_mode<synchronous>, transform_indices = @transform_3, window_bounds = array<i64: 4, 128>}, {transform_indices = @transform_4, window_bounds = array<i64: 2000, 128>}]} {
    %get3A = arith.constant 0 : index
    %get3A_0 = arith.constant 0 : index
    %get3A_1 = vector.load %arg1[%get3A, %get3A_0] : memref<2000x128xf32, #tpu.memory_space<vmem>>, vector<2000x128xf32>
    %get3A_2 = arith.constant 0 : index
    %get3A_3 = arith.constant 0 : index
    %get3A_4 = arith.constant 0 : index
    %get3A_5 = vector.load %arg2[%get3A_2, %get3A_3, %get3A_4] : memref<1x1x2000xi32, #tpu.memory_space<vmem>>, vector<1x1x2000xi32>
    %get3A_6 = vector.shape_cast %get3A_5 : vector<1x1x2000xi32> to vector<2000xi32>
    %broadcast_in_dim3A = arith.constant 0.000000e+00 : f32
    %broadcast_in_dim3A_7 = vector.broadcast %broadcast_in_dim3A : f32 to vector<2000x128xf32>
    %eq3A = arith.constant 0 : i32
    %eq3A_8 = vector.broadcast %eq3A : i32 to vector<2000xi32>
    %eq3A_9 = arith.cmpi eq, %get3A_6, %eq3A_8 : vector<2000xi32>
    %convert_element_type3A = arith.extui %eq3A_9 : vector<2000xi1> to vector<2000xi32>
    %convert_element_type3A_10 = arith.sitofp %convert_element_type3A : vector<2000xi32> to vector<2000xf32>
    %broadcast_in_dim3A_11 = vector.shape_cast %convert_element_type3A_10 : vector<2000xf32> to vector<2000x1xf32>
    %mul3A = vector.broadcast %broadcast_in_dim3A_11 : vector<2000x1xf32> to vector<2000x128xf32>
    %mul3A_12 = arith.mulf %get3A_1, %mul3A : vector<2000x128xf32>
    %get3A_13 = arith.constant 0 : index
    %get3A_14 = arith.constant 0 : index
    %get3A_15 = arith.constant 0 : index
    %get3A_16 = vector.load %arg3[%get3A_13, %get3A_14, %get3A_15] : memref<4x128x128xf32, #tpu.memory_space<vmem>>, vector<1x128x128xf32>
    %get3A_17 = vector.shape_cast %get3A_16 : vector<1x128x128xf32> to vector<128x128xf32>
    %dot_general3A = arith.constant dense<0.000000e+00> : vector<2000x128xf32>
    %dot_general3A_18 = tpu.matmul %mul3A_12, %get3A_17, %dot_general3A {dimension_numbers = #tpu.dot_dimension_numbers<[1], [1], [0], [0], [0, 0, 1, 0], [], []>, transpose_lhs_hint = false} : vector<2000x128xf32>, vector<128x128xf32>, vector<2000x128xf32> -> vector<2000x128xf32>
    %add3A = arith.addf %broadcast_in_dim3A_7, %dot_general3A_18 : vector<2000x128xf32>
    %get3A_19 = arith.constant 0 : index
    %get3A_20 = arith.constant 0 : index
    %get3A_21 = vector.load %arg4[%get3A_19, %get3A_20] : memref<4x128xf32, #tpu.memory_space<vmem>>, vector<1x128xf32>
    %get3A_22 = vector.shape_cast %get3A_21 : vector<1x128xf32> to vector<128xf32>
    %broadcast_in_dim3A_23 = vector.shape_cast %get3A_22 : vector<128xf32> to vector<1x128xf32>
    %mul3A_24 = vector.broadcast %broadcast_in_dim3A_11 : vector<2000x1xf32> to vector<2000x128xf32>
    %mul3A_25 = vector.broadcast %broadcast_in_dim3A_23 : vector<1x128xf32> to vector<2000x128xf32>
    %mul3A_26 = arith.mulf %mul3A_24, %mul3A_25 : vector<2000x128xf32>
    %add3A_27 = arith.addf %add3A, %mul3A_26 : vector<2000x128xf32>
    %eq3A_28 = arith.constant 1 : i32
    %eq3A_29 = vector.broadcast %eq3A_28 : i32 to vector<2000xi32>
    %eq3A_30 = arith.cmpi eq, %get3A_6, %eq3A_29 : vector<2000xi32>
    %convert_element_type3A_31 = arith.extui %eq3A_30 : vector<2000xi1> to vector<2000xi32>
    %convert_element_type3A_32 = arith.sitofp %convert_element_type3A_31 : vector<2000xi32> to vector<2000xf32>
    %broadcast_in_dim3A_33 = vector.shape_cast %convert_element_type3A_32 : vector<2000xf32> to vector<2000x1xf32>
    %mul3A_34 = vector.broadcast %broadcast_in_dim3A_33 : vector<2000x1xf32> to vector<2000x128xf32>
    %mul3A_35 = arith.mulf %get3A_1, %mul3A_34 : vector<2000x128xf32>
    %get3A_36 = arith.constant 1 : index
    %get3A_37 = arith.constant 0 : index
    %get3A_38 = arith.constant 0 : index
    %get3A_39 = vector.load %arg3[%get3A_36, %get3A_37, %get3A_38] : memref<4x128x128xf32, #tpu.memory_space<vmem>>, vector<1x128x128xf32>
    %get3A_40 = vector.shape_cast %get3A_39 : vector<1x128x128xf32> to vector<128x128xf32>
    %dot_general3A_41 = arith.constant dense<0.000000e+00> : vector<2000x128xf32>
    %dot_general3A_42 = tpu.matmul %mul3A_35, %get3A_40, %dot_general3A_41 {dimension_numbers = #tpu.dot_dimension_numbers<[1], [1], [0], [0], [0, 0, 1, 0], [], []>, transpose_lhs_hint = false} : vector<2000x128xf32>, vector<128x128xf32>, vector<2000x128xf32> -> vector<2000x128xf32>
    %add3A_43 = arith.addf %add3A_27, %dot_general3A_42 : vector<2000x128xf32>
    %get3A_44 = arith.constant 1 : index
    %get3A_45 = arith.constant 0 : index
    %get3A_46 = vector.load %arg4[%get3A_44, %get3A_45] : memref<4x128xf32, #tpu.memory_space<vmem>>, vector<1x128xf32>
    %get3A_47 = vector.shape_cast %get3A_46 : vector<1x128xf32> to vector<128xf32>
    %broadcast_in_dim3A_48 = vector.shape_cast %get3A_47 : vector<128xf32> to vector<1x128xf32>
    %mul3A_49 = vector.broadcast %broadcast_in_dim3A_33 : vector<2000x1xf32> to vector<2000x128xf32>
    %mul3A_50 = vector.broadcast %broadcast_in_dim3A_48 : vector<1x128xf32> to vector<2000x128xf32>
    %mul3A_51 = arith.mulf %mul3A_49, %mul3A_50 : vector<2000x128xf32>
    %add3A_52 = arith.addf %add3A_43, %mul3A_51 : vector<2000x128xf32>
    %eq3A_53 = arith.constant 2 : i32
    %eq3A_54 = vector.broadcast %eq3A_53 : i32 to vector<2000xi32>
    %eq3A_55 = arith.cmpi eq, %get3A_6, %eq3A_54 : vector<2000xi32>
    %convert_element_type3A_56 = arith.extui %eq3A_55 : vector<2000xi1> to vector<2000xi32>
    %convert_element_type3A_57 = arith.sitofp %convert_element_type3A_56 : vector<2000xi32> to vector<2000xf32>
    %broadcast_in_dim3A_58 = vector.shape_cast %convert_element_type3A_57 : vector<2000xf32> to vector<2000x1xf32>
    %mul3A_59 = vector.broadcast %broadcast_in_dim3A_58 : vector<2000x1xf32> to vector<2000x128xf32>
    %mul3A_60 = arith.mulf %get3A_1, %mul3A_59 : vector<2000x128xf32>
    %get3A_61 = arith.constant 2 : index
    %get3A_62 = arith.constant 0 : index
    %get3A_63 = arith.constant 0 : index
    %get3A_64 = vector.load %arg3[%get3A_61, %get3A_62, %get3A_63] : memref<4x128x128xf32, #tpu.memory_space<vmem>>, vector<1x128x128xf32>
    %get3A_65 = vector.shape_cast %get3A_64 : vector<1x128x128xf32> to vector<128x128xf32>
    %dot_general3A_66 = arith.constant dense<0.000000e+00> : vector<2000x128xf32>
    %dot_general3A_67 = tpu.matmul %mul3A_60, %get3A_65, %dot_general3A_66 {dimension_numbers = #tpu.dot_dimension_numbers<[1], [1], [0], [0], [0, 0, 1, 0], [], []>, transpose_lhs_hint = false} : vector<2000x128xf32>, vector<128x128xf32>, vector<2000x128xf32> -> vector<2000x128xf32>
    %add3A_68 = arith.addf %add3A_52, %dot_general3A_67 : vector<2000x128xf32>
    %get3A_69 = arith.constant 2 : index
    %get3A_70 = arith.constant 0 : index
    %get3A_71 = vector.load %arg4[%get3A_69, %get3A_70] : memref<4x128xf32, #tpu.memory_space<vmem>>, vector<1x128xf32>
    %get3A_72 = vector.shape_cast %get3A_71 : vector<1x128xf32> to vector<128xf32>
    %broadcast_in_dim3A_73 = vector.shape_cast %get3A_72 : vector<128xf32> to vector<1x128xf32>
    %mul3A_74 = vector.broadcast %broadcast_in_dim3A_58 : vector<2000x1xf32> to vector<2000x128xf32>
    %mul3A_75 = vector.broadcast %broadcast_in_dim3A_73 : vector<1x128xf32> to vector<2000x128xf32>
    %mul3A_76 = arith.mulf %mul3A_74, %mul3A_75 : vector<2000x128xf32>
    %add3A_77 = arith.addf %add3A_68, %mul3A_76 : vector<2000x128xf32>
    %eq3A_78 = arith.constant 3 : i32
    %eq3A_79 = vector.broadcast %eq3A_78 : i32 to vector<2000xi32>
    %eq3A_80 = arith.cmpi eq, %get3A_6, %eq3A_79 : vector<2000xi32>
    %convert_element_type3A_81 = arith.extui %eq3A_80 : vector<2000xi1> to vector<2000xi32>
    %convert_element_type3A_82 = arith.sitofp %convert_element_type3A_81 : vector<2000xi32> to vector<2000xf32>
    %broadcast_in_dim3A_83 = vector.shape_cast %convert_element_type3A_82 : vector<2000xf32> to vector<2000x1xf32>
    %mul3A_84 = vector.broadcast %broadcast_in_dim3A_83 : vector<2000x1xf32> to vector<2000x128xf32>
    %mul3A_85 = arith.mulf %get3A_1, %mul3A_84 : vector<2000x128xf32>
    %get3A_86 = arith.constant 3 : index
    %get3A_87 = arith.constant 0 : index
    %get3A_88 = arith.constant 0 : index
    %get3A_89 = vector.load %arg3[%get3A_86, %get3A_87, %get3A_88] : memref<4x128x128xf32, #tpu.memory_space<vmem>>, vector<1x128x128xf32>
    %get3A_90 = vector.shape_cast %get3A_89 : vector<1x128x128xf32> to vector<128x128xf32>
    %dot_general3A_91 = arith.constant dense<0.000000e+00> : vector<2000x128xf32>
    %dot_general3A_92 = tpu.matmul %mul3A_85, %get3A_90, %dot_general3A_91 {dimension_numbers = #tpu.dot_dimension_numbers<[1], [1], [0], [0], [0, 0, 1, 0], [], []>, transpose_lhs_hint = false} : vector<2000x128xf32>, vector<128x128xf32>, vector<2000x128xf32> -> vector<2000x128xf32>
    %add3A_93 = arith.addf %add3A_77, %dot_general3A_92 : vector<2000x128xf32>
    %get3A_94 = arith.constant 3 : index
    %get3A_95 = arith.constant 0 : index
    %get3A_96 = vector.load %arg4[%get3A_94, %get3A_95] : memref<4x128xf32, #tpu.memory_space<vmem>>, vector<1x128xf32>
    %get3A_97 = vector.shape_cast %get3A_96 : vector<1x128xf32> to vector<128xf32>
    %broadcast_in_dim3A_98 = vector.shape_cast %get3A_97 : vector<128xf32> to vector<1x128xf32>
    %mul3A_99 = vector.broadcast %broadcast_in_dim3A_83 : vector<2000x1xf32> to vector<2000x128xf32>
    %mul3A_100 = vector.broadcast %broadcast_in_dim3A_98 : vector<1x128xf32> to vector<2000x128xf32>
    %mul3A_101 = arith.mulf %mul3A_99, %mul3A_100 : vector<2000x128xf32>
    %add3A_102 = arith.addf %add3A_93, %mul3A_101 : vector<2000x128xf32>
    %mul3A_103 = arith.constant 2.000000e-01 : f32
    %mul3A_104 = vector.broadcast %mul3A_103 : f32 to vector<2000x128xf32>
    %mul3A_105 = arith.mulf %mul3A_104, %add3A_102 : vector<2000x128xf32>
    %swap3A = arith.constant 0 : index
    %swap3A_106 = arith.constant 0 : index
    %swap3A_107 = vector.load %arg5[%swap3A, %swap3A_106] : memref<2000x128xf32, #tpu.memory_space<vmem>>, vector<2000x128xf32>
    tpu.vector_store %arg5[%swap3A, %swap3A_106], %mul3A_105 {strides = array<i32>} : memref<2000x128xf32, #tpu.memory_space<vmem>>, vector<2000x128xf32>,
    return
  }
  func.func @transform_0(%arg0: i32) -> (i32, i32) {
    %c0_i32 = arith.constant 0 : i32
    %c0_i32_0 = arith.constant 0 : i32
    return %arg0, %c0_i32 : i32, i32
  }
  func.func @transform_1(%arg0: i32) -> (i32, i32, i32) {
    %c0_i32 = arith.constant 0 : i32
    %c0_i32_0 = arith.constant 0 : i32
    %c0_i32_1 = arith.constant 0 : i32
    return %arg0, %c0_i32, %c0_i32_0 : i32, i32, i32
  }
  func.func @transform_2(%arg0: i32) -> (i32, i32, i32) {
    %c0_i32 = arith.constant 0 : i32
    %c0_i32_0 = arith.constant 0 : i32
    %c0_i32_1 = arith.constant 0 : i32
    %c0_i32_2 = arith.constant 0 : i32
    return %c0_i32, %c0_i32_0, %c0_i32_1 : i32, i32, i32
  }
  func.func @transform_3(%arg0: i32) -> (i32, i32) {
    %c0_i32 = arith.constant 0 : i32
    %c0_i32_0 = arith.constant 0 : i32
    %c0_i32_1 = arith.constant 0 : i32
    return %c0_i32, %c0_i32_0 : i32, i32
  }
  func.func @transform_4(%arg0: i32) -> (i32, i32) {
    %c0_i32 = arith.constant 0 : i32
    %c0_i32_0 = arith.constant 0 : i32
    return %arg0, %c0_i32 : i32, i32
  }
}

module attributes {stable_mosaic.version = 14 : i64} {
  func.func @_merge_body(%arg0: i32, %arg1: memref<2x2000x128xf32, #tpu.memory_space<vmem>>, %arg2: memref<2000x128xf32, #tpu.memory_space<vmem>>) attributes {dimension_semantics = [#tpu.dimension_semantics<arbitrary>], iteration_bounds = array<i64: 5>, scalar_prefetch = 0 : i64, scratch_operands = 0 : i64, tpu.core_type = #tpu.core_type<tc>, window_params = [{transform_indices = @transform_0, window_bounds = array<i64: 2, 2000, 128>}, {transform_indices = @transform_1, window_bounds = array<i64: 2000, 128>}]} {
    %get3A = arith.constant 0 : index
    %get3A_0 = arith.constant 0 : index
    %get3A_1 = arith.constant 0 : index
    %get3A_2 = vector.load %arg1[%get3A, %get3A_0, %get3A_1] : memref<2x2000x128xf32, #tpu.memory_space<vmem>>, vector<1x2000x128xf32>
    %get3A_3 = vector.shape_cast %get3A_2 : vector<1x2000x128xf32> to vector<2000x128xf32>
    %get3A_4 = arith.constant 1 : index
    %get3A_5 = arith.constant 0 : index
    %get3A_6 = arith.constant 0 : index
    %get3A_7 = vector.load %arg1[%get3A_4, %get3A_5, %get3A_6] : memref<2x2000x128xf32, #tpu.memory_space<vmem>>, vector<1x2000x128xf32>
    %get3A_8 = vector.shape_cast %get3A_7 : vector<1x2000x128xf32> to vector<2000x128xf32>
    %add3A = arith.addf %get3A_3, %get3A_8 : vector<2000x128xf32>
    %swap3A = arith.constant 0 : index
    %swap3A_9 = arith.constant 0 : index
    %swap3A_10 = vector.load %arg2[%swap3A, %swap3A_9] : memref<2000x128xf32, #tpu.memory_space<vmem>>, vector<2000x128xf32>
    tpu.vector_store %arg2[%swap3A, %swap3A_9], %add3A {strides = array<i32>} : memref<2000x128xf32, #tpu.memory_space<vmem>>, vector<2000x128xf32>,
    return
  }
  func.func @transform_0(%arg0: i32) -> (i32, i32, i32) {
    %c0_i32 = arith.constant 0 : i32
    %c0_i32_0 = arith.constant 0 : i32
    %c0_i32_1 = arith.constant 0 : i32
    return %c0_i32, %arg0, %c0_i32_0 : i32, i32, i32
  }
  func.func @transform_1(%arg0: i32) -> (i32, i32) {
    %c0_i32 = arith.constant 0 : i32
    %c0_i32_0 = arith.constant 0 : i32
    return %arg0, %c0_i32 : i32, i32
  }
}

</mosaic_0001>

<sc_bundles>
// kernel: kernel.5.cloned.1.call-start
scs
__scs_entry_jumppad:
0x0: {  	(pc) =	sbr.rel $0x88, $3  }
0x1: {  	(tag) =	ssettag $0x0;
	lr =	simm.s32 $0x1  }
0x2: {  	[smem:$0x3F9C] =	sst lr;
	_ =	strace $0xD0000000  }
0x3: {  	_ = 	snop  }
0x4: {  	_ = 	snop  }
0x5: {  	_ = 	snop  }
0x6: {  	_ = 	snop  }
0x7: {  	_ = 	snop  }
__scs_overlays_trampoline_lowered:
0x8: {  	[smem:$0x3FAB] =	sst s0  }
0x9: {  	[smem:$0x3FAC] =	sst s1  }
0xa: {  	[smem:$0x3FAD] =	sst s2  }
0xb: {  	[smem:$0x3FAE] =	sst s3  }
0xc: {  	[smem:$0x3FAF] =	sst s4  }
0xd: {  	[smem:$0x3FB0] =	sst s5  }
0xe: {  	[smem:$0x3FB1] =	sst s6  }
0xf: {  	[smem:$0x3FB2] =	sst s7  }
0x10: {  	[smem:$0x3FB3] =	sst s8  }
0x11: {  	[smem:$0x3FB4] =	sst s9;
	s0 =	simm.s32 @!p0 $0x0  }
0x12: {  	s1 =	sld [smem:$0x3F9A];
	s0 =	simm.s32 @p0 $0x1  }
0x13: {  	[smem:$0x3FB5] =	sst s0;
	s0 =	simm.s32 @!p1 $0x0  }
0x14: {  	s2 =	sld [smem:$0x3F99];
	s0 =	simm.s32 @p1 $0x1  }
0x15: {  	[smem:$0x3FB6] =	sst s0;
	s0 =	simm.s32 @!p2 $0x0  }
0x16: {  	s3 =	sld [smem:$0x3FDB];
	s0 =	simm.s32 @p2 $0x1  }
0x17: {  	s4 =	simm.s32 $0x1BF5;
	[smem:$0x3FB8] =	sst s0  }
0x18: {  	s0 =	sld [smem:$0x3F9B];
	_ =	swait.ge [sflag:s4], $0x0  }
0x19: {  	s7 =	sld [smem:$0x3F9C]  }
0x1a: {  	s8 =	sadd.s32 $0xFFFFE003, lr  }
0x1b: {  	s9 =	sadd.s32 $0xFFFFFEF7, lr;
	s5 =	simm.s32 $0xFFFFFFFF;
	p2 =	slt.u32 s8, $0xFFFFF086  }
0x1c: {  	p1 =	slt.u32 s9, $0xF7A;
	s5 =	simm.s32 @!p2 $0x0  }
0x1d: {  	s5 =	simm.s32 @p1 $0x1;
	p0 =	seq.s32 s7, s2  }
0x1e: {  	s7 =	smul.u32 @!p0 $0xF7A, s2;
	p2 =	seq.s32 @!p0 s5, $0x0  }
0x1f: {  	s9 =	smul.u32 $0xF7A, s1;
	s8 =	simm.s32 @!p0 $0x1BF5;
	p2 =	por !p2, p0  }
0x20: {  	[sflag:s8] =	ssyncset.s32 @!p0 $0xFFFFF086;
	s6 =	sadd.s32 @!p0 s3, s7;
	s7 =	simm.s32 @!p0 $0x108  }
0x21: {  	s3 =	sadd.s32 s3, s9;
	s6 =	sadd.s32 @!p0 $0x88, s6;
	s7 =	simm.s32 @p2 $0x1082  }
0x22: {  	[simem:s7], [sflag:s8] =	dma.local @!p0 [hbm:s6], $0xF7A  }
0x23: {  	s9 =	sor.u32 $0xD0000000, s2;
	s6 =	simm.s32 $0x108;
	_ =	swait.ge @!p0 [sflag:s8], $0x0  }
0x24: {  	s3 =	sadd.s32 $0x88, s3;
	s6 =	simm.s32 @!p1 $0x1082;
	[sflag:s4] =	ssyncset.s32 $0xFFFFF086  }
0x25: {  	[simem:s6], [sflag:s4] =	dma.local [hbm:s3], $0xF7A  }
0x26: {  	[smem:$0x3F9C] =	sst s1;
	(tag) =	ssettag s2;
	_ =	strace s9  }
0x27: {  	s1 =	sld [smem:$0x3FAC]  }
0x28: {  	s2 =	sld [smem:$0x3FAD]  }
0x29: {  	s4 =	sld [smem:$0x3FAF]  }
0x2a: {  	p0 =	seq.s32 s5, $0x0;
	s5 =	sld [smem:$0x3FB0]  }
0x2b: {  	s6 =	sld [smem:$0x3FB1]  }
0x2c: {  	s7 =	sld [smem:$0x3FB2]  }
0x2d: {  	s3 =	simm.s32 $0x108;
	s8 =	sld [smem:$0x3FB3]  }
0x2e: {  	s3 =	simm.s32 @!p0 $0x1082;
	s9 =	sld [smem:$0x3FB4]  }
0x2f: {  	lr =	sadd.s32 s0, s3;
	s0 =	sld [smem:$0x3FAB]  }
0x30: {  	s3 =	sld [smem:$0x3FAE]  }
0x31: {  	[smem:$0x3FB7] =	sst s10  }
0x32: {  	s10 =	sld [smem:$0x3FB5];
	_ =	sdelay $0x3  }
0x33: {  	p0 =	seq.s32 s10, $0x1;
	s10 =	sld [smem:$0x3FB7];
	_ =	sdelay $0x3  }
0x34: {  	[smem:$0x3FB7] =	sst s10  }
0x35: {  	s10 =	sld [smem:$0x3FB6];
	_ =	sdelay $0x3  }
0x36: {  	p1 =	seq.s32 s10, $0x1;
	s10 =	sld [smem:$0x3FB7];
	_ =	sdelay $0x3  }
0x37: {  	[smem:$0x3FB7] =	sst s10  }
0x38: {  	s10 =	sld [smem:$0x3FB8]  }
0x39: {  	_ = 	snop;
	(pc) =	sbr.ind lr, $3  }
0x3a: {  	_ = 	snop  }
0x3b: {  	_ = 	snop  }
0x3c: {  	p2 =	seq.s32 s10, $0x1;
	s10 =	sld [smem:$0x3FB7]  }
0x3d: {  	_ =	shalt  }
0x3e: {  	_ =	shalt  }
0x3f: {  	_ =	shalt  }
0x40: {  	_ =	shalt  }
0x41: {  	_ =	shalt  }
0x42: {  	_ =	shalt  }
0x43: {  	_ =	shalt  }
0x44: {  	_ =	shalt  }
0x45: {  	_ =	shalt  }
0x46: {  	_ =	shalt  }
0x47: {  	_ =	shalt  }
0x48: {  	_ =	shalt  }
0x49: {  	_ =	shalt  }
0x4a: {  	_ =	shalt  }
0x4b: {  	_ =	shalt  }
0x4c: {  	_ =	shalt  }
0x4d: {  	_ =	shalt  }
0x4e: {  	_ =	shalt  }
0x4f: {  	_ =	shalt  }
0x50: {  	_ =	shalt  }
0x51: {  	_ =	shalt  }
0x52: {  	_ =	shalt  }
0x53: {  	_ =	shalt  }
0x54: {  	_ =	shalt  }
0x55: {  	_ =	shalt  }
0x56: {  	_ =	shalt  }
0x57: {  	_ =	shalt  }
0x58: {  	_ =	shalt  }
0x59: {  	_ =	shalt  }
0x5a: {  	_ =	shalt  }
0x5b: {  	_ =	shalt  }
0x5c: {  	_ =	shalt  }
0x5d: {  	_ =	shalt  }
0x5e: {  	_ =	shalt  }
0x5f: {  	_ =	shalt  }
0x60: {  	_ =	shalt  }
0x61: {  	_ =	shalt  }
0x62: {  	_ =	shalt  }
0x63: {  	_ =	shalt  }
0x64: {  	_ =	shalt  }
0x65: {  	_ =	shalt  }
0x66: {  	_ =	shalt  }
0x67: {  	_ =	shalt  }
0x68: {  	_ =	shalt  }
0x69: {  	_ =	shalt  }
0x6a: {  	_ =	shalt  }
0x6b: {  	_ =	shalt  }
0x6c: {  	_ =	shalt  }
0x6d: {  	_ =	shalt  }
0x6e: {  	_ =	shalt  }
0x6f: {  	_ =	shalt  }
0x70: {  	_ =	shalt  }
0x71: {  	_ =	shalt  }
0x72: {  	_ =	shalt  }
0x73: {  	_ =	shalt  }
0x74: {  	_ =	shalt  }
0x75: {  	_ =	shalt  }
0x76: {  	_ =	shalt  }
0x77: {  	_ =	shalt  }
0x78: {  	_ =	shalt  }
0x79: {  	_ =	shalt  }
0x7a: {  	_ =	shalt  }
0x7b: {  	_ =	shalt  }
0x7c: {  	_ =	shalt  }
0x7d: {  	_ =	shalt  }
0x7e: {  	_ =	shalt  }
0x7f: {  	_ =	shalt  }
0x80: {  	_ =	shalt  }
0x81: {  	_ =	shalt  }
0x82: {  	_ =	shalt  }
0x83: {  	_ =	shalt  }
0x84: {  	_ =	shalt  }
0x85: {  	_ =	shalt  }
0x86: {  	_ =	shalt  }
0x87: {  	_ =	shalt  }
.Lfunc_end0:
.L_simem_size_0:
called_computation_lowered:
.L_overlay_start_0:
0x88: {  	s2 =	sld [smem:$0x3FD9]  }
0x89: {  	s3 =	sld [smem:$0x3FFE];
	_ =	sdelay $0x1  }
0x8a: {  	s1 =	srdreg.scid  }
0x8b: {  	s0 =	sand.u32 $0x1, s1  }
0x8c: {  	s17 =	sshll.u32 s0, $0xA;
	s2 =	sadd.s32 s3, s2  }
0x8d: {  	s2 =	sadd.s32 s2, s17  }
0x8e: {  	[smem:$0x3FC3] =	sst s2  }
0x8f: {  	_ = 	snop  }
0x90: {  	s2 =	sld [smem:$0x3FC9]  }
0x91: {  	s18 =	sld [smem:$0x3FC7]  }
0x92: {  	s4 =	sld [smem:$0x3FD0];
	(tm) =	ssettm $0x1  }
0x93: {  	s5 =	sld [smem:$0x3FFB];
	_ =	sdelay $0x3  }
0x94: {  	_ =	strace s5  }
0x95: {  	s5 =	sld [smem:$0x3FFC];
	_ =	sdelay $0x3  }
0x96: {  	_ =	strace s5  }
0x97: {  	s5 =	sld [smem:$0x3FFD];
	_ =	sdelay $0x3  }
0x98: {  	_ =	strace s5  }
0x99: {  	_ =	strace $0x8FFFFFFF  }
0x9a: {  	s19 =	sld [smem:$0x3FDB];
	_ =	sdelay $0x1  }
0x9b: {  	s6 =	simm.s32 $_scs_section_size  }
0x9c: {  	s7 =	simm.s32 $_size__tile_overlayer_lowered;
	s8 =	simm.s32 $_tile_overlayer_lowered  }
0x9d: {  	s22 =	simm.s32 $0x1BFF;
	s21 =	sshll.u32 s8, $0x1;
	s5 =	sadd.s32 s6, s19  }
0x9e: {  	s9 =	simm.s32 $0x0;
	s20 =	sshll.u32 s7, $0x1;
	s7 =	sadd.s32 s21, s5  }
0x9f: {  	[timem:s9], [sflag:s22] =	dma.local [hbm:s7], s20  }
0xa0: {  	_ =	swait.ge [sflag:s22], s20  }
0xa1: {  	s6 =	ssub.s32 $0x0, s20;
	[sflag:s22] =	ssyncset.done $0x0  }
0xa2: {  	[sflag:s22] =	ssyncadd.s32 s6;
	_ =	sdelay $0x1  }
0xa3: {  	s23 =	simm.s32 $0x1B8B  }
0xa4: {  	_ =	swait.ge [sflag:s23], $0x1  }
0xa5: {  	[sflag:s23] =	ssyncset.done $0x0  }
0xa6: {  	s25 =	simm.s32 $0x1B8E;
	s24 =	sld [smem:$0x3FFE];
	[sflag:s23] =	ssyncadd.s32 $0xFFFFFFFF  }
0xa7: {  	s26 =	simm.s32 $execute0_lowered;
	[smem:$0x3FD2] =	sst s25  }
0xa8: {  	s7 =	sshll.u32 s26, $0x1;
	_ =	strace $0x80000046;
	[dreg:$0x1] =	wrdreg $0xFFFFFFFF  }
0xa9: {  	s28 =	simm.s32 $_size_execute0_lowered;
	s5 =	sadd.s32 s5, s7;
	[dreg:$0x0] =	wrdreg $0x0  }
0xaa: {  	s7 =	sshll.u32 s28, $0x1;
	[dreg:$0x2] =	wrdreg s5  }
0xab: {  	[dreg:$0x3] =	wrdreg s7  }
0xac: {  	[dreg:$0x4] =	wrdreg $0xC0  }
0xad: {  	_ =	task [dreg:s9], $0x5FFFF  }
0xae: {  	[dreg:$0x1] =	wrdreg $0xFFFFFFFF  }
0xaf: {  	[dreg:$0x0] =	wrdreg $0x60  }
0xb0: {  	[dreg:$0x2] =	wrdreg s4  }
0xb1: {  	[dreg:$0x3] =	wrdreg s24  }
0xb2: {  	[dreg:$0x4] =	wrdreg s18  }
0xb3: {  	[dreg:$0x5] =	wrdreg s2  }
0xb4: {  	[dreg:$0x6] =	wrdreg $0xA1000  }
0xb5: {  	[dreg:$0x7] =	wrdreg $0x9  }
0xb6: {  	_ =	task.clear_ibuf [dreg:s9], $0x8FFFF;
	_ =	strace $0x90000046  }
0xb7: {  	s29 =	simm.s32 $0x9;
	_ =	strace $0x80000048  }
0xb8: {  	_ =	swait.ge [sflag:s29], $0x1  }
0xb9: {  	[sflag:s29] =	ssyncadd.s32 $0xFFFFFFFF  }
0xba: {  	_ =	strace $0x90000048  }
0xbb: {  	_ =	sfence  }
0xbc: {  	s30 =	sld [smem:$0x0];
	_ =	sdelay $0x2  }
0xbd: {  	s31 =	sshll.u32 s1, $0xD;
	s1 =	sshrl.u32 s1, $0x2  }
0xbe: {  	s3 =	sand.u32 $0x4000, s31;
	s1 =	sadd.s32 s1, s30  }
0xbf: {  	s0 =	sor.u32 s3, s0;
	s1 =	sshll.u32 s1, $0x11  }
0xc0: {  	s0 =	sor.u32 s1, s0  }
0xc1: {  	s0 =	sadd.s32 $0x8F2B, s0  }
0xc2: {  	[sflag:s0] =	ssyncadd.remote.s32 $0x1  }
0xc3: {  	_ =	sfence.sel $0xFFFF  }
0xc4: {  	[dreg:$0x0] =	wrdreg $0xFFFFFFFF;
	(pc) =	sbr.abs _section_cstart, $3  }
0xc5: {  	[dreg:$0x1] =	wrdreg $0xFFFFFFFF  }
0xc6: {  	_ =	task.clear_ibuf [dreg:s9], $0x2FFFF;
	_ =	strace $0x9FFFFFFF  }
0xc7: {  	(tm) =	ssettm $0x7FFFFFFF  }
tec
execute0_lowered:
.L_overlay_start_1:
0x0: {  	(tag) =	ssettag $0x1  }
0x1: {  	s1 =	rddreg [dreg:$0x0]  }
0x2: {  	s0 =	rddreg [dreg:$0x1]  }
0x3: {  	s2 =	srdreg.scid;
	s8 =	rddreg [dreg:$0x3]  }
0x4: {  	s13 =	stileid.u32;
	s4 =	rddreg [dreg:$0x4]  }
0x5: {  	s5 =	simm.s32 $0x0;
	s28 =	simm.s32 $0x4;
	s29 =	simm.s32 $0x5  }
0x6: {  	s30 =	simm.s32 $0x40;
	s31 =	simm.s32 $0x6000;
	s2 =	sand.u32 $0x1, s2  }
0x7: {  	s3 =	sshll.u32 s13, $0x1;
	[smem:$0x7FF] =	sst s5;
	s7 =	smul.u32 $0x14000, s13  }
0x8: {  	s19 =	smul.u32 $0x50000, s13;
	p1 =	sne.s32 s13, $0xF;
	p2 =	seq.s32 s13, $0xF  }
0x9: {  	s11 =	smul.u32 $0x2800, s13;
	s12 =	sadd.s32 $0x25800, s8;
	s3 =	sor.u32 s2, s3  }
0xa: {  	s6 =	smul.u32 $0x140000, s2;
	_ =	strace $0x80000047;
	s9 =	ssub.s32 $0x2, s2  }
0xb: {  	p0 =	seq.s32 s2, $0x0;
	[dreg:$0x6] =	wrdreg s12;
	s12 =	sadd.s32 $0x138800, s4  }
0xc: {  	s3 =	smul.u32 $0x2710, s3;
	s10 =	sshrl.u32 s9, $0x1;
	p1 =	por !p0, !p1  }
0xd: {  	p2 =	por !p0, !p2;
	s20 =	sadd.s32 s8, s11;
	s7 =	sadd.s32 s7, s6  }
0xe: {  	s6 =	sadd.s32 $0xA800, s0;
	s9 =	ssub.s32 s9, s10;
	p1 =	por !p1, !p1  }
0xf: {  	p2 =	por !p2, !p2;
	s10 =	sadd.s32 $0x12C000, s4;
	[dreg:$0x7] =	wrdreg s20  }
0x10: {  	s3 =	sshrl.u32 s3, $0x3;
	s7 =	sshrl.u32 s7, $0x3;
	p3 =	por p2, p1  }
0x11: {  	s26 =	smax.u32 s9, $0x1;
	s3 =	sadd.s32 s3, s0;
	s0 =	sadd.s32 s7, s0  }
0x12: {  	s7 =	sshrl.u32 s19, $0x2;
	s14 =	simm.s32 @!p3 $0x0;
	p4 =	seq.s32 @!p3 s2, $0x0  }
0x13: {  	[dreg:$0xe] =	wrdreg s26;
	s26 =	simm.s32 $0x3;
	s14 =	simm.s32 @p3 $0x1  }
0x14: {  	s7 =	sadd.s32 s7, s4;
	s21 =	sadd.s32 $0xA00, s3;
	[smem:$0x7FC] =	sst s14  }
0x15: {  	p3 =	por @!p1 p4, p2;
	s22 =	sadd.s32 $0xAFA, s3;
	[dreg:$0x8] =	wrdreg s21  }
0x16: {  	s23 =	sadd.s32 $0xBF4, s3;
	s24 =	sadd.s32 $0xCEE, s3;
	[dreg:$0x9] =	wrdreg s22  }
0x17: {  	s25 =	sadd.s32 $0xDE8, s3;
	s0 =	sadd.s32 $0xD000, s0;
	[dreg:$0xa] =	wrdreg s23  }
0x18: {  	p5 =	por @!p1 !p4, p2;
	p4 =	por !p2, p1;
	[dreg:$0xb] =	wrdreg s24  }
0x19: {  	s3 =	simm.s32 $0x6100;
	p3 =	por p3, p1;
	[dreg:$0xc] =	wrdreg s25  }
0x1a: {  	[dreg:$0xd] =	wrdreg s0;
	p2 =	por !p5, p1;
	s2 =	sshll.u32 @!p3 s13, $0x6  }
0x1b: {  	s22 =	sshrl.u32 @p1 s7, $0x3;
	s23 =	simm.s32 $0x2780;
	s0 =	sor.u32 @!p3 $0x1C01, s2  }
0x1c: {  	s2 =	sshrl.u32 @!p4 s12, $0x3;
	[dreg:$0xf] =	wrdreg s0;
	s0 =	sshrl.u32 @!p3 s7, $0x3  }
.Ltmp0:
0x1d: {  	[dreg:$0x10] =	wrdreg s0;
	s0 =	simm.s32 @!p2 $0x0;
	(pc) =	sbr.rel .LBB2_1-.Ltmp0, $4  }
0x1e: {  	s24 =	simm.s32 $0x2;
	[dreg:$0x12] =	wrdreg s2;
	s0 =	simm.s32 @p2 $0x1  }
0x1f: {  	v3 =	vlaneseq.u32;
	s25 =	simm.s32 $0x0;
	[smem:$0x7FD] =	sst s0;
	s0 =	sshrl.u32 @!p4 s10, $0x3  }
0x20: {  	v0 =	vor.u32 $0x2710, v3;
	s2 =	simm.s32 $0x8;
	[dreg:$0x11] =	wrdreg s0;
	s0 =	sshll.u32 @p1 s13, $0x6  }
0x21: {  	v1 =	vor.u32 $0x2720, v3;
	v2 =	vor.u32 $0x2730, v3;
	v3 =	vor.u32 $0x2740, v3;
	s13 =	simm.s32 $0x2F80;
	s21 =	sor.u32 @p1 $0x1C01, s0;
	s0 =	simm.s32 $0x7  }
.LBB2_14:
0x22: {  	[tilespmem:$0x6030] =	vst @!p2 v4  }
0x23: {  	[tilespmem:s20], [sflag:$0x5] =	stream.indirect.gather @!p2 [hbm4b:s1+s17], $0x80, s19, s17, $0xb8;
	[tilespmem:$0x1E100] =	vst v63  }
0x24: {  	_ =	swait.ge @!p6 [sflag:s16], $0x2000  }
0x25: {  	[sflag:s16] =	ssyncset.done @!p6 $0x0  }
0x26: {  	[sflag:s16] =	ssyncadd.s32 @!p6 $0xFFFFE000  }
0x27: {  	[spmem:s4] =	stream.indirect.scatter.add.f32 @!p6 [tilespmem:s14], [sflag:$0x7], $0x80, s18, s13, $0xb8;
	[tilespmem:$0x1E100] =	vst v63  }
0x28: {  	_ =	swait.ge @!p6 [sflag:s15], $0x2000  }
0x29: {  	[sflag:s15] =	ssyncset.done @!p6 $0x0  }
0x2a: {  	s13 =	simm.s32 $0x2F80;
	[sflag:s15] =	ssyncadd.s32 @!p6 $0xFFFFE000  }
.LBB2_15:
0x2b: {  	s8 =	stileid.u32  }
0x2c: {  	[bflag:$0x0] =	sbarrier.arrive $0xFFFF;
	s8 =	sshll.u32 s8, $0x6  }
0x2d: {  	s9 =	sshrl.u32 s7, $0x3;
	s10 =	rddreg [dreg:$0xd];
	s8 =	sor.u32 $0x1C07, s8  }
0x2e: {  	[hbm:s10], [sflag:s8] =	dma.local [spmem:s9], $0x2800  }
0x2f: {  	_ =	swait.ge [sflag:s0], $0x2800  }
0x30: {  	s25 =	sadd.s32 $0x1, s25;
	s20 =	rddreg [dreg:$0xe]  }
0x31: {  	p2 =	sne.s32 s25, s20  }
.Ltmp1:
0x32: {  	_ = 	snop;
	(pc) =	sbr.rel @!p2 .LBB2_16-.Ltmp1, $3  }
0x33: {  	_ =	sdelay $0x1  }
0x34: {  	[sflag:s0] =	ssyncset.done $0x0  }
0x35: {  	[sflag:s0] =	ssyncadd.s32 $0xFFFFD800  }
.LBB2_1:
0x36: {  	s8 =	rddreg [dreg:$0xf]  }
0x37: {  	s9 =	rddreg [dreg:$0x10]  }
0x38: {  	[spmem:s9], [sflag:s8] =	dma.local @!p3 [hbm:s6], $0x2800  }
0x39: {  	s9 =	rddreg [dreg:$0x6]  }
0x3a: {  	s8 =	simm.s32 @!p4 $0x1FC1;
	s10 =	rddreg [dreg:$0x11]  }
0x3b: {  	[spmem:s10], [sflag:s8] =	dma.local @!p4 [hbm:s9], $0x1900  }
0x3c: {  	s9 =	rddreg [dreg:$0x12]  }
0x3d: {  	[spmem:s9], [sflag:s8] =	dma.local @!p4 [hbm:s6], $0xF00  }
0x3e: {  	s8 =	rddreg [dreg:$0x7]  }
0x3f: {  	[spmem:s22], [sflag:s21] =	dma.local @p1 [hbm:s8], $0x2800  }
0x40: {  	s8 =	rddreg [dreg:$0x2]  }
0x41: {  	[tilespmem:s5], [sflag:$0x2] =	stream.linear.gather [hbm4b:s8+s5], $0x2780, $0x38;
	[tilespmem:$0x1E100] =	vst v63  }
0x42: {  	s11 =	rddreg [dreg:$0x8]  }
0x43: {  	[tilespmem:s23], [sflag:$0x3] =	stream.linear.gather [hbm4b:s11+s5], $0x7D0, $0x38;
	[tilespmem:$0x1E100] =	vst v63  }
0x44: {  	_ =	swait.ge [sflag:s24], $0x2780  }
0x45: {  	[sflag:s24] =	ssyncset.done $0x0  }
0x46: {  	s12 =	rddreg [dreg:$0x9];
	[sflag:s24] =	ssyncadd.s32 $0xFFFFD880  }
0x47: {  	[tilespmem:s13], [sflag:$0x4] =	stream.linear.gather [hbm4b:s12+s5], $0x7D0, $0x38;
	[tilespmem:$0x1E100] =	vst v63  }
0x48: {  	_ =	swait.ge [sflag:s26], $0x7D0  }
0x49: {  	[sflag:s26] =	ssyncset.done $0x0  }
0x4a: {  	s14 =	simm.s32 $0x0;
	[sflag:s26] =	ssyncadd.s32 $0xFFFFF830  }
0x4b: {  	v4 =	vld [tilespmem:s14+$0x2780];
	_ =	sdelay $0x4  }
0x4c: {  	v5 =	vshrl.u32 v4, $0x10  }
0x4d: {  	v6 =	vand.u32 $0xFFFF, v4;
	_ =	sdelay $0x3  }
0x4e: {  	v5 =	vld.idx.msk [tilespmem:v5+s5+$0x0], $0xffff  }
0x4f: {  	v6 =	vld.idx.msk [tilespmem:v6+s5+$0x0], $0xffff;
	_ =	sdelay $0x4  }
0x50: {  	vm0 =	vlt.u32 v5, $0x4;
	vm1 =	vgt.s32 v6, v5  }
0x51: {  	vm0 =	vmand vm0, vm1  }
0x52: {  	[tilespmem:s5+$0x3780] =	vst.msk vm0, v4;
	v4 =	vmpcnt.ones.xlane vm0  }
0x53: {  	v5 =	vld [tilespmem:s14+$0x2790]  }
0x54: {  	(v2sf) =	vpush v4, $0x0;
	_ =	sdelay $0x3  }
0x55: {  	v4 =	vshrl.u32 v5, $0x10  }
0x56: {  	v6 =	vand.u32 $0xFFFF, v5;
	_ =	sdelay $0x3  }
0x57: {  	v4 =	vld.idx.msk [tilespmem:v4+s5+$0x0], $0xffff  }
0x58: {  	v6 =	vld.idx.msk [tilespmem:v6+s5+$0x0], $0xffff;
	_ =	sdelay $0x4  }
0x59: {  	vm8 =	vlt.u32 v4, $0x4;
	vm9 =	vgt.s32 v6, v4;
	s15 =	spop (v2sf)  }
0x5a: {  	vm0 =	vmand vm8, vm9;
	s9 =	sadd.s32 $0x0, s15  }
0x5b: {  	v4 =	vmpcnt.ones.xlane vm0;
	[tilespmem:s9+$0x3780] =	vst.msk vm0, v5  }
0x5c: {  	v5 =	vld [tilespmem:s14+$0x27A0]  }
0x5d: {  	(v2sf) =	vpush v4, $0x0;
	_ =	sdelay $0x3  }
0x5e: {  	v4 =	vshrl.u32 v5, $0x10  }
0x5f: {  	v6 =	vand.u32 $0xFFFF, v5;
	_ =	sdelay $0x3  }
0x60: {  	v4 =	vld.idx.msk [tilespmem:v4+s5+$0x0], $0xffff  }
0x61: {  	v6 =	vld.idx.msk [tilespmem:v6+s5+$0x0], $0xffff;
	_ =	sdelay $0x4  }
0x62: {  	vm10 =	vlt.u32 v4, $0x4;
	s16 =	spop (v2sf);
	vm11 =	vgt.s32 v6, v4  }
0x63: {  	s9 =	sadd.s32 s9, s16;
	vm0 =	vmand vm10, vm11  }
0x64: {  	[tilespmem:s9+$0x3780] =	vst.msk vm0, v5;
	v4 =	vmpcnt.ones.xlane vm0  }
0x65: {  	v5 =	vld [tilespmem:s14+$0x27B0]  }
0x66: {  	(v2sf) =	vpush v4, $0x0;
	_ =	sdelay $0x3  }
0x67: {  	v4 =	vshrl.u32 v5, $0x10  }
0x68: {  	v6 =	vand.u32 $0xFFFF, v5;
	_ =	sdelay $0x3  }
0x69: {  	v4 =	vld.idx.msk [tilespmem:v4+s5+$0x0], $0xffff  }
0x6a: {  	v6 =	vld.idx.msk [tilespmem:v6+s5+$0x0], $0xffff;
	_ =	sdelay $0x4  }
0x6b: {  	vm12 =	vlt.u32 v4, $0x4;
	vm13 =	vgt.s32 v6, v4;
	s17 =	spop (v2sf)  }
0x6c: {  	vm0 =	vmand vm12, vm13;
	s9 =	sadd.s32 s9, s17  }
0x6d: {  	v4 =	vmpcnt.ones.xlane vm0;
	[tilespmem:s9+$0x3780] =	vst.msk vm0, v5  }
0x6e: {  	v5 =	vld [tilespmem:s14+$0x27C0]  }
0x6f: {  	(v2sf) =	vpush v4, $0x0;
	_ =	sdelay $0x3  }
0x70: {  	v4 =	vshrl.u32 v5, $0x10  }
0x71: {  	v6 =	vand.u32 $0xFFFF, v5;
	_ =	sdelay $0x3  }
0x72: {  	v4 =	vld.idx.msk [tilespmem:v4+s5+$0x0], $0xffff  }
0x73: {  	v6 =	vld.idx.msk [tilespmem:v6+s5+$0x0], $0xffff;
	_ =	sdelay $0x4  }
0x74: {  	vm14 =	vlt.u32 v4, $0x4;
	s18 =	spop (v2sf);
	vm15 =	vgt.s32 v6, v4  }
0x75: {  	s11 =	sadd.s32 s9, s18;
	vm0 =	vmand vm14, vm15  }
0x76: {  	s8 =	simm.s32 $0x50;
	[tilespmem:s11+$0x3780] =	vst.msk vm0, v5;
	v7 =	vmpcnt.ones.xlane vm0  }
0x77: {  	v4 =	vld [tilespmem:s8+$0x2780]  }
0x78: {  	(v2sf) =	vpush v7, $0x0;
	_ =	sdelay $0x2  }
0x79: {  	s19 =	sld [smem:$0x7FC]  }
0x7a: {  	s20 =	sld [smem:$0x7FD];
	v5 =	vshrl.u32 v4, $0x10  }
0x7b: {  	v6 =	vand.u32 $0xFFFF, v4  }
0x7c: {  	p2 =	seq.s32 s19, $0x1  }
0x7d: {  	p5 =	por @!p3 $0x0, $0x0;
	p6 =	seq.s32 s20, $0x1;
	p2 =	por @!p2 $0x0, $0x0  }
0x7e: {  	p2 =	por @!p6 p5, p5;
	p5 =	por @!p4 $0x1, $0x1  }
0x7f: {  	p6 =	por @p1 $0x0, $0x0;
	p2 =	por @!p4 p5, p5;
	v5 =	vld.idx.msk [tilespmem:v5+s5+$0x0], $0xffff  }
0x80: {  	p6 =	por @!p1 p2, p2;
	s9 =	simm.s32 $0x280;
	v6 =	vld.idx.msk [tilespmem:v6+s5+$0x0], $0xffff  }
.LBB2_2:
0x81: {  	p5 =	sne.s32 s9, $0x1E00;
	s10 =	smov.u32 s9;
	s9 =	sadd.s32 $0x140, s9  }
0x82: {  	_ =	sdelay $0x2  }
0x83: {  	vm0 =	vlt.u32 v5, $0x4;
	s12 =	spop (v2sf)  }
0x84: {  	vm1 =	vgt.s32 v6, v5;
	s11 =	sadd.s32 s11, s12  }
0x85: {  	vm0 =	vmand vm0, vm1  }
0x86: {  	[tilespmem:s11+$0x3780] =	vst.msk vm0, v4;
	v4 =	vmpcnt.ones.xlane vm0  }
0x87: {  	v5 =	vld [tilespmem:s8+$0x2790]  }
0x88: {  	(v2sf) =	vpush v4, $0x0;
	_ =	sdelay $0x3  }
0x89: {  	v4 =	vshrl.u32 v5, $0x10;
	v6 =	vand.u32 $0xFFFF, v5;
	_ =	sdelay $0x4  }
0x8a: {  	v4 =	vld.idx.msk [tilespmem:v4+s5+$0x0], $0xffff  }
0x8b: {  	v6 =	vld.idx.msk [tilespmem:v6+s5+$0x0], $0xffff;
	_ =	sdelay $0x4  }
0x8c: {  	vm0 =	vlt.u32 v4, $0x4;
	s12 =	spop (v2sf)  }
0x8d: {  	vm1 =	vgt.s32 v6, v4;
	s11 =	sadd.s32 s11, s12  }
0x8e: {  	vm0 =	vmand vm0, vm1  }
0x8f: {  	v4 =	vmpcnt.ones.xlane vm0;
	[tilespmem:s11+$0x3780] =	vst.msk vm0, v5  }
0x90: {  	v5 =	vld [tilespmem:s8+$0x27A0]  }
0x91: {  	(v2sf) =	vpush v4, $0x0;
	_ =	sdelay $0x3  }
0x92: {  	v4 =	vshrl.u32 v5, $0x10;
	v6 =	vand.u32 $0xFFFF, v5;
	_ =	sdelay $0x4  }
0x93: {  	v4 =	vld.idx.msk [tilespmem:v4+s5+$0x0], $0xffff  }
0x94: {  	v6 =	vld.idx.msk [tilespmem:v6+s5+$0x0], $0xffff;
	_ =	sdelay $0x4  }
0x95: {  	vm0 =	vlt.u32 v4, $0x4;
	s12 =	spop (v2sf)  }
0x96: {  	vm1 =	vgt.s32 v6, v4;
	s11 =	sadd.s32 s11, s12  }
0x97: {  	vm0 =	vmand vm0, vm1  }
0x98: {  	v4 =	vmpcnt.ones.xlane vm0;
	[tilespmem:s11+$0x3780] =	vst.msk vm0, v5  }
0x99: {  	v5 =	vld [tilespmem:s8+$0x27B0]  }
0x9a: {  	(v2sf) =	vpush v4, $0x0;
	_ =	sdelay $0x3  }
0x9b: {  	v4 =	vshrl.u32 v5, $0x10;
	v6 =	vand.u32 $0xFFFF, v5;
	_ =	sdelay $0x4  }
0x9c: {  	v4 =	vld.idx.msk [tilespmem:v4+s5+$0x0], $0xffff  }
0x9d: {  	v6 =	vld.idx.msk [tilespmem:v6+s5+$0x0], $0xffff;
	_ =	sdelay $0x4  }
0x9e: {  	vm0 =	vlt.u32 v4, $0x4;
	s12 =	spop (v2sf)  }
0x9f: {  	vm1 =	vgt.s32 v6, v4;
	s11 =	sadd.s32 s11, s12  }
0xa0: {  	vm0 =	vmand vm0, vm1  }
0xa1: {  	v4 =	vmpcnt.ones.xlane vm0;
	[tilespmem:s11+$0x3780] =	vst.msk vm0, v5  }
0xa2: {  	v5 =	vld [tilespmem:s8+$0x27C0]  }
0xa3: {  	(v2sf) =	vpush v4, $0x0;
	_ =	sdelay $0x3  }
0xa4: {  	v4 =	vshrl.u32 v5, $0x10;
	v6 =	vand.u32 $0xFFFF, v5;
	_ =	sdelay $0x4  }
0xa5: {  	v4 =	vld.idx.msk [tilespmem:v4+s5+$0x0], $0xffff  }
0xa6: {  	v6 =	vld.idx.msk [tilespmem:v6+s5+$0x0], $0xffff;
	_ =	sdelay $0x4  }
0xa7: {  	vm0 =	vlt.u32 v4, $0x4;
	s8 =	spop (v2sf)  }
0xa8: {  	vm1 =	vgt.s32 v6, v4  }
0xa9: {  	s11 =	sadd.s32 s11, s8;
	vm0 =	vmand vm0, vm1  }
0xaa: {  	s8 =	sshra.s32 s10, $0x2;
	[tilespmem:s11+$0x3780] =	vst.msk vm0, v5;
	v5 =	vmpcnt.ones.xlane vm0  }
0xab: {  	v4 =	vld [tilespmem:s8+$0x2780]  }
0xac: {  	(v2sf) =	vpush v5, $0x0;
	_ =	sdelay $0x3  }
0xad: {  	v5 =	vshrl.u32 v4, $0x10;
	v6 =	vand.u32 $0xFFFF, v4;
	_ =	sdelay $0x1  }
.Ltmp2:
0xae: {  	(pc) =	sbr.rel @p5 .LBB2_2-.Ltmp2, $3  }
0xaf: {  	_ =	sdelay $0x1  }
0xb0: {  	v5 =	vld.idx.msk [tilespmem:v5+s5+$0x0], $0xffff  }
0xb1: {  	v6 =	vld.idx.msk [tilespmem:v6+s5+$0x0], $0xffff  }
0xb2: {  	_ =	sdelay $0x3  }
0xb3: {  	vm0 =	vlt.u32 v5, $0x4;
	s9 =	spop (v2sf);
	vm1 =	vgt.s32 v6, v5  }
0xb4: {  	s9 =	sadd.s32 s11, s9;
	vm0 =	vmand vm0, vm1  }
0xb5: {  	[tilespmem:s9+$0x3780] =	vst.msk vm0, v4;
	v4 =	vmpcnt.ones.xlane vm0  }
0xb6: {  	v5 =	vld [tilespmem:s8+$0x2790]  }
0xb7: {  	(v2sf) =	vpush v4, $0x0;
	_ =	sdelay $0x3  }
0xb8: {  	v4 =	vshrl.u32 v5, $0x10  }
0xb9: {  	v6 =	vand.u32 $0xFFFF, v5;
	_ =	sdelay $0x3  }
0xba: {  	v4 =	vld.idx.msk [tilespmem:v4+s5+$0x0], $0xffff  }
0xbb: {  	v6 =	vld.idx.msk [tilespmem:v6+s5+$0x0], $0xffff;
	_ =	sdelay $0x4  }
0xbc: {  	vm10 =	vlt.u32 v4, $0x4;
	vm11 =	vgt.s32 v6, v4;
	s10 =	spop (v2sf)  }
0xbd: {  	vm0 =	vmand vm10, vm11;
	s9 =	sadd.s32 s9, s10  }
0xbe: {  	v4 =	vmpcnt.ones.xlane vm0;
	[tilespmem:s9+$0x3780] =	vst.msk vm0, v5  }
0xbf: {  	v5 =	vld [tilespmem:s8+$0x27A0]  }
0xc0: {  	(v2sf) =	vpush v4, $0x0;
	_ =	sdelay $0x3  }
0xc1: {  	v4 =	vshrl.u32 v5, $0x10  }
0xc2: {  	v6 =	vand.u32 $0xFFFF, v5;
	_ =	sdelay $0x3  }
0xc3: {  	v4 =	vld.idx.msk [tilespmem:v4+s5+$0x0], $0xffff  }
0xc4: {  	v6 =	vld.idx.msk [tilespmem:v6+s5+$0x0], $0xffff;
	_ =	sdelay $0x4  }
0xc5: {  	vm12 =	vlt.u32 v4, $0x4;
	s19 =	spop (v2sf);
	vm13 =	vgt.s32 v6, v4  }
0xc6: {  	s9 =	sadd.s32 s9, s19;
	vm0 =	vmand vm12, vm13  }
0xc7: {  	[tilespmem:s9+$0x3780] =	vst.msk vm0, v5;
	v4 =	vmpcnt.ones.xlane vm0  }
0xc8: {  	v5 =	vld [tilespmem:s8+$0x27B0]  }
0xc9: {  	(v2sf) =	vpush v4, $0x0;
	_ =	sdelay $0x3  }
0xca: {  	v4 =	vshrl.u32 v5, $0x10  }
0xcb: {  	v6 =	vand.u32 $0xFFFF, v5;
	_ =	sdelay $0x3  }
0xcc: {  	v4 =	vld.idx.msk [tilespmem:v4+s5+$0x0], $0xffff  }
0xcd: {  	v6 =	vld.idx.msk [tilespmem:v6+s5+$0x0], $0xffff;
	_ =	sdelay $0x4  }
0xce: {  	vm14 =	vlt.u32 v4, $0x4;
	vm15 =	vgt.s32 v6, v4;
	s20 =	spop (v2sf)  }
0xcf: {  	vm0 =	vmand vm14, vm15;
	s9 =	sadd.s32 s9, s20  }
0xd0: {  	[tilespmem:s9+$0x3780] =	vst.msk vm0, v5  }
0xd1: {  	v4 =	vld [tilespmem:s8+$0x27C0];
	_ =	sdelay $0x4  }
0xd2: {  	v5 =	vshrl.u32 v4, $0x10  }
0xd3: {  	v6 =	vand.u32 $0xFFFF, v4;
	_ =	sdelay $0x3  }
0xd4: {  	v5 =	vld.idx.msk [tilespmem:v5+s5+$0x0], $0xffff  }
0xd5: {  	v6 =	vld.idx.msk [tilespmem:v6+s5+$0x0], $0xffff;
	_ =	sdelay $0x2  }
0xd6: {  	v7 =	vmpcnt.ones.xlane vm0;
	_ =	sdelay $0x1  }
0xd7: {  	(v2sf) =	vpush v7, $0x0;
	vm4 =	vgt.s32 v6, v5;
	vm5 =	vlt.u32 v5, $0x4  }
0xd8: {  	vm0 =	vmand vm5, vm4  }
0xd9: {  	v5 =	vmpcnt.ones.xlane vm0;
	_ =	sdelay $0x1  }
0xda: {  	(v2sf) =	vpush v5, $0x0;
	_ =	sdelay $0xa  }
0xdb: {  	s11 =	spop (v2sf)  }
0xdc: {  	s8 =	sadd.s32 s9, s11  }
0xdd: {  	s14 =	simm.s32 $0x0;
	s15 =	rddreg [dreg:$0xa];
	[tilespmem:s8+$0x3780] =	vst.msk vm0, v4  }
0xde: {  	[tilespmem:s23], [sflag:$0x3] =	stream.linear.gather [hbm4b:s15+s14], $0x7D0, $0x38;
	[tilespmem:$0x1E100] =	vst v63  }
0xdf: {  	s12 =	spop (v2sf)  }
0xe0: {  	_ =	swait.ge [sflag:s28], $0x7D0  }
0xe1: {  	[sflag:s28] =	ssyncset.done $0x0  }
0xe2: {  	s16 =	simm.s32 $0x0;
	[sflag:s28] =	ssyncadd.s32 $0xFFFFF830  }
0xe3: {  	v4 =	vld [tilespmem:s16+$0x2F80];
	_ =	sdelay $0x4  }
0xe4: {  	v5 =	vshrl.u32 v4, $0x10  }
0xe5: {  	v6 =	vand.u32 $0xFFFF, v4;
	_ =	sdelay $0x3  }
0xe6: {  	v5 =	vld.idx.msk [tilespmem:v5+s5+$0x0], $0xffff  }
0xe7: {  	v6 =	vld.idx.msk [tilespmem:v6+s5+$0x0], $0xffff;
	_ =	sdelay $0x4  }
0xe8: {  	vm6 =	vlt.u32 v5, $0x4;
	vm7 =	vgt.s32 v6, v5  }
0xe9: {  	s8 =	sadd.s32 s8, s12;
	vm0 =	vmand vm6, vm7  }
0xea: {  	[tilespmem:s8+$0x3780] =	vst.msk vm0, v4;
	v4 =	vmpcnt.ones.xlane vm0  }
0xeb: {  	v5 =	vld [tilespmem:s16+$0x2F90]  }
0xec: {  	(v2sf) =	vpush v4, $0x0;
	_ =	sdelay $0x3  }
0xed: {  	v4 =	vshrl.u32 v5, $0x10  }
0xee: {  	v6 =	vand.u32 $0xFFFF, v5;
	_ =	sdelay $0x3  }
0xef: {  	v4 =	vld.idx.msk [tilespmem:v4+s5+$0x0], $0xffff  }
0xf0: {  	v6 =	vld.idx.msk [tilespmem:v6+s5+$0x0], $0xffff;
	_ =	sdelay $0x4  }
0xf1: {  	vm8 =	vlt.u32 v4, $0x4;
	vm9 =	vgt.s32 v6, v4;
	s17 =	spop (v2sf)  }
0xf2: {  	vm0 =	vmand vm8, vm9;
	s8 =	sadd.s32 s8, s17  }
0xf3: {  	v4 =	vmpcnt.ones.xlane vm0;
	[tilespmem:s8+$0x3780] =	vst.msk vm0, v5  }
0xf4: {  	v5 =	vld [tilespmem:s16+$0x2FA0]  }
0xf5: {  	(v2sf) =	vpush v4, $0x0;
	_ =	sdelay $0x3  }
0xf6: {  	v4 =	vshrl.u32 v5, $0x10  }
0xf7: {  	v6 =	vand.u32 $0xFFFF, v5;
	_ =	sdelay $0x3  }
0xf8: {  	v4 =	vld.idx.msk [tilespmem:v4+s5+$0x0], $0xffff  }
0xf9: {  	v6 =	vld.idx.msk [tilespmem:v6+s5+$0x0], $0xffff;
	_ =	sdelay $0x4  }
0xfa: {  	vm10 =	vlt.u32 v4, $0x4;
	s18 =	spop (v2sf);
	vm11 =	vgt.s32 v6, v4  }
0xfb: {  	s8 =	sadd.s32 s8, s18;
	vm0 =	vmand vm10, vm11  }
0xfc: {  	[tilespmem:s8+$0x3780] =	vst.msk vm0, v5;
	v4 =	vmpcnt.ones.xlane vm0  }
0xfd: {  	v5 =	vld [tilespmem:s16+$0x2FB0]  }
0xfe: {  	(v2sf) =	vpush v4, $0x0;
	_ =	sdelay $0x3  }
0xff: {  	v4 =	vshrl.u32 v5, $0x10  }
0x100: {  	v6 =	vand.u32 $0xFFFF, v5;
	_ =	sdelay $0x3  }
0x101: {  	v4 =	vld.idx.msk [tilespmem:v4+s5+$0x0], $0xffff  }
0x102: {  	v6 =	vld.idx.msk [tilespmem:v6+s5+$0x0], $0xffff;
	_ =	sdelay $0x4  }
0x103: {  	vm12 =	vlt.u32 v4, $0x4;
	vm13 =	vgt.s32 v6, v4;
	s19 =	spop (v2sf)  }
0x104: {  	vm0 =	vmand vm12, vm13;
	s8 =	sadd.s32 s8, s19  }
0x105: {  	v4 =	vmpcnt.ones.xlane vm0;
	[tilespmem:s8+$0x3780] =	vst.msk vm0, v5  }
0x106: {  	v5 =	vld [tilespmem:s16+$0x2FC0]  }
0x107: {  	(v2sf) =	vpush v4, $0x0;
	_ =	sdelay $0x3  }
0x108: {  	v4 =	vshrl.u32 v5, $0x10  }
0x109: {  	v6 =	vand.u32 $0xFFFF, v5;
	_ =	sdelay $0x3  }
0x10a: {  	v4 =	vld.idx.msk [tilespmem:v4+s5+$0x0], $0xffff  }
0x10b: {  	v6 =	vld.idx.msk [tilespmem:v6+s5+$0x0], $0xffff;
	_ =	sdelay $0x4  }
0x10c: {  	vm14 =	vlt.u32 v4, $0x4;
	s20 =	spop (v2sf);
	vm15 =	vgt.s32 v6, v4  }
0x10d: {  	s11 =	sadd.s32 s8, s20;
	vm0 =	vmand vm14, vm15  }
0x10e: {  	s8 =	simm.s32 $0x50;
	[tilespmem:s11+$0x3780] =	vst.msk vm0, v5;
	v7 =	vmpcnt.ones.xlane vm0  }
0x10f: {  	v4 =	vld [tilespmem:s8+$0x2F80]  }
0x110: {  	(v2sf) =	vpush v7, $0x0;
	_ =	sdelay $0x3  }
0x111: {  	v5 =	vshrl.u32 v4, $0x10  }
0x112: {  	v6 =	vand.u32 $0xFFFF, v4;
	_ =	sdelay $0x3  }
0x113: {  	v5 =	vld.idx.msk [tilespmem:v5+s5+$0x0], $0xffff  }
0x114: {  	s9 =	simm.s32 $0x280;
	v6 =	vld.idx.msk [tilespmem:v6+s5+$0x0], $0xffff  }
.LBB2_4:
0x115: {  	p5 =	sne.s32 s9, $0x1E00;
	s10 =	smov.u32 s9;
	s9 =	sadd.s32 $0x140, s9  }
0x116: {  	_ =	sdelay $0x2  }
0x117: {  	vm0 =	vlt.u32 v5, $0x4;
	s12 =	spop (v2sf)  }
0x118: {  	vm1 =	vgt.s32 v6, v5;
	s11 =	sadd.s32 s11, s12  }
0x119: {  	vm0 =	vmand vm0, vm1  }
0x11a: {  	[tilespmem:s11+$0x3780] =	vst.msk vm0, v4;
	v4 =	vmpcnt.ones.xlane vm0  }
0x11b: {  	v5 =	vld [tilespmem:s8+$0x2F90]  }
0x11c: {  	(v2sf) =	vpush v4, $0x0;
	_ =	sdelay $0x3  }
0x11d: {  	v4 =	vshrl.u32 v5, $0x10;
	v6 =	vand.u32 $0xFFFF, v5;
	_ =	sdelay $0x4  }
0x11e: {  	v4 =	vld.idx.msk [tilespmem:v4+s5+$0x0], $0xffff  }
0x11f: {  	v6 =	vld.idx.msk [tilespmem:v6+s5+$0x0], $0xffff;
	_ =	sdelay $0x4  }
0x120: {  	vm0 =	vlt.u32 v4, $0x4;
	s12 =	spop (v2sf)  }
0x121: {  	vm1 =	vgt.s32 v6, v4;
	s11 =	sadd.s32 s11, s12  }
0x122: {  	vm0 =	vmand vm0, vm1  }
0x123: {  	v4 =	vmpcnt.ones.xlane vm0;
	[tilespmem:s11+$0x3780] =	vst.msk vm0, v5  }
0x124: {  	v5 =	vld [tilespmem:s8+$0x2FA0]  }
0x125: {  	(v2sf) =	vpush v4, $0x0;
	_ =	sdelay $0x3  }
0x126: {  	v4 =	vshrl.u32 v5, $0x10;
	v6 =	vand.u32 $0xFFFF, v5;
	_ =	sdelay $0x4  }
0x127: {  	v4 =	vld.idx.msk [tilespmem:v4+s5+$0x0], $0xffff  }
0x128: {  	v6 =	vld.idx.msk [tilespmem:v6+s5+$0x0], $0xffff;
	_ =	sdelay $0x4  }
0x129: {  	vm0 =	vlt.u32 v4, $0x4;
	s12 =	spop (v2sf)  }
0x12a: {  	vm1 =	vgt.s32 v6, v4;
	s11 =	sadd.s32 s11, s12  }
0x12b: {  	vm0 =	vmand vm0, vm1  }
0x12c: {  	v4 =	vmpcnt.ones.xlane vm0;
	[tilespmem:s11+$0x3780] =	vst.msk vm0, v5  }
0x12d: {  	v5 =	vld [tilespmem:s8+$0x2FB0]  }
0x12e: {  	(v2sf) =	vpush v4, $0x0;
	_ =	sdelay $0x3  }
0x12f: {  	v4 =	vshrl.u32 v5, $0x10;
	v6 =	vand.u32 $0xFFFF, v5;
	_ =	sdelay $0x4  }
0x130: {  	v4 =	vld.idx.msk [tilespmem:v4+s5+$0x0], $0xffff  }
0x131: {  	v6 =	vld.idx.msk [tilespmem:v6+s5+$0x0], $0xffff;
	_ =	sdelay $0x4  }
0x132: {  	vm0 =	vlt.u32 v4, $0x4;
	s12 =	spop (v2sf)  }
0x133: {  	vm1 =	vgt.s32 v6, v4;
	s11 =	sadd.s32 s11, s12  }
0x134: {  	vm0 =	vmand vm0, vm1  }
0x135: {  	v4 =	vmpcnt.ones.xlane vm0;
	[tilespmem:s11+$0x3780] =	vst.msk vm0, v5  }
0x136: {  	v5 =	vld [tilespmem:s8+$0x2FC0]  }
0x137: {  	(v2sf) =	vpush v4, $0x0;
	_ =	sdelay $0x3  }
0x138: {  	v4 =	vshrl.u32 v5, $0x10;
	v6 =	vand.u32 $0xFFFF, v5;
	_ =	sdelay $0x4  }
0x139: {  	v4 =	vld.idx.msk [tilespmem:v4+s5+$0x0], $0xffff  }
0x13a: {  	v6 =	vld.idx.msk [tilespmem:v6+s5+$0x0], $0xffff;
	_ =	sdelay $0x4  }
0x13b: {  	vm0 =	vlt.u32 v4, $0x4;
	s8 =	spop (v2sf)  }
0x13c: {  	vm1 =	vgt.s32 v6, v4  }
0x13d: {  	s11 =	sadd.s32 s11, s8;
	vm0 =	vmand vm0, vm1  }
0x13e: {  	s8 =	sshra.s32 s10, $0x2;
	[tilespmem:s11+$0x3780] =	vst.msk vm0, v5;
	v5 =	vmpcnt.ones.xlane vm0  }
0x13f: {  	v4 =	vld [tilespmem:s8+$0x2F80]  }
0x140: {  	(v2sf) =	vpush v5, $0x0;
	_ =	sdelay $0x3  }
0x141: {  	v5 =	vshrl.u32 v4, $0x10;
	v6 =	vand.u32 $0xFFFF, v4;
	_ =	sdelay $0x1  }
.Ltmp3:
0x142: {  	(pc) =	sbr.rel @p5 .LBB2_4-.Ltmp3, $3  }
0x143: {  	_ =	sdelay $0x1  }
0x144: {  	v5 =	vld.idx.msk [tilespmem:v5+s5+$0x0], $0xffff  }
0x145: {  	v6 =	vld.idx.msk [tilespmem:v6+s5+$0x0], $0xffff  }
0x146: {  	_ =	sdelay $0x3  }
0x147: {  	vm0 =	vlt.u32 v5, $0x4;
	s9 =	spop (v2sf);
	vm1 =	vgt.s32 v6, v5  }
0x148: {  	s9 =	sadd.s32 s11, s9;
	vm0 =	vmand vm0, vm1  }
0x149: {  	[tilespmem:s9+$0x3780] =	vst.msk vm0, v4;
	v4 =	vmpcnt.ones.xlane vm0  }
0x14a: {  	v5 =	vld [tilespmem:s8+$0x2F90]  }
0x14b: {  	(v2sf) =	vpush v4, $0x0;
	_ =	sdelay $0x3  }
0x14c: {  	v4 =	vshrl.u32 v5, $0x10  }
0x14d: {  	v6 =	vand.u32 $0xFFFF, v5;
	_ =	sdelay $0x3  }
0x14e: {  	v4 =	vld.idx.msk [tilespmem:v4+s5+$0x0], $0xffff  }
0x14f: {  	v6 =	vld.idx.msk [tilespmem:v6+s5+$0x0], $0xffff;
	_ =	sdelay $0x4  }
0x150: {  	vm10 =	vlt.u32 v4, $0x4;
	vm11 =	vgt.s32 v6, v4;
	s10 =	spop (v2sf)  }
0x151: {  	vm0 =	vmand vm10, vm11;
	s9 =	sadd.s32 s9, s10  }
0x152: {  	v4 =	vmpcnt.ones.xlane vm0;
	[tilespmem:s9+$0x3780] =	vst.msk vm0, v5  }
0x153: {  	v5 =	vld [tilespmem:s8+$0x2FA0]  }
0x154: {  	(v2sf) =	vpush v4, $0x0;
	_ =	sdelay $0x3  }
0x155: {  	v4 =	vshrl.u32 v5, $0x10  }
0x156: {  	v6 =	vand.u32 $0xFFFF, v5;
	_ =	sdelay $0x3  }
0x157: {  	v4 =	vld.idx.msk [tilespmem:v4+s5+$0x0], $0xffff  }
0x158: {  	v6 =	vld.idx.msk [tilespmem:v6+s5+$0x0], $0xffff;
	_ =	sdelay $0x4  }
0x159: {  	vm12 =	vlt.u32 v4, $0x4;
	s19 =	spop (v2sf);
	vm13 =	vgt.s32 v6, v4  }
0x15a: {  	s9 =	sadd.s32 s9, s19;
	vm0 =	vmand vm12, vm13  }
0x15b: {  	[tilespmem:s9+$0x3780] =	vst.msk vm0, v5;
	v4 =	vmpcnt.ones.xlane vm0  }
0x15c: {  	v5 =	vld [tilespmem:s8+$0x2FB0]  }
0x15d: {  	(v2sf) =	vpush v4, $0x0;
	_ =	sdelay $0x3  }
0x15e: {  	v4 =	vshrl.u32 v5, $0x10  }
0x15f: {  	v6 =	vand.u32 $0xFFFF, v5;
	_ =	sdelay $0x3  }
0x160: {  	v4 =	vld.idx.msk [tilespmem:v4+s5+$0x0], $0xffff  }
0x161: {  	v6 =	vld.idx.msk [tilespmem:v6+s5+$0x0], $0xffff;
	_ =	sdelay $0x4  }
0x162: {  	vm14 =	vlt.u32 v4, $0x4;
	vm15 =	vgt.s32 v6, v4;
	s20 =	spop (v2sf)  }
0x163: {  	vm0 =	vmand vm14, vm15;
	s9 =	sadd.s32 s9, s20  }
0x164: {  	[tilespmem:s9+$0x3780] =	vst.msk vm0, v5  }
0x165: {  	v4 =	vld [tilespmem:s8+$0x2FC0];
	_ =	sdelay $0x4  }
0x166: {  	v5 =	vshrl.u32 v4, $0x10  }
0x167: {  	v6 =	vand.u32 $0xFFFF, v4;
	_ =	sdelay $0x3  }
0x168: {  	v5 =	vld.idx.msk [tilespmem:v5+s5+$0x0], $0xffff  }
0x169: {  	v6 =	vld.idx.msk [tilespmem:v6+s5+$0x0], $0xffff;
	_ =	sdelay $0x2  }
0x16a: {  	v7 =	vmpcnt.ones.xlane vm0;
	_ =	sdelay $0x1  }
0x16b: {  	(v2sf) =	vpush v7, $0x0;
	vm4 =	vgt.s32 v6, v5;
	vm5 =	vlt.u32 v5, $0x4  }
0x16c: {  	vm0 =	vmand vm5, vm4  }
0x16d: {  	v5 =	vmpcnt.ones.xlane vm0;
	_ =	sdelay $0x1  }
0x16e: {  	(v2sf) =	vpush v5, $0x0;
	_ =	sdelay $0xa  }
0x16f: {  	s11 =	spop (v2sf)  }
0x170: {  	s8 =	sadd.s32 s9, s11  }
0x171: {  	s14 =	simm.s32 $0x0;
	s15 =	rddreg [dreg:$0xb];
	[tilespmem:s8+$0x3780] =	vst.msk vm0, v4  }
0x172: {  	[tilespmem:s13], [sflag:$0x4] =	stream.linear.gather [hbm4b:s15+s14], $0x7D0, $0x38;
	[tilespmem:$0x1E100] =	vst v63  }
0x173: {  	s12 =	spop (v2sf)  }
0x174: {  	_ =	swait.ge [sflag:s26], $0x7D0  }
0x175: {  	[sflag:s26] =	ssyncset.done $0x0  }
0x176: {  	s16 =	simm.s32 $0x0;
	[sflag:s26] =	ssyncadd.s32 $0xFFFFF830  }
0x177: {  	v4 =	vld [tilespmem:s16+$0x2780];
	_ =	sdelay $0x4  }
0x178: {  	v5 =	vshrl.u32 v4, $0x10  }
0x179: {  	v6 =	vand.u32 $0xFFFF, v4;
	_ =	sdelay $0x3  }
0x17a: {  	v5 =	vld.idx.msk [tilespmem:v5+s5+$0x0], $0xffff  }
0x17b: {  	v6 =	vld.idx.msk [tilespmem:v6+s5+$0x0], $0xffff;
	_ =	sdelay $0x4  }
0x17c: {  	vm6 =	vlt.u32 v5, $0x4;
	vm7 =	vgt.s32 v6, v5  }
0x17d: {  	s8 =	sadd.s32 s8, s12;
	vm0 =	vmand vm6, vm7  }
0x17e: {  	[tilespmem:s8+$0x3780] =	vst.msk vm0, v4;
	v4 =	vmpcnt.ones.xlane vm0  }
0x17f: {  	v5 =	vld [tilespmem:s16+$0x2790]  }
0x180: {  	(v2sf) =	vpush v4, $0x0;
	_ =	sdelay $0x3  }
0x181: {  	v4 =	vshrl.u32 v5, $0x10  }
0x182: {  	v6 =	vand.u32 $0xFFFF, v5;
	_ =	sdelay $0x3  }
0x183: {  	v4 =	vld.idx.msk [tilespmem:v4+s5+$0x0], $0xffff  }
0x184: {  	v6 =	vld.idx.msk [tilespmem:v6+s5+$0x0], $0xffff;
	_ =	sdelay $0x4  }
0x185: {  	vm8 =	vlt.u32 v4, $0x4;
	vm9 =	vgt.s32 v6, v4;
	s17 =	spop (v2sf)  }
0x186: {  	vm0 =	vmand vm8, vm9;
	s8 =	sadd.s32 s8, s17  }
0x187: {  	v4 =	vmpcnt.ones.xlane vm0;
	[tilespmem:s8+$0x3780] =	vst.msk vm0, v5  }
0x188: {  	v5 =	vld [tilespmem:s16+$0x27A0]  }
0x189: {  	(v2sf) =	vpush v4, $0x0;
	_ =	sdelay $0x3  }
0x18a: {  	v4 =	vshrl.u32 v5, $0x10  }
0x18b: {  	v6 =	vand.u32 $0xFFFF, v5;
	_ =	sdelay $0x3  }
0x18c: {  	v4 =	vld.idx.msk [tilespmem:v4+s5+$0x0], $0xffff  }
0x18d: {  	v6 =	vld.idx.msk [tilespmem:v6+s5+$0x0], $0xffff;
	_ =	sdelay $0x4  }
0x18e: {  	vm10 =	vlt.u32 v4, $0x4;
	s18 =	spop (v2sf);
	vm11 =	vgt.s32 v6, v4  }
0x18f: {  	s8 =	sadd.s32 s8, s18;
	vm0 =	vmand vm10, vm11  }
0x190: {  	[tilespmem:s8+$0x3780] =	vst.msk vm0, v5;
	v4 =	vmpcnt.ones.xlane vm0  }
0x191: {  	v5 =	vld [tilespmem:s16+$0x27B0]  }
0x192: {  	(v2sf) =	vpush v4, $0x0;
	_ =	sdelay $0x3  }
0x193: {  	v4 =	vshrl.u32 v5, $0x10  }
0x194: {  	v6 =	vand.u32 $0xFFFF, v5;
	_ =	sdelay $0x3  }
0x195: {  	v4 =	vld.idx.msk [tilespmem:v4+s5+$0x0], $0xffff  }
0x196: {  	v6 =	vld.idx.msk [tilespmem:v6+s5+$0x0], $0xffff;
	_ =	sdelay $0x4  }
0x197: {  	vm12 =	vlt.u32 v4, $0x4;
	vm13 =	vgt.s32 v6, v4;
	s19 =	spop (v2sf)  }
0x198: {  	vm0 =	vmand vm12, vm13;
	s8 =	sadd.s32 s8, s19  }
0x199: {  	v4 =	vmpcnt.ones.xlane vm0;
	[tilespmem:s8+$0x3780] =	vst.msk vm0, v5  }
0x19a: {  	v5 =	vld [tilespmem:s16+$0x27C0]  }
0x19b: {  	(v2sf) =	vpush v4, $0x0;
	_ =	sdelay $0x3  }
0x19c: {  	v4 =	vshrl.u32 v5, $0x10  }
0x19d: {  	v6 =	vand.u32 $0xFFFF, v5;
	_ =	sdelay $0x3  }
0x19e: {  	v4 =	vld.idx.msk [tilespmem:v4+s5+$0x0], $0xffff  }
0x19f: {  	v6 =	vld.idx.msk [tilespmem:v6+s5+$0x0], $0xffff;
	_ =	sdelay $0x4  }
0x1a0: {  	vm14 =	vlt.u32 v4, $0x4;
	s20 =	spop (v2sf);
	vm15 =	vgt.s32 v6, v4  }
0x1a1: {  	s11 =	sadd.s32 s8, s20;
	vm0 =	vmand vm14, vm15  }
0x1a2: {  	s8 =	simm.s32 $0x50;
	[tilespmem:s11+$0x3780] =	vst.msk vm0, v5;
	v7 =	vmpcnt.ones.xlane vm0  }
0x1a3: {  	v4 =	vld [tilespmem:s8+$0x2780]  }
0x1a4: {  	(v2sf) =	vpush v7, $0x0;
	_ =	sdelay $0x3  }
0x1a5: {  	v5 =	vshrl.u32 v4, $0x10  }
0x1a6: {  	v6 =	vand.u32 $0xFFFF, v4;
	_ =	sdelay $0x3  }
0x1a7: {  	v5 =	vld.idx.msk [tilespmem:v5+s5+$0x0], $0xffff  }
0x1a8: {  	s9 =	simm.s32 $0x280;
	v6 =	vld.idx.msk [tilespmem:v6+s5+$0x0], $0xffff  }
.LBB2_6:
0x1a9: {  	p5 =	sne.s32 s9, $0x1E00;
	s10 =	smov.u32 s9;
	s9 =	sadd.s32 $0x140, s9  }
0x1aa: {  	_ =	sdelay $0x2  }
0x1ab: {  	vm0 =	vlt.u32 v5, $0x4;
	s12 =	spop (v2sf)  }
0x1ac: {  	vm1 =	vgt.s32 v6, v5;
	s11 =	sadd.s32 s11, s12  }
0x1ad: {  	vm0 =	vmand vm0, vm1  }
0x1ae: {  	[tilespmem:s11+$0x3780] =	vst.msk vm0, v4;
	v4 =	vmpcnt.ones.xlane vm0  }
0x1af: {  	v5 =	vld [tilespmem:s8+$0x2790]  }
0x1b0: {  	(v2sf) =	vpush v4, $0x0;
	_ =	sdelay $0x3  }
0x1b1: {  	v4 =	vshrl.u32 v5, $0x10;
	v6 =	vand.u32 $0xFFFF, v5;
	_ =	sdelay $0x4  }
0x1b2: {  	v4 =	vld.idx.msk [tilespmem:v4+s5+$0x0], $0xffff  }
0x1b3: {  	v6 =	vld.idx.msk [tilespmem:v6+s5+$0x0], $0xffff;
	_ =	sdelay $0x4  }
0x1b4: {  	vm0 =	vlt.u32 v4, $0x4;
	s12 =	spop (v2sf)  }
0x1b5: {  	vm1 =	vgt.s32 v6, v4;
	s11 =	sadd.s32 s11, s12  }
0x1b6: {  	vm0 =	vmand vm0, vm1  }
0x1b7: {  	v4 =	vmpcnt.ones.xlane vm0;
	[tilespmem:s11+$0x3780] =	vst.msk vm0, v5  }
0x1b8: {  	v5 =	vld [tilespmem:s8+$0x27A0]  }
0x1b9: {  	(v2sf) =	vpush v4, $0x0;
	_ =	sdelay $0x3  }
0x1ba: {  	v4 =	vshrl.u32 v5, $0x10;
	v6 =	vand.u32 $0xFFFF, v5;
	_ =	sdelay $0x4  }
0x1bb: {  	v4 =	vld.idx.msk [tilespmem:v4+s5+$0x0], $0xffff  }
0x1bc: {  	v6 =	vld.idx.msk [tilespmem:v6+s5+$0x0], $0xffff;
	_ =	sdelay $0x4  }
0x1bd: {  	vm0 =	vlt.u32 v4, $0x4;
	s12 =	spop (v2sf)  }
0x1be: {  	vm1 =	vgt.s32 v6, v4;
	s11 =	sadd.s32 s11, s12  }
0x1bf: {  	vm0 =	vmand vm0, vm1  }
0x1c0: {  	v4 =	vmpcnt.ones.xlane vm0;
	[tilespmem:s11+$0x3780] =	vst.msk vm0, v5  }
0x1c1: {  	v5 =	vld [tilespmem:s8+$0x27B0]  }
0x1c2: {  	(v2sf) =	vpush v4, $0x0;
	_ =	sdelay $0x3  }
0x1c3: {  	v4 =	vshrl.u32 v5, $0x10;
	v6 =	vand.u32 $0xFFFF, v5;
	_ =	sdelay $0x4  }
0x1c4: {  	v4 =	vld.idx.msk [tilespmem:v4+s5+$0x0], $0xffff  }
0x1c5: {  	v6 =	vld.idx.msk [tilespmem:v6+s5+$0x0], $0xffff;
	_ =	sdelay $0x4  }
0x1c6: {  	vm0 =	vlt.u32 v4, $0x4;
	s12 =	spop (v2sf)  }
0x1c7: {  	vm1 =	vgt.s32 v6, v4;
	s11 =	sadd.s32 s11, s12  }
0x1c8: {  	vm0 =	vmand vm0, vm1  }
0x1c9: {  	v4 =	vmpcnt.ones.xlane vm0;
	[tilespmem:s11+$0x3780] =	vst.msk vm0, v5  }
0x1ca: {  	v5 =	vld [tilespmem:s8+$0x27C0]  }
0x1cb: {  	(v2sf) =	vpush v4, $0x0;
	_ =	sdelay $0x3  }
0x1cc: {  	v4 =	vshrl.u32 v5, $0x10;
	v6 =	vand.u32 $0xFFFF, v5;
	_ =	sdelay $0x4  }
0x1cd: {  	v4 =	vld.idx.msk [tilespmem:v4+s5+$0x0], $0xffff  }
0x1ce: {  	v6 =	vld.idx.msk [tilespmem:v6+s5+$0x0], $0xffff;
	_ =	sdelay $0x4  }
0x1cf: {  	vm0 =	vlt.u32 v4, $0x4;
	s8 =	spop (v2sf)  }
0x1d0: {  	vm1 =	vgt.s32 v6, v4  }
0x1d1: {  	s11 =	sadd.s32 s11, s8;
	vm0 =	vmand vm0, vm1  }
0x1d2: {  	s8 =	sshra.s32 s10, $0x2;
	[tilespmem:s11+$0x3780] =	vst.msk vm0, v5;
	v5 =	vmpcnt.ones.xlane vm0  }
0x1d3: {  	v4 =	vld [tilespmem:s8+$0x2780]  }
0x1d4: {  	(v2sf) =	vpush v5, $0x0;
	_ =	sdelay $0x3  }
0x1d5: {  	v5 =	vshrl.u32 v4, $0x10;
	v6 =	vand.u32 $0xFFFF, v4;
	_ =	sdelay $0x1  }
.Ltmp4:
0x1d6: {  	(pc) =	sbr.rel @p5 .LBB2_6-.Ltmp4, $3  }
0x1d7: {  	_ =	sdelay $0x1  }
0x1d8: {  	v5 =	vld.idx.msk [tilespmem:v5+s5+$0x0], $0xffff  }
0x1d9: {  	v6 =	vld.idx.msk [tilespmem:v6+s5+$0x0], $0xffff  }
0x1da: {  	_ =	sdelay $0x3  }
0x1db: {  	vm0 =	vlt.u32 v5, $0x4;
	s9 =	spop (v2sf);
	vm1 =	vgt.s32 v6, v5  }
0x1dc: {  	s9 =	sadd.s32 s11, s9;
	vm0 =	vmand vm0, vm1  }
0x1dd: {  	[tilespmem:s9+$0x3780] =	vst.msk vm0, v4;
	v4 =	vmpcnt.ones.xlane vm0  }
0x1de: {  	v5 =	vld [tilespmem:s8+$0x2790]  }
0x1df: {  	(v2sf) =	vpush v4, $0x0;
	_ =	sdelay $0x3  }
0x1e0: {  	v4 =	vshrl.u32 v5, $0x10  }
0x1e1: {  	v6 =	vand.u32 $0xFFFF, v5;
	_ =	sdelay $0x3  }
0x1e2: {  	v4 =	vld.idx.msk [tilespmem:v4+s5+$0x0], $0xffff  }
0x1e3: {  	v6 =	vld.idx.msk [tilespmem:v6+s5+$0x0], $0xffff;
	_ =	sdelay $0x4  }
0x1e4: {  	vm10 =	vlt.u32 v4, $0x4;
	vm11 =	vgt.s32 v6, v4;
	s10 =	spop (v2sf)  }
0x1e5: {  	vm0 =	vmand vm10, vm11;
	s9 =	sadd.s32 s9, s10  }
0x1e6: {  	v4 =	vmpcnt.ones.xlane vm0;
	[tilespmem:s9+$0x3780] =	vst.msk vm0, v5  }
0x1e7: {  	v5 =	vld [tilespmem:s8+$0x27A0]  }
0x1e8: {  	(v2sf) =	vpush v4, $0x0;
	_ =	sdelay $0x3  }
0x1e9: {  	v4 =	vshrl.u32 v5, $0x10  }
0x1ea: {  	v6 =	vand.u32 $0xFFFF, v5;
	_ =	sdelay $0x3  }
0x1eb: {  	v4 =	vld.idx.msk [tilespmem:v4+s5+$0x0], $0xffff  }
0x1ec: {  	v6 =	vld.idx.msk [tilespmem:v6+s5+$0x0], $0xffff;
	_ =	sdelay $0x4  }
0x1ed: {  	vm12 =	vlt.u32 v4, $0x4;
	s19 =	spop (v2sf);
	vm13 =	vgt.s32 v6, v4  }
0x1ee: {  	s9 =	sadd.s32 s9, s19;
	vm0 =	vmand vm12, vm13  }
0x1ef: {  	[tilespmem:s9+$0x3780] =	vst.msk vm0, v5;
	v4 =	vmpcnt.ones.xlane vm0  }
0x1f0: {  	v5 =	vld [tilespmem:s8+$0x27B0]  }
0x1f1: {  	(v2sf) =	vpush v4, $0x0;
	_ =	sdelay $0x3  }
0x1f2: {  	v4 =	vshrl.u32 v5, $0x10  }
0x1f3: {  	v6 =	vand.u32 $0xFFFF, v5;
	_ =	sdelay $0x3  }
0x1f4: {  	v4 =	vld.idx.msk [tilespmem:v4+s5+$0x0], $0xffff  }
0x1f5: {  	v6 =	vld.idx.msk [tilespmem:v6+s5+$0x0], $0xffff;
	_ =	sdelay $0x4  }
0x1f6: {  	vm14 =	vlt.u32 v4, $0x4;
	vm15 =	vgt.s32 v6, v4;
	s20 =	spop (v2sf)  }
0x1f7: {  	vm0 =	vmand vm14, vm15;
	s9 =	sadd.s32 s9, s20  }
0x1f8: {  	[tilespmem:s9+$0x3780] =	vst.msk vm0, v5  }
0x1f9: {  	v4 =	vld [tilespmem:s8+$0x27C0];
	_ =	sdelay $0x4  }
0x1fa: {  	v5 =	vshrl.u32 v4, $0x10  }
0x1fb: {  	v6 =	vand.u32 $0xFFFF, v4;
	_ =	sdelay $0x3  }
0x1fc: {  	v5 =	vld.idx.msk [tilespmem:v5+s5+$0x0], $0xffff  }
0x1fd: {  	v6 =	vld.idx.msk [tilespmem:v6+s5+$0x0], $0xffff;
	_ =	sdelay $0x2  }
0x1fe: {  	v7 =	vmpcnt.ones.xlane vm0;
	_ =	sdelay $0x1  }
0x1ff: {  	(v2sf) =	vpush v7, $0x0;
	vm4 =	vgt.s32 v6, v5;
	vm5 =	vlt.u32 v5, $0x4  }
0x200: {  	vm0 =	vmand vm5, vm4  }
0x201: {  	v5 =	vmpcnt.ones.xlane vm0;
	_ =	sdelay $0x1  }
0x202: {  	(v2sf) =	vpush v5, $0x0;
	_ =	sdelay $0xa  }
0x203: {  	s11 =	spop (v2sf)  }
0x204: {  	s8 =	sadd.s32 s9, s11  }
0x205: {  	s14 =	simm.s32 $0x0;
	s15 =	rddreg [dreg:$0xc];
	[tilespmem:s8+$0x3780] =	vst.msk vm0, v4  }
0x206: {  	[tilespmem:s23], [sflag:$0x3] =	stream.linear.gather [hbm4b:s15+s14], $0x7D0, $0x38;
	[tilespmem:$0x1E100] =	vst v63  }
0x207: {  	s12 =	spop (v2sf)  }
0x208: {  	_ =	swait.ge [sflag:s28], $0x7D0  }
0x209: {  	[sflag:s28] =	ssyncset.done $0x0  }
0x20a: {  	s16 =	simm.s32 $0x0;
	[sflag:s28] =	ssyncadd.s32 $0xFFFFF830  }
0x20b: {  	v4 =	vld [tilespmem:s16+$0x2F80];
	_ =	sdelay $0x4  }
0x20c: {  	v5 =	vshrl.u32 v4, $0x10  }
0x20d: {  	v6 =	vand.u32 $0xFFFF, v4;
	_ =	sdelay $0x3  }
0x20e: {  	v5 =	vld.idx.msk [tilespmem:v5+s5+$0x0], $0xffff  }
0x20f: {  	v6 =	vld.idx.msk [tilespmem:v6+s5+$0x0], $0xffff;
	_ =	sdelay $0x4  }
0x210: {  	vm6 =	vlt.u32 v5, $0x4;
	vm7 =	vgt.s32 v6, v5  }
0x211: {  	s8 =	sadd.s32 s8, s12;
	vm0 =	vmand vm6, vm7  }
0x212: {  	[tilespmem:s8+$0x3780] =	vst.msk vm0, v4;
	v4 =	vmpcnt.ones.xlane vm0  }
0x213: {  	v5 =	vld [tilespmem:s16+$0x2F90]  }
0x214: {  	(v2sf) =	vpush v4, $0x0;
	_ =	sdelay $0x3  }
0x215: {  	v4 =	vshrl.u32 v5, $0x10  }
0x216: {  	v6 =	vand.u32 $0xFFFF, v5;
	_ =	sdelay $0x3  }
0x217: {  	v4 =	vld.idx.msk [tilespmem:v4+s5+$0x0], $0xffff  }
0x218: {  	v6 =	vld.idx.msk [tilespmem:v6+s5+$0x0], $0xffff;
	_ =	sdelay $0x4  }
0x219: {  	vm8 =	vlt.u32 v4, $0x4;
	vm9 =	vgt.s32 v6, v4;
	s17 =	spop (v2sf)  }
0x21a: {  	vm0 =	vmand vm8, vm9;
	s8 =	sadd.s32 s8, s17  }
0x21b: {  	v4 =	vmpcnt.ones.xlane vm0;
	[tilespmem:s8+$0x3780] =	vst.msk vm0, v5  }
0x21c: {  	v5 =	vld [tilespmem:s16+$0x2FA0]  }
0x21d: {  	(v2sf) =	vpush v4, $0x0;
	_ =	sdelay $0x3  }
0x21e: {  	v4 =	vshrl.u32 v5, $0x10  }
0x21f: {  	v6 =	vand.u32 $0xFFFF, v5;
	_ =	sdelay $0x3  }
0x220: {  	v4 =	vld.idx.msk [tilespmem:v4+s5+$0x0], $0xffff  }
0x221: {  	v6 =	vld.idx.msk [tilespmem:v6+s5+$0x0], $0xffff;
	_ =	sdelay $0x4  }
0x222: {  	vm10 =	vlt.u32 v4, $0x4;
	s18 =	spop (v2sf);
	vm11 =	vgt.s32 v6, v4  }
0x223: {  	s8 =	sadd.s32 s8, s18;
	vm0 =	vmand vm10, vm11  }
0x224: {  	[tilespmem:s8+$0x3780] =	vst.msk vm0, v5;
	v4 =	vmpcnt.ones.xlane vm0  }
0x225: {  	v5 =	vld [tilespmem:s16+$0x2FB0]  }
0x226: {  	(v2sf) =	vpush v4, $0x0;
	_ =	sdelay $0x3  }
0x227: {  	v4 =	vshrl.u32 v5, $0x10  }
0x228: {  	v6 =	vand.u32 $0xFFFF, v5;
	_ =	sdelay $0x3  }
0x229: {  	v4 =	vld.idx.msk [tilespmem:v4+s5+$0x0], $0xffff  }
0x22a: {  	v6 =	vld.idx.msk [tilespmem:v6+s5+$0x0], $0xffff;
	_ =	sdelay $0x4  }
0x22b: {  	vm12 =	vlt.u32 v4, $0x4;
	vm13 =	vgt.s32 v6, v4;
	s19 =	spop (v2sf)  }
0x22c: {  	vm0 =	vmand vm12, vm13;
	s8 =	sadd.s32 s8, s19  }
0x22d: {  	v4 =	vmpcnt.ones.xlane vm0;
	[tilespmem:s8+$0x3780] =	vst.msk vm0, v5  }
0x22e: {  	v5 =	vld [tilespmem:s16+$0x2FC0]  }
0x22f: {  	(v2sf) =	vpush v4, $0x0;
	_ =	sdelay $0x3  }
0x230: {  	v4 =	vshrl.u32 v5, $0x10  }
0x231: {  	v6 =	vand.u32 $0xFFFF, v5;
	_ =	sdelay $0x3  }
0x232: {  	v4 =	vld.idx.msk [tilespmem:v4+s5+$0x0], $0xffff  }
0x233: {  	v6 =	vld.idx.msk [tilespmem:v6+s5+$0x0], $0xffff;
	_ =	sdelay $0x4  }
0x234: {  	vm14 =	vlt.u32 v4, $0x4;
	s20 =	spop (v2sf);
	vm15 =	vgt.s32 v6, v4  }
0x235: {  	s11 =	sadd.s32 s8, s20;
	vm0 =	vmand vm14, vm15  }
0x236: {  	s8 =	simm.s32 $0x50;
	[tilespmem:s11+$0x3780] =	vst.msk vm0, v5;
	v7 =	vmpcnt.ones.xlane vm0  }
0x237: {  	v4 =	vld [tilespmem:s8+$0x2F80]  }
0x238: {  	(v2sf) =	vpush v7, $0x0;
	_ =	sdelay $0x3  }
0x239: {  	v5 =	vshrl.u32 v4, $0x10  }
0x23a: {  	v6 =	vand.u32 $0xFFFF, v4;
	_ =	sdelay $0x3  }
0x23b: {  	v5 =	vld.idx.msk [tilespmem:v5+s5+$0x0], $0xffff  }
0x23c: {  	s9 =	simm.s32 $0x280;
	v6 =	vld.idx.msk [tilespmem:v6+s5+$0x0], $0xffff  }
.LBB2_8:
0x23d: {  	p5 =	sne.s32 s9, $0x1E00;
	s10 =	smov.u32 s9;
	s9 =	sadd.s32 $0x140, s9  }
0x23e: {  	_ =	sdelay $0x2  }
0x23f: {  	vm0 =	vlt.u32 v5, $0x4;
	s12 =	spop (v2sf)  }
0x240: {  	vm1 =	vgt.s32 v6, v5;
	s11 =	sadd.s32 s11, s12  }
0x241: {  	vm0 =	vmand vm0, vm1  }
0x242: {  	[tilespmem:s11+$0x3780] =	vst.msk vm0, v4;
	v4 =	vmpcnt.ones.xlane vm0  }
0x243: {  	v5 =	vld [tilespmem:s8+$0x2F90]  }
0x244: {  	(v2sf) =	vpush v4, $0x0;
	_ =	sdelay $0x3  }
0x245: {  	v4 =	vshrl.u32 v5, $0x10;
	v6 =	vand.u32 $0xFFFF, v5;
	_ =	sdelay $0x4  }
0x246: {  	v4 =	vld.idx.msk [tilespmem:v4+s5+$0x0], $0xffff  }
0x247: {  	v6 =	vld.idx.msk [tilespmem:v6+s5+$0x0], $0xffff;
	_ =	sdelay $0x4  }
0x248: {  	vm0 =	vlt.u32 v4, $0x4;
	s12 =	spop (v2sf)  }
0x249: {  	vm1 =	vgt.s32 v6, v4;
	s11 =	sadd.s32 s11, s12  }
0x24a: {  	vm0 =	vmand vm0, vm1  }
0x24b: {  	v4 =	vmpcnt.ones.xlane vm0;
	[tilespmem:s11+$0x3780] =	vst.msk vm0, v5  }
0x24c: {  	v5 =	vld [tilespmem:s8+$0x2FA0]  }
0x24d: {  	(v2sf) =	vpush v4, $0x0;
	_ =	sdelay $0x3  }
0x24e: {  	v4 =	vshrl.u32 v5, $0x10;
	v6 =	vand.u32 $0xFFFF, v5;
	_ =	sdelay $0x4  }
0x24f: {  	v4 =	vld.idx.msk [tilespmem:v4+s5+$0x0], $0xffff  }
0x250: {  	v6 =	vld.idx.msk [tilespmem:v6+s5+$0x0], $0xffff;
	_ =	sdelay $0x4  }
0x251: {  	vm0 =	vlt.u32 v4, $0x4;
	s12 =	spop (v2sf)  }
0x252: {  	vm1 =	vgt.s32 v6, v4;
	s11 =	sadd.s32 s11, s12  }
0x253: {  	vm0 =	vmand vm0, vm1  }
0x254: {  	v4 =	vmpcnt.ones.xlane vm0;
	[tilespmem:s11+$0x3780] =	vst.msk vm0, v5  }
0x255: {  	v5 =	vld [tilespmem:s8+$0x2FB0]  }
0x256: {  	(v2sf) =	vpush v4, $0x0;
	_ =	sdelay $0x3  }
0x257: {  	v4 =	vshrl.u32 v5, $0x10;
	v6 =	vand.u32 $0xFFFF, v5;
	_ =	sdelay $0x4  }
0x258: {  	v4 =	vld.idx.msk [tilespmem:v4+s5+$0x0], $0xffff  }
0x259: {  	v6 =	vld.idx.msk [tilespmem:v6+s5+$0x0], $0xffff;
	_ =	sdelay $0x4  }
0x25a: {  	vm0 =	vlt.u32 v4, $0x4;
	s12 =	spop (v2sf)  }
0x25b: {  	vm1 =	vgt.s32 v6, v4;
	s11 =	sadd.s32 s11, s12  }
0x25c: {  	vm0 =	vmand vm0, vm1  }
0x25d: {  	v4 =	vmpcnt.ones.xlane vm0;
	[tilespmem:s11+$0x3780] =	vst.msk vm0, v5  }
0x25e: {  	v5 =	vld [tilespmem:s8+$0x2FC0]  }
0x25f: {  	(v2sf) =	vpush v4, $0x0;
	_ =	sdelay $0x3  }
0x260: {  	v4 =	vshrl.u32 v5, $0x10;
	v6 =	vand.u32 $0xFFFF, v5;
	_ =	sdelay $0x4  }
0x261: {  	v4 =	vld.idx.msk [tilespmem:v4+s5+$0x0], $0xffff  }
0x262: {  	v6 =	vld.idx.msk [tilespmem:v6+s5+$0x0], $0xffff;
	_ =	sdelay $0x4  }
0x263: {  	vm0 =	vlt.u32 v4, $0x4;
	s8 =	spop (v2sf)  }
0x264: {  	vm1 =	vgt.s32 v6, v4  }
0x265: {  	s11 =	sadd.s32 s11, s8;
	vm0 =	vmand vm0, vm1  }
0x266: {  	s8 =	sshra.s32 s10, $0x2;
	[tilespmem:s11+$0x3780] =	vst.msk vm0, v5;
	v5 =	vmpcnt.ones.xlane vm0  }
0x267: {  	v4 =	vld [tilespmem:s8+$0x2F80]  }
0x268: {  	(v2sf) =	vpush v5, $0x0;
	_ =	sdelay $0x3  }
0x269: {  	v5 =	vshrl.u32 v4, $0x10;
	v6 =	vand.u32 $0xFFFF, v4;
	_ =	sdelay $0x1  }
.Ltmp5:
0x26a: {  	(pc) =	sbr.rel @p5 .LBB2_8-.Ltmp5, $3  }
0x26b: {  	_ =	sdelay $0x1  }
0x26c: {  	v5 =	vld.idx.msk [tilespmem:v5+s5+$0x0], $0xffff  }
0x26d: {  	v6 =	vld.idx.msk [tilespmem:v6+s5+$0x0], $0xffff  }
0x26e: {  	_ =	sdelay $0x3  }
0x26f: {  	vm0 =	vlt.u32 v5, $0x4;
	s9 =	spop (v2sf);
	vm1 =	vgt.s32 v6, v5  }
0x270: {  	s9 =	sadd.s32 s11, s9;
	vm0 =	vmand vm0, vm1  }
0x271: {  	[tilespmem:s9+$0x3780] =	vst.msk vm0, v4;
	v4 =	vmpcnt.ones.xlane vm0  }
0x272: {  	v5 =	vld [tilespmem:s8+$0x2F90]  }
0x273: {  	(v2sf) =	vpush v4, $0x0;
	_ =	sdelay $0x3  }
0x274: {  	v4 =	vshrl.u32 v5, $0x10  }
0x275: {  	v6 =	vand.u32 $0xFFFF, v5;
	_ =	sdelay $0x3  }
0x276: {  	v4 =	vld.idx.msk [tilespmem:v4+s5+$0x0], $0xffff  }
0x277: {  	v6 =	vld.idx.msk [tilespmem:v6+s5+$0x0], $0xffff;
	_ =	sdelay $0x4  }
0x278: {  	vm10 =	vlt.u32 v4, $0x4;
	vm11 =	vgt.s32 v6, v4;
	s10 =	spop (v2sf)  }
0x279: {  	vm0 =	vmand vm10, vm11;
	s9 =	sadd.s32 s9, s10  }
0x27a: {  	v4 =	vmpcnt.ones.xlane vm0;
	[tilespmem:s9+$0x3780] =	vst.msk vm0, v5  }
0x27b: {  	v5 =	vld [tilespmem:s8+$0x2FA0]  }
0x27c: {  	(v2sf) =	vpush v4, $0x0;
	_ =	sdelay $0x3  }
0x27d: {  	v4 =	vshrl.u32 v5, $0x10  }
0x27e: {  	v6 =	vand.u32 $0xFFFF, v5;
	_ =	sdelay $0x3  }
0x27f: {  	v4 =	vld.idx.msk [tilespmem:v4+s5+$0x0], $0xffff  }
0x280: {  	v6 =	vld.idx.msk [tilespmem:v6+s5+$0x0], $0xffff;
	_ =	sdelay $0x4  }
0x281: {  	vm12 =	vlt.u32 v4, $0x4;
	s11 =	spop (v2sf);
	vm13 =	vgt.s32 v6, v4  }
0x282: {  	s9 =	sadd.s32 s9, s11;
	vm0 =	vmand vm12, vm13  }
0x283: {  	[tilespmem:s9+$0x3780] =	vst.msk vm0, v5;
	v4 =	vmpcnt.ones.xlane vm0  }
0x284: {  	v5 =	vld [tilespmem:s8+$0x2FB0]  }
0x285: {  	(v2sf) =	vpush v4, $0x0;
	_ =	sdelay $0x3  }
0x286: {  	v4 =	vshrl.u32 v5, $0x10  }
0x287: {  	v6 =	vand.u32 $0xFFFF, v5;
	_ =	sdelay $0x3  }
0x288: {  	v4 =	vld.idx.msk [tilespmem:v4+s5+$0x0], $0xffff  }
0x289: {  	v6 =	vld.idx.msk [tilespmem:v6+s5+$0x0], $0xffff;
	_ =	sdelay $0x4  }
0x28a: {  	vm14 =	vlt.u32 v4, $0x4;
	vm15 =	vgt.s32 v6, v4;
	s12 =	spop (v2sf)  }
0x28b: {  	vm0 =	vmand vm14, vm15;
	s9 =	sadd.s32 s9, s12  }
0x28c: {  	[tilespmem:s9+$0x3780] =	vst.msk vm0, v5  }
0x28d: {  	v4 =	vld [tilespmem:s8+$0x2FC0];
	_ =	sdelay $0x4  }
0x28e: {  	v5 =	vshrl.u32 v4, $0x10  }
0x28f: {  	v6 =	vand.u32 $0xFFFF, v4;
	_ =	sdelay $0x3  }
0x290: {  	v5 =	vld.idx.msk [tilespmem:v5+s5+$0x0], $0xffff  }
0x291: {  	v6 =	vld.idx.msk [tilespmem:v6+s5+$0x0], $0xffff;
	_ =	sdelay $0x4  }
0x292: {  	v7 =	vmpcnt.ones.xlane vm0;
	vm4 =	vgt.s32 v6, v5;
	vm5 =	vlt.u32 v5, $0x4  }
0x293: {  	vm0 =	vmand vm5, vm4  }
0x294: {  	(v2sf) =	vpush v7, $0x0;
	v5 =	vmpcnt.ones.xlane vm0;
	_ =	sdelay $0x1  }
0x295: {  	(v2sf) =	vpush v5, $0x0;
	_ =	sdelay $0xc  }
0x296: {  	s14 =	spop (v2sf)  }
0x297: {  	s8 =	sadd.s32 s9, s14  }
0x298: {  	[tilespmem:s8+$0x3780] =	vst.msk vm0, v4;
	s15 =	spop (v2sf)  }
0x299: {  	_ =	swait.ge [sflag:s26], $0x7D0  }
0x29a: {  	[sflag:s26] =	ssyncset.done $0x0  }
0x29b: {  	s16 =	simm.s32 $0x0;
	[sflag:s26] =	ssyncadd.s32 $0xFFFFF830  }
0x29c: {  	v4 =	vld [tilespmem:s16+$0x2780];
	_ =	sdelay $0x4  }
0x29d: {  	v5 =	vshrl.u32 v4, $0x10  }
0x29e: {  	v6 =	vand.u32 $0xFFFF, v4;
	_ =	sdelay $0x3  }
0x29f: {  	v5 =	vld.idx.msk [tilespmem:v5+s5+$0x0], $0xffff  }
0x2a0: {  	v6 =	vld.idx.msk [tilespmem:v6+s5+$0x0], $0xffff;
	_ =	sdelay $0x4  }
0x2a1: {  	vm6 =	vlt.u32 v5, $0x4;
	vm7 =	vgt.s32 v6, v5  }
0x2a2: {  	s8 =	sadd.s32 s8, s15;
	vm0 =	vmand vm6, vm7  }
0x2a3: {  	[tilespmem:s8+$0x3780] =	vst.msk vm0, v4;
	v4 =	vmpcnt.ones.xlane vm0  }
0x2a4: {  	v5 =	vld [tilespmem:s16+$0x2790]  }
0x2a5: {  	(v2sf) =	vpush v4, $0x0;
	_ =	sdelay $0x3  }
0x2a6: {  	v4 =	vshrl.u32 v5, $0x10  }
0x2a7: {  	v6 =	vand.u32 $0xFFFF, v5;
	_ =	sdelay $0x3  }
0x2a8: {  	v4 =	vld.idx.msk [tilespmem:v4+s5+$0x0], $0xffff  }
0x2a9: {  	v6 =	vld.idx.msk [tilespmem:v6+s5+$0x0], $0xffff;
	_ =	sdelay $0x4  }
0x2aa: {  	vm8 =	vlt.u32 v4, $0x4;
	vm9 =	vgt.s32 v6, v4;
	s17 =	spop (v2sf)  }
0x2ab: {  	vm0 =	vmand vm8, vm9;
	s8 =	sadd.s32 s8, s17  }
0x2ac: {  	v4 =	vmpcnt.ones.xlane vm0;
	[tilespmem:s8+$0x3780] =	vst.msk vm0, v5  }
0x2ad: {  	v5 =	vld [tilespmem:s16+$0x27A0]  }
0x2ae: {  	(v2sf) =	vpush v4, $0x0;
	_ =	sdelay $0x3  }
0x2af: {  	v4 =	vshrl.u32 v5, $0x10  }
0x2b0: {  	v6 =	vand.u32 $0xFFFF, v5;
	_ =	sdelay $0x3  }
0x2b1: {  	v4 =	vld.idx.msk [tilespmem:v4+s5+$0x0], $0xffff  }
0x2b2: {  	v6 =	vld.idx.msk [tilespmem:v6+s5+$0x0], $0xffff;
	_ =	sdelay $0x4  }
0x2b3: {  	vm10 =	vlt.u32 v4, $0x4;
	s18 =	spop (v2sf);
	vm11 =	vgt.s32 v6, v4  }
0x2b4: {  	s8 =	sadd.s32 s8, s18;
	vm0 =	vmand vm10, vm11  }
0x2b5: {  	[tilespmem:s8+$0x3780] =	vst.msk vm0, v5;
	v4 =	vmpcnt.ones.xlane vm0  }
0x2b6: {  	v5 =	vld [tilespmem:s16+$0x27B0]  }
0x2b7: {  	(v2sf) =	vpush v4, $0x0;
	_ =	sdelay $0x3  }
0x2b8: {  	v4 =	vshrl.u32 v5, $0x10  }
0x2b9: {  	v6 =	vand.u32 $0xFFFF, v5;
	_ =	sdelay $0x3  }
0x2ba: {  	v4 =	vld.idx.msk [tilespmem:v4+s5+$0x0], $0xffff  }
0x2bb: {  	v6 =	vld.idx.msk [tilespmem:v6+s5+$0x0], $0xffff;
	_ =	sdelay $0x4  }
0x2bc: {  	vm12 =	vlt.u32 v4, $0x4;
	vm13 =	vgt.s32 v6, v4;
	s19 =	spop (v2sf)  }
0x2bd: {  	vm0 =	vmand vm12, vm13;
	s8 =	sadd.s32 s8, s19  }
0x2be: {  	v4 =	vmpcnt.ones.xlane vm0;
	[tilespmem:s8+$0x3780] =	vst.msk vm0, v5  }
0x2bf: {  	v5 =	vld [tilespmem:s16+$0x27C0]  }
0x2c0: {  	(v2sf) =	vpush v4, $0x0;
	_ =	sdelay $0x3  }
0x2c1: {  	v4 =	vshrl.u32 v5, $0x10  }
0x2c2: {  	v6 =	vand.u32 $0xFFFF, v5;
	_ =	sdelay $0x3  }
0x2c3: {  	v4 =	vld.idx.msk [tilespmem:v4+s5+$0x0], $0xffff  }
0x2c4: {  	v6 =	vld.idx.msk [tilespmem:v6+s5+$0x0], $0xffff;
	_ =	sdelay $0x4  }
0x2c5: {  	vm14 =	vlt.u32 v4, $0x4;
	s20 =	spop (v2sf);
	vm15 =	vgt.s32 v6, v4  }
0x2c6: {  	s11 =	sadd.s32 s8, s20;
	vm0 =	vmand vm14, vm15  }
0x2c7: {  	s8 =	simm.s32 $0x50;
	[tilespmem:s11+$0x3780] =	vst.msk vm0, v5;
	v7 =	vmpcnt.ones.xlane vm0  }
0x2c8: {  	v4 =	vld [tilespmem:s8+$0x2780]  }
0x2c9: {  	(v2sf) =	vpush v7, $0x0;
	_ =	sdelay $0x3  }
0x2ca: {  	v5 =	vshrl.u32 v4, $0x10  }
0x2cb: {  	v6 =	vand.u32 $0xFFFF, v4;
	_ =	sdelay $0x3  }
0x2cc: {  	v5 =	vld.idx.msk [tilespmem:v5+s5+$0x0], $0xffff  }
0x2cd: {  	s9 =	simm.s32 $0x280;
	v6 =	vld.idx.msk [tilespmem:v6+s5+$0x0], $0xffff  }
.LBB2_10:
0x2ce: {  	p5 =	sne.s32 s9, $0x1E00;
	s10 =	smov.u32 s9;
	s9 =	sadd.s32 $0x140, s9  }
0x2cf: {  	_ =	sdelay $0x2  }
0x2d0: {  	vm0 =	vlt.u32 v5, $0x4;
	s12 =	spop (v2sf)  }
0x2d1: {  	vm1 =	vgt.s32 v6, v5;
	s11 =	sadd.s32 s11, s12  }
0x2d2: {  	vm0 =	vmand vm0, vm1  }
0x2d3: {  	[tilespmem:s11+$0x3780] =	vst.msk vm0, v4;
	v4 =	vmpcnt.ones.xlane vm0  }
0x2d4: {  	v5 =	vld [tilespmem:s8+$0x2790]  }
0x2d5: {  	(v2sf) =	vpush v4, $0x0;
	_ =	sdelay $0x3  }
0x2d6: {  	v4 =	vshrl.u32 v5, $0x10;
	v6 =	vand.u32 $0xFFFF, v5;
	_ =	sdelay $0x4  }
0x2d7: {  	v4 =	vld.idx.msk [tilespmem:v4+s5+$0x0], $0xffff  }
0x2d8: {  	v6 =	vld.idx.msk [tilespmem:v6+s5+$0x0], $0xffff;
	_ =	sdelay $0x4  }
0x2d9: {  	vm0 =	vlt.u32 v4, $0x4;
	s12 =	spop (v2sf)  }
0x2da: {  	vm1 =	vgt.s32 v6, v4;
	s11 =	sadd.s32 s11, s12  }
0x2db: {  	vm0 =	vmand vm0, vm1  }
0x2dc: {  	v4 =	vmpcnt.ones.xlane vm0;
	[tilespmem:s11+$0x3780] =	vst.msk vm0, v5  }
0x2dd: {  	v5 =	vld [tilespmem:s8+$0x27A0]  }
0x2de: {  	(v2sf) =	vpush v4, $0x0;
	_ =	sdelay $0x3  }
0x2df: {  	v4 =	vshrl.u32 v5, $0x10;
	v6 =	vand.u32 $0xFFFF, v5;
	_ =	sdelay $0x4  }
0x2e0: {  	v4 =	vld.idx.msk [tilespmem:v4+s5+$0x0], $0xffff  }
0x2e1: {  	v6 =	vld.idx.msk [tilespmem:v6+s5+$0x0], $0xffff;
	_ =	sdelay $0x4  }
0x2e2: {  	vm0 =	vlt.u32 v4, $0x4;
	s12 =	spop (v2sf)  }
0x2e3: {  	vm1 =	vgt.s32 v6, v4;
	s11 =	sadd.s32 s11, s12  }
0x2e4: {  	vm0 =	vmand vm0, vm1  }
0x2e5: {  	v4 =	vmpcnt.ones.xlane vm0;
	[tilespmem:s11+$0x3780] =	vst.msk vm0, v5  }
0x2e6: {  	v5 =	vld [tilespmem:s8+$0x27B0]  }
0x2e7: {  	(v2sf) =	vpush v4, $0x0;
	_ =	sdelay $0x3  }
0x2e8: {  	v4 =	vshrl.u32 v5, $0x10;
	v6 =	vand.u32 $0xFFFF, v5;
	_ =	sdelay $0x4  }
0x2e9: {  	v4 =	vld.idx.msk [tilespmem:v4+s5+$0x0], $0xffff  }
0x2ea: {  	v6 =	vld.idx.msk [tilespmem:v6+s5+$0x0], $0xffff;
	_ =	sdelay $0x4  }
0x2eb: {  	vm0 =	vlt.u32 v4, $0x4;
	s12 =	spop (v2sf)  }
0x2ec: {  	vm1 =	vgt.s32 v6, v4;
	s11 =	sadd.s32 s11, s12  }
0x2ed: {  	vm0 =	vmand vm0, vm1  }
0x2ee: {  	v4 =	vmpcnt.ones.xlane vm0;
	[tilespmem:s11+$0x3780] =	vst.msk vm0, v5  }
0x2ef: {  	v5 =	vld [tilespmem:s8+$0x27C0]  }
0x2f0: {  	(v2sf) =	vpush v4, $0x0;
	_ =	sdelay $0x3  }
0x2f1: {  	v4 =	vshrl.u32 v5, $0x10;
	v6 =	vand.u32 $0xFFFF, v5;
	_ =	sdelay $0x4  }
0x2f2: {  	v4 =	vld.idx.msk [tilespmem:v4+s5+$0x0], $0xffff  }
0x2f3: {  	v6 =	vld.idx.msk [tilespmem:v6+s5+$0x0], $0xffff;
	_ =	sdelay $0x4  }
0x2f4: {  	vm0 =	vlt.u32 v4, $0x4;
	s8 =	spop (v2sf)  }
0x2f5: {  	vm1 =	vgt.s32 v6, v4  }
0x2f6: {  	s11 =	sadd.s32 s11, s8;
	vm0 =	vmand vm0, vm1  }
0x2f7: {  	s8 =	sshra.s32 s10, $0x2;
	[tilespmem:s11+$0x3780] =	vst.msk vm0, v5;
	v5 =	vmpcnt.ones.xlane vm0  }
0x2f8: {  	v4 =	vld [tilespmem:s8+$0x2780]  }
0x2f9: {  	(v2sf) =	vpush v5, $0x0;
	_ =	sdelay $0x3  }
0x2fa: {  	v5 =	vshrl.u32 v4, $0x10;
	v6 =	vand.u32 $0xFFFF, v4;
	_ =	sdelay $0x1  }
.Ltmp6:
0x2fb: {  	(pc) =	sbr.rel @p5 .LBB2_10-.Ltmp6, $3  }
0x2fc: {  	_ =	sdelay $0x1  }
0x2fd: {  	v5 =	vld.idx.msk [tilespmem:v5+s5+$0x0], $0xffff  }
0x2fe: {  	v6 =	vld.idx.msk [tilespmem:v6+s5+$0x0], $0xffff  }
0x2ff: {  	_ =	sdelay $0x3  }
0x300: {  	vm0 =	vlt.u32 v5, $0x4;
	s9 =	spop (v2sf);
	vm1 =	vgt.s32 v6, v5  }
0x301: {  	s9 =	sadd.s32 s11, s9;
	vm0 =	vmand vm0, vm1  }
0x302: {  	[tilespmem:s9+$0x3780] =	vst.msk vm0, v4;
	v4 =	vmpcnt.ones.xlane vm0  }
0x303: {  	v5 =	vld [tilespmem:s8+$0x2790]  }
0x304: {  	(v2sf) =	vpush v4, $0x0;
	_ =	sdelay $0x3  }
0x305: {  	v4 =	vshrl.u32 v5, $0x10  }
0x306: {  	v59 =	vand.u32 $0xFFFF, v5;
	_ =	sdelay $0x3  }
0x307: {  	v4 =	vld.idx.msk [tilespmem:v4+s5+$0x0], $0xffff  }
0x308: {  	v6 =	vld.idx.msk [tilespmem:v59+s5+$0x0], $0xffff;
	_ =	sdelay $0x4  }
0x309: {  	vm8 =	vlt.u32 v4, $0x4;
	vm9 =	vgt.s32 v6, v4;
	s10 =	spop (v2sf)  }
0x30a: {  	vm0 =	vmand vm8, vm9;
	s9 =	sadd.s32 s9, s10  }
0x30b: {  	v4 =	vmpcnt.ones.xlane vm0;
	[tilespmem:s9+$0x3780] =	vst.msk vm0, v5  }
0x30c: {  	v5 =	vld [tilespmem:s8+$0x27A0]  }
0x30d: {  	(v2sf) =	vpush v4, $0x0;
	_ =	sdelay $0x3  }
0x30e: {  	v4 =	vshrl.u32 v5, $0x10  }
0x30f: {  	v60 =	vand.u32 $0xFFFF, v5;
	_ =	sdelay $0x3  }
0x310: {  	v4 =	vld.idx.msk [tilespmem:v4+s5+$0x0], $0xffff  }
0x311: {  	v6 =	vld.idx.msk [tilespmem:v60+s5+$0x0], $0xffff;
	_ =	sdelay $0x4  }
0x312: {  	vm10 =	vlt.u32 v4, $0x4;
	s11 =	spop (v2sf);
	vm11 =	vgt.s32 v6, v4  }
0x313: {  	s9 =	sadd.s32 s9, s11;
	vm0 =	vmand vm10, vm11  }
0x314: {  	[tilespmem:s9+$0x3780] =	vst.msk vm0, v5;
	v4 =	vmpcnt.ones.xlane vm0  }
0x315: {  	v5 =	vld [tilespmem:s8+$0x27B0]  }
0x316: {  	(v2sf) =	vpush v4, $0x0;
	_ =	sdelay $0x3  }
0x317: {  	v4 =	vshrl.u32 v5, $0x10  }
0x318: {  	v61 =	vand.u32 $0xFFFF, v5;
	_ =	sdelay $0x3  }
0x319: {  	v4 =	vld.idx.msk [tilespmem:v4+s5+$0x0], $0xffff  }
0x31a: {  	v6 =	vld.idx.msk [tilespmem:v61+s5+$0x0], $0xffff;
	_ =	sdelay $0x4  }
0x31b: {  	vm12 =	vlt.u32 v4, $0x4;
	vm13 =	vgt.s32 v6, v4;
	s12 =	spop (v2sf)  }
0x31c: {  	vm0 =	vmand vm12, vm13;
	s9 =	sadd.s32 s9, s12  }
0x31d: {  	[tilespmem:s9+$0x3780] =	vst.msk vm0, v5  }
0x31e: {  	v4 =	vld [tilespmem:s8+$0x27C0];
	_ =	sdelay $0x4  }
0x31f: {  	v5 =	vshrl.u32 v4, $0x10  }
0x320: {  	v62 =	vand.u32 $0xFFFF, v4;
	_ =	sdelay $0x3  }
0x321: {  	v5 =	vld.idx.msk [tilespmem:v5+s5+$0x0], $0xffff  }
0x322: {  	v6 =	vld.idx.msk [tilespmem:v62+s5+$0x0], $0xffff;
	_ =	sdelay $0x4  }
0x323: {  	vm14 =	vgt.s32 v6, v5;
	vm2 =	vlt.u32 v5, $0x4  }
0x324: {  	v5 =	vmpcnt.ones.xlane vm0;
	vm15 =	vmand vm2, vm14  }
0x325: {  	v63 =	vmpcnt.ones.xlane vm15  }
0x326: {  	(v2sf) =	vpush v5, $0x0  }
0x327: {  	(v2sf) =	vpush v63, $0x0;
	_ =	sdelay $0xd  }
0x328: {  	s14 =	spop (v2sf)  }
0x329: {  	s8 =	sadd.s32 s9, s14;
	s15 =	spop (v2sf)  }
0x32a: {  	[tilespmem:s8+$0x3780] =	vst.msk vm15, v4;
	s8 =	sadd.s32 s8, s15  }
0x32b: {  	[tilespmem:s8+$0x3780] =	vst v0  }
0x32c: {  	[tilespmem:s8+$0x3790] =	vst v1  }
0x32d: {  	[tilespmem:s8+$0x37A0] =	vst v2  }
0x32e: {  	s9 =	simm.s32 @p1 $0x1;
	[tilespmem:s8+$0x37B0] =	vst v3  }
0x32f: {  	_ =	swait.ge @p1 [sflag:s9], $0x2800  }
0x330: {  	[sflag:s9] =	ssyncset.done @p1 $0x0  }
0x331: {  	[sflag:s9] =	ssyncadd.s32 @p1 $0xFFFFD800;
	s9 =	simm.s32 @p6 $0x1  }
0x332: {  	_ =	swait.ge @p6 [sflag:s9], $0x1900  }
0x333: {  	s8 =	sadd.s32 $0x3F, s8;
	[sflag:s9] =	ssyncset.done @p6 $0x0  }
0x334: {  	s16 =	sshra.s32 s8, $0x1F;
	s17 =	sand.u32 $0x3F, s8;
	[sflag:s9] =	ssyncadd.s32 @p6 $0xFFFFE700  }
0x335: {  	p2 =	slt.s32 s8, $0x1;
	s10 =	sshrl.u32 s16, $0x1A;
	_ =	swait.ge @p6 [sflag:s9], $0xF00  }
0x336: {  	p5 =	sne.s32 s17, $0x0;
	s10 =	sadd.s32 s10, s8;
	[sflag:s9] =	ssyncset.done @p6 $0x0  }
0x337: {  	p2 =	por !p2, !p5;
	[sflag:s9] =	ssyncadd.s32 @p6 $0xFFFFF100;
	s9 =	simm.s32 @!p0 $0x1  }
0x338: {  	s8 =	simm.s32 $0x1;
	p2 =	por !p2, !p2;
	_ =	swait.ge @!p0 [sflag:s9], $0x2800  }
0x339: {  	s10 =	sshra.s32 s10, $0x6;
	s8 =	simm.s32 @!p2 $0x0;
	[sflag:s9] =	ssyncset.done @!p0 $0x0  }
0x33a: {  	s8 =	ssub.s32 s10, s8;
	[sflag:s9] =	ssyncadd.s32 @!p0 $0xFFFFD800  }
0x33b: {  	p2 =	slt.s32 s8, $0x1;
	[bflag:$0x0] =	sbarrier.arrive $0xFFFF  }
0x33c: {  	v4 =	vld @!p2 [tilespmem:$0x3780];
	_ =	sdelay $0x1  }
0x33d: {  	v5 =	vld @!p2 [tilespmem:$0x3790];
	_ =	sdelay $0x1  }
0x33e: {  	v6 =	vld @!p2 [tilespmem:$0x37A0]  }
0x33f: {  	v7 =	vshrl.u32 @!p2 v4, $0x10  }
0x340: {  	v4 =	vand.u32 @!p2 $0xFFFF, v4;
	[tilespmem:$0x5F00] =	vst @!p2 v7;
	v7 =	vld @!p2 [tilespmem:$0x37B0]  }
0x341: {  	[tilespmem:$0x6000] =	vst @!p2 v4;
	v4 =	vshrl.u32 @!p2 v5, $0x10  }
0x342: {  	[tilespmem:$0x5F10] =	vst @!p2 v4;
	v4 =	vand.u32 @!p2 $0xFFFF, v5  }
0x343: {  	[tilespmem:$0x6010] =	vst @!p2 v4;
	v4 =	vshrl.u32 @!p2 v6, $0x10  }
0x344: {  	[tilespmem:$0x5F20] =	vst @!p2 v4;
	v4 =	vand.u32 @!p2 $0xFFFF, v6  }
0x345: {  	s18 =	sadd.s32 $0x1, s8;
	[tilespmem:$0x6020] =	vst @!p2 v4;
	v4 =	vshrl.u32 @!p2 v7, $0x10  }
0x346: {  	p5 =	slt.s32 s8, $0x0;
	s10 =	simm.s32 @!p2 $0x5F00;
	s19 =	sand.u32 $0x1, s18;
	[tilespmem:$0x5F30] =	vst @!p2 v4;
	v4 =	vand.u32 @!p2 $0xFFFF, v7  }
0x347: {  	s11 =	simm.s32 @!p2 $0x6100;
	p6 =	seq.s32 s19, $0x1;
	s9 =	simm.s32 @!p2 $0x40;
	[tilespmem:$0x6030] =	vst @!p2 v4  }
0x348: {  	[tilespmem:s11], [sflag:$0x5] =	stream.indirect.gather @!p2 [hbm4b:s1+s9], $0x80, s10, s9, $0xb8;
	[tilespmem:$0x1E100] =	vst v63  }
0x349: {  	s20 =	sshrl.u32 s18, $0x1F;
	p2 =	por !p5, !p6  }
0x34a: {  	s9 =	sadd.s32 s20, s18;
	s10 =	simm.s32 $0x1;
	p2 =	por !p2, !p2  }
0x34b: {  	s9 =	sshra.s32 s9, $0x1;
	s10 =	simm.s32 @!p2 $0x0  }
0x34c: {  	s10 =	ssub.s32 s9, s10  }
0x34d: {  	p2 =	slt.s32 s10, $0x1  }
.Ltmp7:
0x34e: {  	_ = 	snop;
	(pc) =	sbr.rel @p2 .LBB2_15-.Ltmp7, $1  }
0x34f: {  	_ =	sdelay $0x3  }
0x350: {  	s11 =	simm.s32 $0x3830;
	p6 =	sle.s32 s8, $0x1  }
0x351: {  	v4 =	vld @!p6 [tilespmem:s11+$0xFFFFFF90];
	_ =	sdelay $0x4  }
0x352: {  	v5 =	vshrl.u32 @!p6 v4, $0x10  }
0x353: {  	s9 =	simm.s32 $0x40;
	v4 =	vand.u32 @!p6 $0xFFFF, v4;
	[tilespmem:$0x5F80] =	vst @!p6 v5  }
0x354: {  	s12 =	sor.u32 @!p6 $0x50, s9;
	[tilespmem:$0x6080] =	vst @!p6 v4  }
0x355: {  	v4 =	vld @!p6 [tilespmem:s12+$0x3780];
	_ =	sdelay $0x4  }
0x356: {  	v5 =	vshrl.u32 @!p6 v4, $0x10  }
0x357: {  	v4 =	vand.u32 @!p6 $0xFFFF, v4;
	[tilespmem:$0x5F90] =	vst @!p6 v5  }
0x358: {  	s12 =	sor.u32 @!p6 $0x60, s9;
	[tilespmem:$0x6090] =	vst @!p6 v4  }
0x359: {  	v4 =	vld @!p6 [tilespmem:s12+$0x3780];
	_ =	sdelay $0x4  }
0x35a: {  	v5 =	vshrl.u32 @!p6 v4, $0x10  }
0x35b: {  	v4 =	vand.u32 @!p6 $0xFFFF, v4;
	[tilespmem:$0x5FA0] =	vst @!p6 v5  }
0x35c: {  	s12 =	sor.u32 @!p6 $0x70, s9;
	[tilespmem:$0x60A0] =	vst @!p6 v4  }
0x35d: {  	v4 =	vld @!p6 [tilespmem:s12+$0x3780];
	_ =	sdelay $0x4  }
0x35e: {  	v5 =	vshrl.u32 @!p6 v4, $0x10  }
0x35f: {  	v4 =	vand.u32 @!p6 $0xFFFF, v4;
	[tilespmem:$0x5FB0] =	vst @!p6 v5  }
0x360: {  	s13 =	simm.s32 @!p6 $0x40;
	s14 =	simm.s32 @!p6 $0x8100;
	s12 =	simm.s32 @!p6 $0x5F80;
	[tilespmem:$0x60B0] =	vst @!p6 v4  }
0x361: {  	[tilespmem:s14], [sflag:$0x6] =	stream.indirect.gather @!p6 [hbm4b:s1+s13], $0x80, s12, s13, $0xb8;
	[tilespmem:$0x1E100] =	vst v63  }
0x362: {  	_ =	swait.ge [sflag:s29], $0x2000  }
0x363: {  	[sflag:s29] =	ssyncset.done $0x0  }
0x364: {  	[sflag:s29] =	ssyncadd.s32 $0xFFFFE000  }
0x365: {  	[spmem:s4] =	stream.indirect.scatter.add.f32 [tilespmem:s3], [sflag:$0x8], $0x80, s31, s30, $0xb8;
	[tilespmem:$0x1E100] =	vst v63  }
0x366: {  	_ =	swait.ge [sflag:s2], $0x2000  }
0x367: {  	[sflag:s2] =	ssyncset.done $0x0  }
0x368: {  	p2 =	sle.s32 s8, $0x2;
	[sflag:s2] =	ssyncadd.s32 $0xFFFFE000  }
0x369: {  	v4 =	vld @!p2 [tilespmem:s11+$0xFFFFFFD0];
	_ =	sdelay $0x4  }
0x36a: {  	v5 =	vshrl.u32 @!p2 v4, $0x10  }
0x36b: {  	v4 =	vand.u32 @!p2 $0xFFFF, v4;
	[tilespmem:$0x5F00] =	vst @!p2 v5  }
0x36c: {  	[tilespmem:$0x6000] =	vst @!p2 v4  }
0x36d: {  	v4 =	vld @!p2 [tilespmem:s11+$0xFFFFFFE0];
	_ =	sdelay $0x4  }
0x36e: {  	v5 =	vshrl.u32 @!p2 v4, $0x10  }
0x36f: {  	v4 =	vand.u32 @!p2 $0xFFFF, v4;
	[tilespmem:$0x5F10] =	vst @!p2 v5  }
0x370: {  	[tilespmem:$0x6010] =	vst @!p2 v4  }
0x371: {  	v4 =	vld @!p2 [tilespmem:s11+$0xFFFFFFF0];
	_ =	sdelay $0x4  }
0x372: {  	v5 =	vshrl.u32 @!p2 v4, $0x10  }
0x373: {  	v4 =	vand.u32 @!p2 $0xFFFF, v4;
	[tilespmem:$0x5F20] =	vst @!p2 v5  }
0x374: {  	[tilespmem:$0x6020] =	vst @!p2 v4  }
0x375: {  	s10 =	sadd.s32 $0xFFFFFFFF, s10;
	v4 =	vld @!p2 [tilespmem:s11+$0x0]  }
0x376: {  	p5 =	sne.s32 s10, $0x0  }
.Ltmp8:
0x377: {  	_ = 	snop;
	(pc) =	sbr.rel @!p5 .LBB2_14-.Ltmp8, $4  }
0x378: {  	_ = 	snop  }
0x379: {  	s17 =	simm.s32 @!p2 $0x40;
	s19 =	simm.s32 @!p2 $0x5F00  }
0x37a: {  	s20 =	simm.s32 @!p2 $0x6100;
	s16 =	simm.s32 @!p6 $0x6;
	s18 =	simm.s32 @!p6 $0x6080;
	v5 =	vshrl.u32 @!p2 v4, $0x10  }
0x37b: {  	s15 =	simm.s32 @!p6 $0x7;
	s12 =	simm.s32 $0x38B0;
	s11 =	simm.s32 $0x2;
	v4 =	vand.u32 @!p2 $0xFFFF, v4;
	[tilespmem:$0x5F30] =	vst @!p2 v5  }
.LBB2_13:
0x37c: {  	s10 =	sadd.s32 $0xFFFFFFFF, s10;
	[tilespmem:$0x6030] =	vst @!p2 v4;
	s9 =	sadd.s32 $0x80, s9;
	s11 =	sadd.s32 $0x2, s11  }
0x37d: {  	[tilespmem:s20], [sflag:$0x5] =	stream.indirect.gather @!p2 [hbm4b:s1+s17], $0x80, s19, s17, $0xb8;
	[tilespmem:$0x1E100] =	vst v63  }
0x37e: {  	p5 =	sne.s32 s10, $0x0;
	_ =	swait.ge @!p6 [sflag:s16], $0x2000  }
0x37f: {  	[sflag:s16] =	ssyncset.done @!p6 $0x0  }
0x380: {  	[sflag:s16] =	ssyncadd.s32 @!p6 $0xFFFFE000  }
0x381: {  	[spmem:s4] =	stream.indirect.scatter.add.f32 @!p6 [tilespmem:s14], [sflag:$0x7], $0x80, s18, s13, $0xb8;
	[tilespmem:$0x1E100] =	vst v63  }
0x382: {  	_ =	swait.ge @!p6 [sflag:s15], $0x2000  }
0x383: {  	s13 =	sadd.s32 $0xFFFFFFFF, s11;
	[sflag:s15] =	ssyncset.done @!p6 $0x0  }
0x384: {  	[sflag:s15] =	ssyncadd.s32 @!p6 $0xFFFFE000;
	p6 =	sge.s32 s13, s8  }
0x385: {  	v4 =	vld @!p6 [tilespmem:s12+$0xFFFFFF90];
	_ =	sdelay $0x4  }
0x386: {  	v5 =	vshrl.u32 @!p6 v4, $0x10;
	v4 =	vand.u32 @!p6 $0xFFFF, v4  }
0x387: {  	s13 =	sor.u32 @!p6 $0x50, s9;
	[tilespmem:$0x5F80] =	vst @!p6 v5  }
0x388: {  	[tilespmem:$0x6080] =	vst @!p6 v4  }
0x389: {  	v4 =	vld @!p6 [tilespmem:s13+$0x3780];
	_ =	sdelay $0x4  }
0x38a: {  	s13 =	sor.u32 @!p6 $0x60, s9;
	v5 =	vshrl.u32 @!p6 v4, $0x10;
	v4 =	vand.u32 @!p6 $0xFFFF, v4  }
0x38b: {  	[tilespmem:$0x5F90] =	vst @!p6 v5  }
0x38c: {  	[tilespmem:$0x6090] =	vst @!p6 v4  }
0x38d: {  	v4 =	vld @!p6 [tilespmem:s13+$0x3780];
	_ =	sdelay $0x3  }
0x38e: {  	s13 =	sor.u32 @!p6 $0x70, s9  }
0x38f: {  	v5 =	vshrl.u32 @!p6 v4, $0x10;
	v4 =	vand.u32 @!p6 $0xFFFF, v4  }
0x390: {  	[tilespmem:$0x5FA0] =	vst @!p6 v5  }
0x391: {  	[tilespmem:$0x60A0] =	vst @!p6 v4  }
0x392: {  	v4 =	vld @!p6 [tilespmem:s13+$0x3780];
	_ =	sdelay $0x2  }
0x393: {  	s15 =	simm.s32 @!p6 $0x5F80;
	s14 =	simm.s32 @!p6 $0x8100;
	s13 =	simm.s32 @!p6 $0x40  }
0x394: {  	_ = 	snop  }
0x395: {  	v5 =	vshrl.u32 @!p6 v4, $0x10;
	v4 =	vand.u32 @!p6 $0xFFFF, v4  }
0x396: {  	[tilespmem:$0x5FB0] =	vst @!p6 v5  }
0x397: {  	[tilespmem:$0x60B0] =	vst @!p6 v4  }
0x398: {  	[tilespmem:s14], [sflag:$0x6] =	stream.indirect.gather @!p6 [hbm4b:s1+s13], $0x80, s15, s13, $0xb8;
	[tilespmem:$0x1E100] =	vst v63  }
0x399: {  	_ =	swait.ge [sflag:s29], $0x2000  }
0x39a: {  	[sflag:s29] =	ssyncset.done $0x0  }
0x39b: {  	[sflag:s29] =	ssyncadd.s32 $0xFFFFE000  }
0x39c: {  	[spmem:s4] =	stream.indirect.scatter.add.f32 [tilespmem:s3], [sflag:$0x8], $0x80, s31, s30, $0xb8;
	[tilespmem:$0x1E100] =	vst v63  }
0x39d: {  	_ =	swait.ge [sflag:s2], $0x2000  }
0x39e: {  	[sflag:s2] =	ssyncset.done $0x0  }
0x39f: {  	p2 =	sge.s32 s11, s8;
	[sflag:s2] =	ssyncadd.s32 $0xFFFFE000  }
0x3a0: {  	v4 =	vld @!p2 [tilespmem:s12+$0xFFFFFFD0];
	_ =	sdelay $0x4  }
0x3a1: {  	v5 =	vshrl.u32 @!p2 v4, $0x10;
	v4 =	vand.u32 @!p2 $0xFFFF, v4  }
0x3a2: {  	[tilespmem:$0x5F00] =	vst @!p2 v5  }
0x3a3: {  	[tilespmem:$0x6000] =	vst @!p2 v4  }
0x3a4: {  	v4 =	vld @!p2 [tilespmem:s12+$0xFFFFFFE0];
	_ =	sdelay $0x4  }
0x3a5: {  	v5 =	vshrl.u32 @!p2 v4, $0x10;
	v4 =	vand.u32 @!p2 $0xFFFF, v4  }
0x3a6: {  	[tilespmem:$0x5F10] =	vst @!p2 v5  }
0x3a7: {  	[tilespmem:$0x6010] =	vst @!p2 v4  }
0x3a8: {  	v4 =	vld @!p2 [tilespmem:s12+$0xFFFFFFF0];
	_ =	sdelay $0x4  }
0x3a9: {  	v5 =	vshrl.u32 @!p2 v4, $0x10;
	v4 =	vand.u32 @!p2 $0xFFFF, v4  }
0x3aa: {  	[tilespmem:$0x5F20] =	vst @!p2 v5  }
0x3ab: {  	s17 =	simm.s32 @!p2 $0x40;
	s19 =	simm.s32 @!p2 $0x5F00;
	s20 =	simm.s32 @!p2 $0x6100;
	[tilespmem:$0x6020] =	vst @!p2 v4  }
0x3ac: {  	s16 =	simm.s32 @!p6 $0x6;
	v4 =	vld @!p2 [tilespmem:s12+$0x0];
	_ =	sdelay $0x1  }
.Ltmp9:
0x3ad: {  	(pc) =	sbr.rel @p5 .LBB2_13-.Ltmp9, $4  }
0x3ae: {  	s18 =	simm.s32 @!p6 $0x6080  }
0x3af: {  	s15 =	simm.s32 @!p6 $0x7  }
0x3b0: {  	v5 =	vshrl.u32 @!p2 v4, $0x10;
	v4 =	vand.u32 @!p2 $0xFFFF, v4  }
0x3b1: {  	s12 =	sadd.s32 $0x80, s12;
	[tilespmem:$0x5F30] =	vst @!p2 v5  }
.Ltmp10:
0x3b2: {  	_ = 	snop;
	(pc) =	sbr.rel .LBB2_14-.Ltmp10, $1  }
0x3b3: {  	_ =	sdelay $0x3  }
.LBB2_16:
0x3b4: {  	_ =	sfence.sel $0x180000  }
0x3b5: {  	[bflag:$0x0] =	sbarrier.arrive $0xFFFF  }
0x3b6: {  	_ =	strace $0x90000047  }
0x3b7: {  	s0 =	stileid.u32;
	[bflag:$0x2] =	sbarrier.arrive $0xFFFF  }
0x3b8: {  	p0 =	sne.s32 s0, $0x0;
	s0 =	rddreg [dreg:$0x5]  }
0x3b9: {  	s0 =	sadd.s32 @!p0 $0x100000, s0  }
0x3ba: {  	[sflag:s0] =	ssyncadd.tile.s32 @!p0 $0x1;
	_ =	shalt  }
.Lfunc_end2:
_tile_overlayer_lowered:
.L_overlay_start_2:
0x3bb: {  	(tag) =	ssettag $0x2  }
0x3bc: {  	s0 =	rddreg [dreg:$0x0];
	s2 =	stileid.u32  }
0x3bd: {  	s1 =	rddreg [dreg:$0x1];
	p0 =	sne.s32 s2, $0x0  }
0x3be: {  	s3 =	rddreg [dreg:$0x2];
	[bflag:$0x3] =	sbarrier.arrive $0xFFFF;
	s2 =	simm.s32 @!p0 $0x1C07  }
0x3bf: {  	[timem:s3], [sflag:s2] =	dma.local @!p0 [hbm:s0], s1  }
0x3c0: {  	s0 =	simm.s32 @!p0 $0x7  }
0x3c1: {  	_ =	swait.ge @!p0 [sflag:s0], s1  }
0x3c2: {  	s1 =	ssub.s32 @!p0 $0x0, s1;
	[sflag:s0] =	ssyncset.done @!p0 $0x0  }
0x3c3: {  	[sflag:s0] =	ssyncadd.s32 @!p0 s1  }
0x3c4: {  	[bflag:$0x3] =	sbarrier.arrive $0xFFFF  }
0x3c5: {  	_ =	shalt  }

</sc_bundles>
